<compile_context>
chip_gen: v7x
topology: tpu7x:2x2x1
jax: 0.10.2.dev20260603
libtpu: 0.0.44.dev20260713+nightly
codegen_flags: <defaults>
</compile_context>

<pallas_src>
import functools

import jax
import jax.numpy as jnp
from jax import lax
from jax.experimental import pallas as pl
from jax.experimental.pallas import tpu as pltpu
from jax.experimental.pallas import tpu_sc as plsc

_VOCAB = 1000000
_D = 64
_BATCH = 16384
_HIST = 50
_TOTAL = _BATCH * _HIST

_NC = 2
_NS = 16
_NW = _NC * _NS
_B_PER_W = _TOTAL // _NW
_CHUNK = 256
_N_CHUNKS = _B_PER_W // _CHUNK
_NBUF = 4
_N_GROUPS = _N_CHUNKS // _NBUF
_GROUPS = _TOTAL // 256

_mesh = plsc.VectorSubcoreMesh(core_axis_name="c", subcore_axis_name="s")


@functools.partial(
    pl.kernel,
    mesh=_mesh,
    out_type=jax.ShapeDtypeStruct((_GROUPS, 128, 128), jnp.float32),
    scratch_types=[
        pltpu.VMEM((_B_PER_W,), jnp.int32),
        [pltpu.VMEM((_CHUNK, _D), jnp.float32)] * _NBUF,
        [pltpu.SemaphoreType.DMA] * _NBUF,
        [pltpu.SemaphoreType.DMA] * _NBUF,
    ],
    compiler_params=pltpu.CompilerParams(use_tc_tiling_on_sc=False),
)
def _gather_kernel(idx_hbm, table_hbm, out_hbm, idx_all, bufs, sgs, sos):
    wid = lax.axis_index("s") * _NC + lax.axis_index("c")
    base = wid * _B_PER_W
    g0 = wid * _N_CHUNKS

    pltpu.sync_copy(idx_hbm.at[pl.ds(base, _B_PER_W)], idx_all)

    def start_gather(i, b):
        pltpu.async_copy(
            table_hbm.at[idx_all.at[pl.ds(i * _CHUNK, _CHUNK)]], bufs[b],
            sgs[b])

    def wait_gather(i, b):
        pltpu.make_async_copy(
            table_hbm.at[idx_all.at[pl.ds(i * _CHUNK, _CHUNK)]], bufs[b],
            sgs[b]).wait()

    def start_store(i, b):
        for qq in range(2):
            pltpu.async_copy(
                bufs[b].at[pl.ds(128 * qq, 128)],
                out_hbm.at[g0 + i, :, pl.ds(_D * qq, _D)], sos[b])

    def wait_store(i, b):
        for qq in range(2):
            pltpu.make_async_copy(
                bufs[b].at[pl.ds(128 * qq, 128)],
                out_hbm.at[g0 + i, :, pl.ds(_D * qq, _D)], sos[b]).wait()

    for b in range(_NBUF):
        start_gather(b, b)

    def body(j, carry):
        for b in range(_NBUF):
            i = _NBUF * j + b
            wait_gather(i, b)
            start_store(i, b)
            ip = i - 1
            pb = (b - 1) % _NBUF

            @pl.when((ip >= 0) & (ip < _N_CHUNKS - _NBUF))
            def _():
                wait_store(ip, pb)
                start_gather(ip + _NBUF, pb)

        return carry

    lax.fori_loop(0, _N_GROUPS, body, 0)

    for b in range(_NBUF):
        wait_store(_N_CHUNKS - _NBUF + b, b)


def _tc_body(x_ref, o_ref):
    for mm in range(128):
        xx = x_ref[pl.ds(128 * mm, 128), :]
        t2 = jnp.transpose(xx)
        o_ref[mm // 64, :, 2 * (mm % 64):2 * (mm % 64) + 2, :, :] = jnp.transpose(
            t2.reshape(2, 8, 8, 128), (1, 0, 2, 3))


_tc_transpose = pl.pallas_call(
    _tc_body,
    grid=(_GROUPS // 128,),
    in_specs=[pl.BlockSpec((16384, 128), lambda t: (t, 0))],
    out_specs=pl.BlockSpec((2, 8, 128, 8, 128),
                           lambda t: (t, 0, 0, 0, 0)),
    out_shape=jax.ShapeDtypeStruct((_HIST, 8, _BATCH // 128, 8, 128),
                                   jnp.float32),
)


def kernel(x, weight):
    xtf = x.T.reshape(_TOTAL)
    g = _gather_kernel(xtf, weight)
    o5 = _tc_transpose(g.reshape(_GROUPS * 128, 128))
    return o5.transpose(2, 4, 0, 1, 3).reshape(_BATCH, _HIST, _D)

# --- scband reference (transcript-rebuilt; emitter-appended) ---
"""Pipeline reference for scband-embedder-44220983280081 (READ-ONLY COPY).

The authoritative reference and input builder live on the scoring server;
editing this copy changes nothing except your own understanding.
"""

import jax, jax.numpy as jnp
import numpy as np

VOCAB = 1000000
N_HIDDEN = 64
BATCH = 16384
HIST = 50

def setup_inputs(seed: int = 0) -> dict:
    key = jax.random.key(seed)
    k_idx, k_w = jax.random.split(key)
    x = jax.random.randint(k_idx, (BATCH, HIST), 0, VOCAB, dtype=jnp.int64 if jax.config.jax_enable_x64 else jnp.int32)
    weight = jax.random.normal(k_w, (VOCAB, N_HIDDEN), dtype=jnp.float32)
    return {"x": x, "weight": weight}

def reference(x, weight):
    # nn.Embedding forward: row gather from the embedding table
    return jnp.take(weight, x, axis=0)

if __name__ == "__main__":
    import jax
    _d = setup_inputs()
    print(jax.jit(kernel)(*tuple(_d.values())))

</pallas_src>

<mosaic_0001>
#map = affine_map<(d0, d1) -> (0)>
#map1 = affine_map<(d0, d1) -> (0, 0)>
#map2 = affine_map<(d0, d1) -> (0, 0, 0)>
module attributes {stable_mosaic.version = 14 : i64} {
  func.func @_gather_kernel(%arg0: i32, %arg1: i32, %arg2: memref<819200xi32, #tpu.memory_space<hbm>>, %arg3: memref<1000000x64xf32, #tpu.memory_space<hbm>>, %arg4: memref<3200x128x128xf32, #tpu.memory_space<hbm>>, %arg5: memref<25600xi32, #tpu.memory_space<vmem>>, %arg6: memref<256x64xf32, #tpu.memory_space<vmem>>, %arg7: memref<256x64xf32, #tpu.memory_space<vmem>>, %arg8: memref<256x64xf32, #tpu.memory_space<vmem>>, %arg9: memref<256x64xf32, #tpu.memory_space<vmem>>, %arg10: memref<!tpu.dma_semaphore, #tpu.memory_space<semaphore_mem>>, %arg11: memref<!tpu.dma_semaphore, #tpu.memory_space<semaphore_mem>>, %arg12: memref<!tpu.dma_semaphore, #tpu.memory_space<semaphore_mem>>, %arg13: memref<!tpu.dma_semaphore, #tpu.memory_space<semaphore_mem>>, %arg14: memref<!tpu.dma_semaphore, #tpu.memory_space<semaphore_mem>>, %arg15: memref<!tpu.dma_semaphore, #tpu.memory_space<semaphore_mem>>, %arg16: memref<!tpu.dma_semaphore, #tpu.memory_space<semaphore_mem>>, %arg17: memref<!tpu.dma_semaphore, #tpu.memory_space<semaphore_mem>>) attributes {dimension_semantics = [#tpu.dimension_semantics<core_parallel>, #tpu.dimension_semantics<subcore_parallel>], iteration_bounds = array<i64: 2, 16>, scalar_prefetch = 0 : i64, scratch_operands = 13 : i64, tpu.core_type = #tpu.core_type<sc_vector_subcore>, window_params = [{transform_indices = #map}, {transform_indices = #map1}, {transform_indices = #map2}]} {
    %mul3A = arith.constant 2 : i32
    %mul3A_0 = arith.muli %arg1, %mul3A : i32
    %add3A = arith.addi %mul3A_0, %arg0 : i32
    %mul3A_1 = arith.constant 25600 : i32
    %mul3A_2 = arith.muli %add3A, %mul3A_1 : i32
    %mul3A_3 = arith.constant 100 : i32
    %mul3A_4 = arith.muli %add3A, %mul3A_3 : i32
    "tpu.region"() ({
      %run_scoped3A = tpu.sem_alloc : memref<!tpu.dma_semaphore, #tpu.memory_space<semaphore_mem>>
      %dma_start3A_156 = tpu.memref_slice %arg2[%mul3A_2] : memref<819200xi32, #tpu.memory_space<hbm>> -> memref<25600xi32, #tpu.memory_space<hbm>>
      %dma_start3A_157 = tpu.memref_slice %arg2[%mul3A_2] : memref<819200xi32, #tpu.memory_space<hbm>> -> memref<25600xi32, #tpu.memory_space<hbm>>
      tpu.enqueue_dma source(%dma_start3A_157 : memref<25600xi32, #tpu.memory_space<hbm>>) target(%arg5 : memref<25600xi32, #tpu.memory_space<vmem>>) target_semaphore(%run_scoped3A : memref<!tpu.dma_semaphore, #tpu.memory_space<semaphore_mem>>)
      %dma_wait3A_158 = tpu.memref_slice %arg2[%mul3A_2] : memref<819200xi32, #tpu.memory_space<hbm>> -> memref<25600xi32, #tpu.memory_space<hbm>>
      %dma_wait3A_159 = tpu.memref_slice %arg2[%mul3A_2] : memref<819200xi32, #tpu.memory_space<hbm>> -> memref<25600xi32, #tpu.memory_space<hbm>>
      tpu.wait_dma2 semaphore(%run_scoped3A : memref<!tpu.dma_semaphore, #tpu.memory_space<semaphore_mem>>) src(%dma_wait3A_159 : memref<25600xi32, #tpu.memory_space<hbm>>) dst(%arg5 : memref<25600xi32, #tpu.memory_space<vmem>>)
      tpu.yield
    }) : () -> ()
    %dma_start3A = arith.constant 0 : i32
    %dma_start3A_5 = tpu.memref_slice %arg5[%dma_start3A] : memref<25600xi32, #tpu.memory_space<vmem>> -> memref<256xi32, #tpu.memory_space<vmem>>
    %dma_start3A_6 = arith.constant 0 : i32
    %dma_start3A_7 = arith.constant 0 : i32
    %dma_start3A_8 = tpu.memref_slice %arg3[%dma_start3A_6, %dma_start3A_7] : memref<1000000x64xf32, #tpu.memory_space<hbm>> -> memref<1000000x64xf32, #tpu.memory_space<hbm>>
    tpu.enqueue_indirect_dma source(%dma_start3A_8 : memref<1000000x64xf32, #tpu.memory_space<hbm>>) target(%arg6 : memref<256x64xf32, #tpu.memory_space<vmem>>) offsets(%dma_start3A_5 : memref<256xi32, #tpu.memory_space<vmem>>) semaphore(%arg10 : memref<!tpu.dma_semaphore, #tpu.memory_space<semaphore_mem>>)
    %dma_start3A_9 = arith.constant 256 : i32
    %dma_start3A_10 = tpu.memref_slice %arg5[%dma_start3A_9] : memref<25600xi32, #tpu.memory_space<vmem>> -> memref<256xi32, #tpu.memory_space<vmem>>
    %dma_start3A_11 = arith.constant 0 : i32
    %dma_start3A_12 = arith.constant 0 : i32
    %dma_start3A_13 = tpu.memref_slice %arg3[%dma_start3A_11, %dma_start3A_12] : memref<1000000x64xf32, #tpu.memory_space<hbm>> -> memref<1000000x64xf32, #tpu.memory_space<hbm>>
    tpu.enqueue_indirect_dma source(%dma_start3A_13 : memref<1000000x64xf32, #tpu.memory_space<hbm>>) target(%arg7 : memref<256x64xf32, #tpu.memory_space<vmem>>) offsets(%dma_start3A_10 : memref<256xi32, #tpu.memory_space<vmem>>) semaphore(%arg11 : memref<!tpu.dma_semaphore, #tpu.memory_space<semaphore_mem>>)
    %dma_start3A_14 = arith.constant 512 : i32
    %dma_start3A_15 = tpu.memref_slice %arg5[%dma_start3A_14] : memref<25600xi32, #tpu.memory_space<vmem>> -> memref<256xi32, #tpu.memory_space<vmem>>
    %dma_start3A_16 = arith.constant 0 : i32
    %dma_start3A_17 = arith.constant 0 : i32
    %dma_start3A_18 = tpu.memref_slice %arg3[%dma_start3A_16, %dma_start3A_17] : memref<1000000x64xf32, #tpu.memory_space<hbm>> -> memref<1000000x64xf32, #tpu.memory_space<hbm>>
    tpu.enqueue_indirect_dma source(%dma_start3A_18 : memref<1000000x64xf32, #tpu.memory_space<hbm>>) target(%arg8 : memref<256x64xf32, #tpu.memory_space<vmem>>) offsets(%dma_start3A_15 : memref<256xi32, #tpu.memory_space<vmem>>) semaphore(%arg12 : memref<!tpu.dma_semaphore, #tpu.memory_space<semaphore_mem>>)
    %dma_start3A_19 = arith.constant 768 : i32
    %dma_start3A_20 = tpu.memref_slice %arg5[%dma_start3A_19] : memref<25600xi32, #tpu.memory_space<vmem>> -> memref<256xi32, #tpu.memory_space<vmem>>
    %dma_start3A_21 = arith.constant 0 : i32
    %dma_start3A_22 = arith.constant 0 : i32
    %dma_start3A_23 = tpu.memref_slice %arg3[%dma_start3A_21, %dma_start3A_22] : memref<1000000x64xf32, #tpu.memory_space<hbm>> -> memref<1000000x64xf32, #tpu.memory_space<hbm>>
    tpu.enqueue_indirect_dma source(%dma_start3A_23 : memref<1000000x64xf32, #tpu.memory_space<hbm>>) target(%arg9 : memref<256x64xf32, #tpu.memory_space<vmem>>) offsets(%dma_start3A_20 : memref<256xi32, #tpu.memory_space<vmem>>) semaphore(%arg13 : memref<!tpu.dma_semaphore, #tpu.memory_space<semaphore_mem>>)
    %scan3A = arith.constant 0 : i32
    %scan3A_24 = arith.constant 0 : i32
    %scan3A_25 = arith.constant 25 : i32
    %scan3A_26 = arith.addi %scan3A_24, %scan3A_25 : i32
    %scan3A_27 = arith.constant 1 : i32
    scf.for %scan3A_156 = %scan3A_24 to %scan3A_26 step %scan3A_27  : i32 {
      %mul3A_157 = arith.constant 4 : i32
      %mul3A_158 = arith.muli %mul3A_157, %scan3A_156 : i32
      %add3A_159 = arith.constant 0 : i32
      %add3A_160 = arith.addi %mul3A_158, %add3A_159 : i32
      %mul3A_161 = arith.constant 256 : i32
      %mul3A_162 = arith.muli %add3A_160, %mul3A_161 : i32
      %dma_wait3A_163 = tpu.memref_slice %arg5[%mul3A_162] : memref<25600xi32, #tpu.memory_space<vmem>> -> memref<256xi32, #tpu.memory_space<vmem>>
      %dma_wait3A_164 = arith.constant 0 : i32
      %dma_wait3A_165 = arith.constant 0 : i32
      %dma_wait3A_166 = tpu.memref_slice %arg3[%dma_wait3A_164, %dma_wait3A_165] : memref<1000000x64xf32, #tpu.memory_space<hbm>> -> memref<1000000x64xf32, #tpu.memory_space<hbm>>
      tpu.wait_indirect_dma semaphore(%arg10 : memref<!tpu.dma_semaphore, #tpu.memory_space<semaphore_mem>>) src(%dma_wait3A_166 : memref<1000000x64xf32, #tpu.memory_space<hbm>>) dst(%arg6 : memref<256x64xf32, #tpu.memory_space<vmem>>)
      %add3A_167 = arith.addi %mul3A_4, %add3A_160 : i32
      %dma_start3A_168 = arith.constant 0 : i32
      %dma_start3A_169 = arith.constant 0 : i32
      %dma_start3A_170 = tpu.memref_slice %arg6[%dma_start3A_168, %dma_start3A_169] : memref<256x64xf32, #tpu.memory_space<vmem>> -> memref<128x64xf32, #tpu.memory_space<vmem>>
      %dma_start3A_171 = arith.constant 0 : i32
      %dma_start3A_172 = arith.constant 0 : i32
      %dma_start3A_173 = tpu.memref_slice %arg4[%add3A_167, %dma_start3A_171, %dma_start3A_172] : memref<3200x128x128xf32, #tpu.memory_space<hbm>> -> memref<1x128x64xf32, #tpu.memory_space<hbm>>
      %dma_start3A_174 = tpu.memref_squeeze %dma_start3A_173 : memref<1x128x64xf32, #tpu.memory_space<hbm>> -> memref<128x64xf32, #tpu.memory_space<hbm>>
      %dma_start3A_175 = arith.constant 0 : i32
      %dma_start3A_176 = arith.constant 0 : i32
      %dma_start3A_177 = tpu.memref_slice %arg4[%add3A_167, %dma_start3A_175, %dma_start3A_176] : memref<3200x128x128xf32, #tpu.memory_space<hbm>> -> memref<1x128x64xf32, #tpu.memory_space<hbm>>
      %dma_start3A_178 = tpu.memref_squeeze %dma_start3A_177 : memref<1x128x64xf32, #tpu.memory_space<hbm>> -> memref<128x64xf32, #tpu.memory_space<hbm>>
      %dma_start3A_179 = arith.constant 0 : i32
      %dma_start3A_180 = arith.constant 0 : i32
      %dma_start3A_181 = tpu.memref_slice %arg6[%dma_start3A_179, %dma_start3A_180] : memref<256x64xf32, #tpu.memory_space<vmem>> -> memref<128x64xf32, #tpu.memory_space<vmem>>
      tpu.enqueue_dma source(%dma_start3A_181 : memref<128x64xf32, #tpu.memory_space<vmem>>) target(%dma_start3A_178 : memref<128x64xf32, #tpu.memory_space<hbm>>) target_semaphore(%arg14 : memref<!tpu.dma_semaphore, #tpu.memory_space<semaphore_mem>>)
      %add3A_182 = arith.addi %mul3A_4, %add3A_160 : i32
      %dma_start3A_183 = arith.constant 128 : i32
      %dma_start3A_184 = arith.constant 0 : i32
      %dma_start3A_185 = tpu.memref_slice %arg6[%dma_start3A_183, %dma_start3A_184] : memref<256x64xf32, #tpu.memory_space<vmem>> -> memref<128x64xf32, #tpu.memory_space<vmem>>
      %dma_start3A_186 = arith.constant 0 : i32
      %dma_start3A_187 = arith.constant 64 : i32
      %dma_start3A_188 = tpu.memref_slice %arg4[%add3A_182, %dma_start3A_186, %dma_start3A_187] : memref<3200x128x128xf32, #tpu.memory_space<hbm>> -> memref<1x128x64xf32, #tpu.memory_space<hbm>>
      %dma_start3A_189 = tpu.memref_squeeze %dma_start3A_188 : memref<1x128x64xf32, #tpu.memory_space<hbm>> -> memref<128x64xf32, #tpu.memory_space<hbm>>
      %dma_start3A_190 = arith.constant 0 : i32
      %dma_start3A_191 = arith.constant 64 : i32
      %dma_start3A_192 = tpu.memref_slice %arg4[%add3A_182, %dma_start3A_190, %dma_start3A_191] : memref<3200x128x128xf32, #tpu.memory_space<hbm>> -> memref<1x128x64xf32, #tpu.memory_space<hbm>>
      %dma_start3A_193 = tpu.memref_squeeze %dma_start3A_192 : memref<1x128x64xf32, #tpu.memory_space<hbm>> -> memref<128x64xf32, #tpu.memory_space<hbm>>
      %dma_start3A_194 = arith.constant 128 : i32
      %dma_start3A_195 = arith.constant 0 : i32
      %dma_start3A_196 = tpu.memref_slice %arg6[%dma_start3A_194, %dma_start3A_195] : memref<256x64xf32, #tpu.memory_space<vmem>> -> memref<128x64xf32, #tpu.memory_space<vmem>>
      tpu.enqueue_dma source(%dma_start3A_196 : memref<128x64xf32, #tpu.memory_space<vmem>>) target(%dma_start3A_193 : memref<128x64xf32, #tpu.memory_space<hbm>>) target_semaphore(%arg14 : memref<!tpu.dma_semaphore, #tpu.memory_space<semaphore_mem>>)
      %sub3A = arith.constant 1 : i32
      %sub3A_197 = arith.subi %add3A_160, %sub3A : i32
      %ge3A = arith.constant 0 : i32
      %ge3A_198 = arith.cmpi sge, %sub3A_197, %ge3A : i32
      %lt3A = arith.constant 96 : i32
      %lt3A_199 = arith.cmpi slt, %sub3A_197, %lt3A : i32
      %and3A = arith.andi %ge3A_198, %lt3A_199 : i1
      %convert_element_type3A = arith.extui %and3A : i1 to i32
      %cond3A = arith.constant 0 : i32
      %cond3A_200 = arith.cmpi ne, %convert_element_type3A, %cond3A : i32
      scf.if %cond3A_200 {
        %add3A_351 = arith.addi %mul3A_4, %sub3A_197 : i32
        %dma_wait3A_352 = arith.constant 0 : i32
        %dma_wait3A_353 = arith.constant 0 : i32
        %dma_wait3A_354 = tpu.memref_slice %arg9[%dma_wait3A_352, %dma_wait3A_353] : memref<256x64xf32, #tpu.memory_space<vmem>> -> memref<128x64xf32, #tpu.memory_space<vmem>>
        %dma_wait3A_355 = arith.constant 0 : i32
        %dma_wait3A_356 = arith.constant 0 : i32
        %dma_wait3A_357 = tpu.memref_slice %arg4[%add3A_351, %dma_wait3A_355, %dma_wait3A_356] : memref<3200x128x128xf32, #tpu.memory_space<hbm>> -> memref<1x128x64xf32, #tpu.memory_space<hbm>>
        %dma_wait3A_358 = tpu.memref_squeeze %dma_wait3A_357 : memref<1x128x64xf32, #tpu.memory_space<hbm>> -> memref<128x64xf32, #tpu.memory_space<hbm>>
        %dma_wait3A_359 = arith.constant 0 : i32
        %dma_wait3A_360 = arith.constant 0 : i32
        %dma_wait3A_361 = tpu.memref_slice %arg4[%add3A_351, %dma_wait3A_359, %dma_wait3A_360] : memref<3200x128x128xf32, #tpu.memory_space<hbm>> -> memref<1x128x64xf32, #tpu.memory_space<hbm>>
        %dma_wait3A_362 = tpu.memref_squeeze %dma_wait3A_361 : memref<1x128x64xf32, #tpu.memory_space<hbm>> -> memref<128x64xf32, #tpu.memory_space<hbm>>
        %dma_wait3A_363 = arith.constant 0 : i32
        %dma_wait3A_364 = arith.constant 0 : i32
        %dma_wait3A_365 = tpu.memref_slice %arg9[%dma_wait3A_363, %dma_wait3A_364] : memref<256x64xf32, #tpu.memory_space<vmem>> -> memref<128x64xf32, #tpu.memory_space<vmem>>
        tpu.wait_dma2 semaphore(%arg17 : memref<!tpu.dma_semaphore, #tpu.memory_space<semaphore_mem>>) src(%dma_wait3A_365 : memref<128x64xf32, #tpu.memory_space<vmem>>) dst(%dma_wait3A_362 : memref<128x64xf32, #tpu.memory_space<hbm>>)
        %add3A_366 = arith.addi %mul3A_4, %sub3A_197 : i32
        %dma_wait3A_367 = arith.constant 128 : i32
        %dma_wait3A_368 = arith.constant 0 : i32
        %dma_wait3A_369 = tpu.memref_slice %arg9[%dma_wait3A_367, %dma_wait3A_368] : memref<256x64xf32, #tpu.memory_space<vmem>> -> memref<128x64xf32, #tpu.memory_space<vmem>>
        %dma_wait3A_370 = arith.constant 0 : i32
        %dma_wait3A_371 = arith.constant 64 : i32
        %dma_wait3A_372 = tpu.memref_slice %arg4[%add3A_366, %dma_wait3A_370, %dma_wait3A_371] : memref<3200x128x128xf32, #tpu.memory_space<hbm>> -> memref<1x128x64xf32, #tpu.memory_space<hbm>>
        %dma_wait3A_373 = tpu.memref_squeeze %dma_wait3A_372 : memref<1x128x64xf32, #tpu.memory_space<hbm>> -> memref<128x64xf32, #tpu.memory_space<hbm>>
        %dma_wait3A_374 = arith.constant 0 : i32
        %dma_wait3A_375 = arith.constant 64 : i32
        %dma_wait3A_376 = tpu.memref_slice %arg4[%add3A_366, %dma_wait3A_374, %dma_wait3A_375] : memref<3200x128x128xf32, #tpu.memory_space<hbm>> -> memref<1x128x64xf32, #tpu.memory_space<hbm>>
        %dma_wait3A_377 = tpu.memref_squeeze %dma_wait3A_376 : memref<1x128x64xf32, #tpu.memory_space<hbm>> -> memref<128x64xf32, #tpu.memory_space<hbm>>
        %dma_wait3A_378 = arith.constant 128 : i32
        %dma_wait3A_379 = arith.constant 0 : i32
        %dma_wait3A_380 = tpu.memref_slice %arg9[%dma_wait3A_378, %dma_wait3A_379] : memref<256x64xf32, #tpu.memory_space<vmem>> -> memref<128x64xf32, #tpu.memory_space<vmem>>
        tpu.wait_dma2 semaphore(%arg17 : memref<!tpu.dma_semaphore, #tpu.memory_space<semaphore_mem>>) src(%dma_wait3A_380 : memref<128x64xf32, #tpu.memory_space<vmem>>) dst(%dma_wait3A_377 : memref<128x64xf32, #tpu.memory_space<hbm>>)
        %add3A_381 = arith.constant 4 : i32
        %add3A_382 = arith.addi %sub3A_197, %add3A_381 : i32
        %mul3A_383 = arith.constant 256 : i32
        %mul3A_384 = arith.muli %add3A_382, %mul3A_383 : i32
        %dma_start3A_385 = tpu.memref_slice %arg5[%mul3A_384] : memref<25600xi32, #tpu.memory_space<vmem>> -> memref<256xi32, #tpu.memory_space<vmem>>
        %dma_start3A_386 = arith.constant 0 : i32
        %dma_start3A_387 = arith.constant 0 : i32
        %dma_start3A_388 = tpu.memref_slice %arg3[%dma_start3A_386, %dma_start3A_387] : memref<1000000x64xf32, #tpu.memory_space<hbm>> -> memref<1000000x64xf32, #tpu.memory_space<hbm>>
        tpu.enqueue_indirect_dma source(%dma_start3A_388 : memref<1000000x64xf32, #tpu.memory_space<hbm>>) target(%arg9 : memref<256x64xf32, #tpu.memory_space<vmem>>) offsets(%dma_start3A_385 : memref<256xi32, #tpu.memory_space<vmem>>) semaphore(%arg13 : memref<!tpu.dma_semaphore, #tpu.memory_space<semaphore_mem>>)
      } else {
      }
      %mul3A_201 = arith.constant 4 : i32
      %mul3A_202 = arith.muli %mul3A_201, %scan3A_156 : i32
      %add3A_203 = arith.constant 1 : i32
      %add3A_204 = arith.addi %mul3A_202, %add3A_203 : i32
      %mul3A_205 = arith.constant 256 : i32
      %mul3A_206 = arith.muli %add3A_204, %mul3A_205 : i32
      %dma_wait3A_207 = tpu.memref_slice %arg5[%mul3A_206] : memref<25600xi32, #tpu.memory_space<vmem>> -> memref<256xi32, #tpu.memory_space<vmem>>
      %dma_wait3A_208 = arith.constant 0 : i32
      %dma_wait3A_209 = arith.constant 0 : i32
      %dma_wait3A_210 = tpu.memref_slice %arg3[%dma_wait3A_208, %dma_wait3A_209] : memref<1000000x64xf32, #tpu.memory_space<hbm>> -> memref<1000000x64xf32, #tpu.memory_space<hbm>>
      tpu.wait_indirect_dma semaphore(%arg11 : memref<!tpu.dma_semaphore, #tpu.memory_space<semaphore_mem>>) src(%dma_wait3A_210 : memref<1000000x64xf32, #tpu.memory_space<hbm>>) dst(%arg7 : memref<256x64xf32, #tpu.memory_space<vmem>>)
      %add3A_211 = arith.addi %mul3A_4, %add3A_204 : i32
      %dma_start3A_212 = arith.constant 0 : i32
      %dma_start3A_213 = arith.constant 0 : i32
      %dma_start3A_214 = tpu.memref_slice %arg7[%dma_start3A_212, %dma_start3A_213] : memref<256x64xf32, #tpu.memory_space<vmem>> -> memref<128x64xf32, #tpu.memory_space<vmem>>
      %dma_start3A_215 = arith.constant 0 : i32
      %dma_start3A_216 = arith.constant 0 : i32
      %dma_start3A_217 = tpu.memref_slice %arg4[%add3A_211, %dma_start3A_215, %dma_start3A_216] : memref<3200x128x128xf32, #tpu.memory_space<hbm>> -> memref<1x128x64xf32, #tpu.memory_space<hbm>>
      %dma_start3A_218 = tpu.memref_squeeze %dma_start3A_217 : memref<1x128x64xf32, #tpu.memory_space<hbm>> -> memref<128x64xf32, #tpu.memory_space<hbm>>
      %dma_start3A_219 = arith.constant 0 : i32
      %dma_start3A_220 = arith.constant 0 : i32
      %dma_start3A_221 = tpu.memref_slice %arg4[%add3A_211, %dma_start3A_219, %dma_start3A_220] : memref<3200x128x128xf32, #tpu.memory_space<hbm>> -> memref<1x128x64xf32, #tpu.memory_space<hbm>>
      %dma_start3A_222 = tpu.memref_squeeze %dma_start3A_221 : memref<1x128x64xf32, #tpu.memory_space<hbm>> -> memref<128x64xf32, #tpu.memory_space<hbm>>
      %dma_start3A_223 = arith.constant 0 : i32
      %dma_start3A_224 = arith.constant 0 : i32
      %dma_start3A_225 = tpu.memref_slice %arg7[%dma_start3A_223, %dma_start3A_224] : memref<256x64xf32, #tpu.memory_space<vmem>> -> memref<128x64xf32, #tpu.memory_space<vmem>>
      tpu.enqueue_dma source(%dma_start3A_225 : memref<128x64xf32, #tpu.memory_space<vmem>>) target(%dma_start3A_222 : memref<128x64xf32, #tpu.memory_space<hbm>>) target_semaphore(%arg15 : memref<!tpu.dma_semaphore, #tpu.memory_space<semaphore_mem>>)
      %add3A_226 = arith.addi %mul3A_4, %add3A_204 : i32
      %dma_start3A_227 = arith.constant 128 : i32
      %dma_start3A_228 = arith.constant 0 : i32
      %dma_start3A_229 = tpu.memref_slice %arg7[%dma_start3A_227, %dma_start3A_228] : memref<256x64xf32, #tpu.memory_space<vmem>> -> memref<128x64xf32, #tpu.memory_space<vmem>>
      %dma_start3A_230 = arith.constant 0 : i32
      %dma_start3A_231 = arith.constant 64 : i32
      %dma_start3A_232 = tpu.memref_slice %arg4[%add3A_226, %dma_start3A_230, %dma_start3A_231] : memref<3200x128x128xf32, #tpu.memory_space<hbm>> -> memref<1x128x64xf32, #tpu.memory_space<hbm>>
      %dma_start3A_233 = tpu.memref_squeeze %dma_start3A_232 : memref<1x128x64xf32, #tpu.memory_space<hbm>> -> memref<128x64xf32, #tpu.memory_space<hbm>>
      %dma_start3A_234 = arith.constant 0 : i32
      %dma_start3A_235 = arith.constant 64 : i32
      %dma_start3A_236 = tpu.memref_slice %arg4[%add3A_226, %dma_start3A_234, %dma_start3A_235] : memref<3200x128x128xf32, #tpu.memory_space<hbm>> -> memref<1x128x64xf32, #tpu.memory_space<hbm>>
      %dma_start3A_237 = tpu.memref_squeeze %dma_start3A_236 : memref<1x128x64xf32, #tpu.memory_space<hbm>> -> memref<128x64xf32, #tpu.memory_space<hbm>>
      %dma_start3A_238 = arith.constant 128 : i32
      %dma_start3A_239 = arith.constant 0 : i32
      %dma_start3A_240 = tpu.memref_slice %arg7[%dma_start3A_238, %dma_start3A_239] : memref<256x64xf32, #tpu.memory_space<vmem>> -> memref<128x64xf32, #tpu.memory_space<vmem>>
      tpu.enqueue_dma source(%dma_start3A_240 : memref<128x64xf32, #tpu.memory_space<vmem>>) target(%dma_start3A_237 : memref<128x64xf32, #tpu.memory_space<hbm>>) target_semaphore(%arg15 : memref<!tpu.dma_semaphore, #tpu.memory_space<semaphore_mem>>)
      %sub3A_241 = arith.constant 1 : i32
      %sub3A_242 = arith.subi %add3A_204, %sub3A_241 : i32
      %ge3A_243 = arith.constant 0 : i32
      %ge3A_244 = arith.cmpi sge, %sub3A_242, %ge3A_243 : i32
      %lt3A_245 = arith.constant 96 : i32
      %lt3A_246 = arith.cmpi slt, %sub3A_242, %lt3A_245 : i32
      %and3A_247 = arith.andi %ge3A_244, %lt3A_246 : i1
      %convert_element_type3A_248 = arith.extui %and3A_247 : i1 to i32
      %cond3A_249 = arith.constant 0 : i32
      %cond3A_250 = arith.cmpi ne, %convert_element_type3A_248, %cond3A_249 : i32
      scf.if %cond3A_250 {
        %add3A_351 = arith.addi %mul3A_4, %sub3A_242 : i32
        %dma_wait3A_352 = arith.constant 0 : i32
        %dma_wait3A_353 = arith.constant 0 : i32
        %dma_wait3A_354 = tpu.memref_slice %arg6[%dma_wait3A_352, %dma_wait3A_353] : memref<256x64xf32, #tpu.memory_space<vmem>> -> memref<128x64xf32, #tpu.memory_space<vmem>>
        %dma_wait3A_355 = arith.constant 0 : i32
        %dma_wait3A_356 = arith.constant 0 : i32
        %dma_wait3A_357 = tpu.memref_slice %arg4[%add3A_351, %dma_wait3A_355, %dma_wait3A_356] : memref<3200x128x128xf32, #tpu.memory_space<hbm>> -> memref<1x128x64xf32, #tpu.memory_space<hbm>>
        %dma_wait3A_358 = tpu.memref_squeeze %dma_wait3A_357 : memref<1x128x64xf32, #tpu.memory_space<hbm>> -> memref<128x64xf32, #tpu.memory_space<hbm>>
        %dma_wait3A_359 = arith.constant 0 : i32
        %dma_wait3A_360 = arith.constant 0 : i32
        %dma_wait3A_361 = tpu.memref_slice %arg4[%add3A_351, %dma_wait3A_359, %dma_wait3A_360] : memref<3200x128x128xf32, #tpu.memory_space<hbm>> -> memref<1x128x64xf32, #tpu.memory_space<hbm>>
        %dma_wait3A_362 = tpu.memref_squeeze %dma_wait3A_361 : memref<1x128x64xf32, #tpu.memory_space<hbm>> -> memref<128x64xf32, #tpu.memory_space<hbm>>
        %dma_wait3A_363 = arith.constant 0 : i32
        %dma_wait3A_364 = arith.constant 0 : i32
        %dma_wait3A_365 = tpu.memref_slice %arg6[%dma_wait3A_363, %dma_wait3A_364] : memref<256x64xf32, #tpu.memory_space<vmem>> -> memref<128x64xf32, #tpu.memory_space<vmem>>
        tpu.wait_dma2 semaphore(%arg14 : memref<!tpu.dma_semaphore, #tpu.memory_space<semaphore_mem>>) src(%dma_wait3A_365 : memref<128x64xf32, #tpu.memory_space<vmem>>) dst(%dma_wait3A_362 : memref<128x64xf32, #tpu.memory_space<hbm>>)
        %add3A_366 = arith.addi %mul3A_4, %sub3A_242 : i32
        %dma_wait3A_367 = arith.constant 128 : i32
        %dma_wait3A_368 = arith.constant 0 : i32
        %dma_wait3A_369 = tpu.memref_slice %arg6[%dma_wait3A_367, %dma_wait3A_368] : memref<256x64xf32, #tpu.memory_space<vmem>> -> memref<128x64xf32, #tpu.memory_space<vmem>>
        %dma_wait3A_370 = arith.constant 0 : i32
        %dma_wait3A_371 = arith.constant 64 : i32
        %dma_wait3A_372 = tpu.memref_slice %arg4[%add3A_366, %dma_wait3A_370, %dma_wait3A_371] : memref<3200x128x128xf32, #tpu.memory_space<hbm>> -> memref<1x128x64xf32, #tpu.memory_space<hbm>>
        %dma_wait3A_373 = tpu.memref_squeeze %dma_wait3A_372 : memref<1x128x64xf32, #tpu.memory_space<hbm>> -> memref<128x64xf32, #tpu.memory_space<hbm>>
        %dma_wait3A_374 = arith.constant 0 : i32
        %dma_wait3A_375 = arith.constant 64 : i32
        %dma_wait3A_376 = tpu.memref_slice %arg4[%add3A_366, %dma_wait3A_374, %dma_wait3A_375] : memref<3200x128x128xf32, #tpu.memory_space<hbm>> -> memref<1x128x64xf32, #tpu.memory_space<hbm>>
        %dma_wait3A_377 = tpu.memref_squeeze %dma_wait3A_376 : memref<1x128x64xf32, #tpu.memory_space<hbm>> -> memref<128x64xf32, #tpu.memory_space<hbm>>
        %dma_wait3A_378 = arith.constant 128 : i32
        %dma_wait3A_379 = arith.constant 0 : i32
        %dma_wait3A_380 = tpu.memref_slice %arg6[%dma_wait3A_378, %dma_wait3A_379] : memref<256x64xf32, #tpu.memory_space<vmem>> -> memref<128x64xf32, #tpu.memory_space<vmem>>
        tpu.wait_dma2 semaphore(%arg14 : memref<!tpu.dma_semaphore, #tpu.memory_space<semaphore_mem>>) src(%dma_wait3A_380 : memref<128x64xf32, #tpu.memory_space<vmem>>) dst(%dma_wait3A_377 : memref<128x64xf32, #tpu.memory_space<hbm>>)
        %add3A_381 = arith.constant 4 : i32
        %add3A_382 = arith.addi %sub3A_242, %add3A_381 : i32
        %mul3A_383 = arith.constant 256 : i32
        %mul3A_384 = arith.muli %add3A_382, %mul3A_383 : i32
        %dma_start3A_385 = tpu.memref_slice %arg5[%mul3A_384] : memref<25600xi32, #tpu.memory_space<vmem>> -> memref<256xi32, #tpu.memory_space<vmem>>
        %dma_start3A_386 = arith.constant 0 : i32
        %dma_start3A_387 = arith.constant 0 : i32
        %dma_start3A_388 = tpu.memref_slice %arg3[%dma_start3A_386, %dma_start3A_387] : memref<1000000x64xf32, #tpu.memory_space<hbm>> -> memref<1000000x64xf32, #tpu.memory_space<hbm>>
        tpu.enqueue_indirect_dma source(%dma_start3A_388 : memref<1000000x64xf32, #tpu.memory_space<hbm>>) target(%arg6 : memref<256x64xf32, #tpu.memory_space<vmem>>) offsets(%dma_start3A_385 : memref<256xi32, #tpu.memory_space<vmem>>) semaphore(%arg10 : memref<!tpu.dma_semaphore, #tpu.memory_space<semaphore_mem>>)
      } else {
      }
      %mul3A_251 = arith.constant 4 : i32
      %mul3A_252 = arith.muli %mul3A_251, %scan3A_156 : i32
      %add3A_253 = arith.constant 2 : i32
      %add3A_254 = arith.addi %mul3A_252, %add3A_253 : i32
      %mul3A_255 = arith.constant 256 : i32
      %mul3A_256 = arith.muli %add3A_254, %mul3A_255 : i32
      %dma_wait3A_257 = tpu.memref_slice %arg5[%mul3A_256] : memref<25600xi32, #tpu.memory_space<vmem>> -> memref<256xi32, #tpu.memory_space<vmem>>
      %dma_wait3A_258 = arith.constant 0 : i32
      %dma_wait3A_259 = arith.constant 0 : i32
      %dma_wait3A_260 = tpu.memref_slice %arg3[%dma_wait3A_258, %dma_wait3A_259] : memref<1000000x64xf32, #tpu.memory_space<hbm>> -> memref<1000000x64xf32, #tpu.memory_space<hbm>>
      tpu.wait_indirect_dma semaphore(%arg12 : memref<!tpu.dma_semaphore, #tpu.memory_space<semaphore_mem>>) src(%dma_wait3A_260 : memref<1000000x64xf32, #tpu.memory_space<hbm>>) dst(%arg8 : memref<256x64xf32, #tpu.memory_space<vmem>>)
      %add3A_261 = arith.addi %mul3A_4, %add3A_254 : i32
      %dma_start3A_262 = arith.constant 0 : i32
      %dma_start3A_263 = arith.constant 0 : i32
      %dma_start3A_264 = tpu.memref_slice %arg8[%dma_start3A_262, %dma_start3A_263] : memref<256x64xf32, #tpu.memory_space<vmem>> -> memref<128x64xf32, #tpu.memory_space<vmem>>
      %dma_start3A_265 = arith.constant 0 : i32
      %dma_start3A_266 = arith.constant 0 : i32
      %dma_start3A_267 = tpu.memref_slice %arg4[%add3A_261, %dma_start3A_265, %dma_start3A_266] : memref<3200x128x128xf32, #tpu.memory_space<hbm>> -> memref<1x128x64xf32, #tpu.memory_space<hbm>>
      %dma_start3A_268 = tpu.memref_squeeze %dma_start3A_267 : memref<1x128x64xf32, #tpu.memory_space<hbm>> -> memref<128x64xf32, #tpu.memory_space<hbm>>
      %dma_start3A_269 = arith.constant 0 : i32
      %dma_start3A_270 = arith.constant 0 : i32
      %dma_start3A_271 = tpu.memref_slice %arg4[%add3A_261, %dma_start3A_269, %dma_start3A_270] : memref<3200x128x128xf32, #tpu.memory_space<hbm>> -> memref<1x128x64xf32, #tpu.memory_space<hbm>>
      %dma_start3A_272 = tpu.memref_squeeze %dma_start3A_271 : memref<1x128x64xf32, #tpu.memory_space<hbm>> -> memref<128x64xf32, #tpu.memory_space<hbm>>
      %dma_start3A_273 = arith.constant 0 : i32
      %dma_start3A_274 = arith.constant 0 : i32
      %dma_start3A_275 = tpu.memref_slice %arg8[%dma_start3A_273, %dma_start3A_274] : memref<256x64xf32, #tpu.memory_space<vmem>> -> memref<128x64xf32, #tpu.memory_space<vmem>>
      tpu.enqueue_dma source(%dma_start3A_275 : memref<128x64xf32, #tpu.memory_space<vmem>>) target(%dma_start3A_272 : memref<128x64xf32, #tpu.memory_space<hbm>>) target_semaphore(%arg16 : memref<!tpu.dma_semaphore, #tpu.memory_space<semaphore_mem>>)
      %add3A_276 = arith.addi %mul3A_4, %add3A_254 : i32
      %dma_start3A_277 = arith.constant 128 : i32
      %dma_start3A_278 = arith.constant 0 : i32
      %dma_start3A_279 = tpu.memref_slice %arg8[%dma_start3A_277, %dma_start3A_278] : memref<256x64xf32, #tpu.memory_space<vmem>> -> memref<128x64xf32, #tpu.memory_space<vmem>>
      %dma_start3A_280 = arith.constant 0 : i32
      %dma_start3A_281 = arith.constant 64 : i32
      %dma_start3A_282 = tpu.memref_slice %arg4[%add3A_276, %dma_start3A_280, %dma_start3A_281] : memref<3200x128x128xf32, #tpu.memory_space<hbm>> -> memref<1x128x64xf32, #tpu.memory_space<hbm>>
      %dma_start3A_283 = tpu.memref_squeeze %dma_start3A_282 : memref<1x128x64xf32, #tpu.memory_space<hbm>> -> memref<128x64xf32, #tpu.memory_space<hbm>>
      %dma_start3A_284 = arith.constant 0 : i32
      %dma_start3A_285 = arith.constant 64 : i32
      %dma_start3A_286 = tpu.memref_slice %arg4[%add3A_276, %dma_start3A_284, %dma_start3A_285] : memref<3200x128x128xf32, #tpu.memory_space<hbm>> -> memref<1x128x64xf32, #tpu.memory_space<hbm>>
      %dma_start3A_287 = tpu.memref_squeeze %dma_start3A_286 : memref<1x128x64xf32, #tpu.memory_space<hbm>> -> memref<128x64xf32, #tpu.memory_space<hbm>>
      %dma_start3A_288 = arith.constant 128 : i32
      %dma_start3A_289 = arith.constant 0 : i32
      %dma_start3A_290 = tpu.memref_slice %arg8[%dma_start3A_288, %dma_start3A_289] : memref<256x64xf32, #tpu.memory_space<vmem>> -> memref<128x64xf32, #tpu.memory_space<vmem>>
      tpu.enqueue_dma source(%dma_start3A_290 : memref<128x64xf32, #tpu.memory_space<vmem>>) target(%dma_start3A_287 : memref<128x64xf32, #tpu.memory_space<hbm>>) target_semaphore(%arg16 : memref<!tpu.dma_semaphore, #tpu.memory_space<semaphore_mem>>)
      %sub3A_291 = arith.constant 1 : i32
      %sub3A_292 = arith.subi %add3A_254, %sub3A_291 : i32
      %ge3A_293 = arith.constant 0 : i32
      %ge3A_294 = arith.cmpi sge, %sub3A_292, %ge3A_293 : i32
      %lt3A_295 = arith.constant 96 : i32
      %lt3A_296 = arith.cmpi slt, %sub3A_292, %lt3A_295 : i32
      %and3A_297 = arith.andi %ge3A_294, %lt3A_296 : i1
      %convert_element_type3A_298 = arith.extui %and3A_297 : i1 to i32
      %cond3A_299 = arith.constant 0 : i32
      %cond3A_300 = arith.cmpi ne, %convert_element_type3A_298, %cond3A_299 : i32
      scf.if %cond3A_300 {
        %add3A_351 = arith.addi %mul3A_4, %sub3A_292 : i32
        %dma_wait3A_352 = arith.constant 0 : i32
        %dma_wait3A_353 = arith.constant 0 : i32
        %dma_wait3A_354 = tpu.memref_slice %arg7[%dma_wait3A_352, %dma_wait3A_353] : memref<256x64xf32, #tpu.memory_space<vmem>> -> memref<128x64xf32, #tpu.memory_space<vmem>>
        %dma_wait3A_355 = arith.constant 0 : i32
        %dma_wait3A_356 = arith.constant 0 : i32
        %dma_wait3A_357 = tpu.memref_slice %arg4[%add3A_351, %dma_wait3A_355, %dma_wait3A_356] : memref<3200x128x128xf32, #tpu.memory_space<hbm>> -> memref<1x128x64xf32, #tpu.memory_space<hbm>>
        %dma_wait3A_358 = tpu.memref_squeeze %dma_wait3A_357 : memref<1x128x64xf32, #tpu.memory_space<hbm>> -> memref<128x64xf32, #tpu.memory_space<hbm>>
        %dma_wait3A_359 = arith.constant 0 : i32
        %dma_wait3A_360 = arith.constant 0 : i32
        %dma_wait3A_361 = tpu.memref_slice %arg4[%add3A_351, %dma_wait3A_359, %dma_wait3A_360] : memref<3200x128x128xf32, #tpu.memory_space<hbm>> -> memref<1x128x64xf32, #tpu.memory_space<hbm>>
        %dma_wait3A_362 = tpu.memref_squeeze %dma_wait3A_361 : memref<1x128x64xf32, #tpu.memory_space<hbm>> -> memref<128x64xf32, #tpu.memory_space<hbm>>
        %dma_wait3A_363 = arith.constant 0 : i32
        %dma_wait3A_364 = arith.constant 0 : i32
        %dma_wait3A_365 = tpu.memref_slice %arg7[%dma_wait3A_363, %dma_wait3A_364] : memref<256x64xf32, #tpu.memory_space<vmem>> -> memref<128x64xf32, #tpu.memory_space<vmem>>
        tpu.wait_dma2 semaphore(%arg15 : memref<!tpu.dma_semaphore, #tpu.memory_space<semaphore_mem>>) src(%dma_wait3A_365 : memref<128x64xf32, #tpu.memory_space<vmem>>) dst(%dma_wait3A_362 : memref<128x64xf32, #tpu.memory_space<hbm>>)
        %add3A_366 = arith.addi %mul3A_4, %sub3A_292 : i32
        %dma_wait3A_367 = arith.constant 128 : i32
        %dma_wait3A_368 = arith.constant 0 : i32
        %dma_wait3A_369 = tpu.memref_slice %arg7[%dma_wait3A_367, %dma_wait3A_368] : memref<256x64xf32, #tpu.memory_space<vmem>> -> memref<128x64xf32, #tpu.memory_space<vmem>>
        %dma_wait3A_370 = arith.constant 0 : i32
        %dma_wait3A_371 = arith.constant 64 : i32
        %dma_wait3A_372 = tpu.memref_slice %arg4[%add3A_366, %dma_wait3A_370, %dma_wait3A_371] : memref<3200x128x128xf32, #tpu.memory_space<hbm>> -> memref<1x128x64xf32, #tpu.memory_space<hbm>>
        %dma_wait3A_373 = tpu.memref_squeeze %dma_wait3A_372 : memref<1x128x64xf32, #tpu.memory_space<hbm>> -> memref<128x64xf32, #tpu.memory_space<hbm>>
        %dma_wait3A_374 = arith.constant 0 : i32
        %dma_wait3A_375 = arith.constant 64 : i32
        %dma_wait3A_376 = tpu.memref_slice %arg4[%add3A_366, %dma_wait3A_374, %dma_wait3A_375] : memref<3200x128x128xf32, #tpu.memory_space<hbm>> -> memref<1x128x64xf32, #tpu.memory_space<hbm>>
        %dma_wait3A_377 = tpu.memref_squeeze %dma_wait3A_376 : memref<1x128x64xf32, #tpu.memory_space<hbm>> -> memref<128x64xf32, #tpu.memory_space<hbm>>
        %dma_wait3A_378 = arith.constant 128 : i32
        %dma_wait3A_379 = arith.constant 0 : i32
        %dma_wait3A_380 = tpu.memref_slice %arg7[%dma_wait3A_378, %dma_wait3A_379] : memref<256x64xf32, #tpu.memory_space<vmem>> -> memref<128x64xf32, #tpu.memory_space<vmem>>
        tpu.wait_dma2 semaphore(%arg15 : memref<!tpu.dma_semaphore, #tpu.memory_space<semaphore_mem>>) src(%dma_wait3A_380 : memref<128x64xf32, #tpu.memory_space<vmem>>) dst(%dma_wait3A_377 : memref<128x64xf32, #tpu.memory_space<hbm>>)
        %add3A_381 = arith.constant 4 : i32
        %add3A_382 = arith.addi %sub3A_292, %add3A_381 : i32
        %mul3A_383 = arith.constant 256 : i32
        %mul3A_384 = arith.muli %add3A_382, %mul3A_383 : i32
        %dma_start3A_385 = tpu.memref_slice %arg5[%mul3A_384] : memref<25600xi32, #tpu.memory_space<vmem>> -> memref<256xi32, #tpu.memory_space<vmem>>
        %dma_start3A_386 = arith.constant 0 : i32
        %dma_start3A_387 = arith.constant 0 : i32
        %dma_start3A_388 = tpu.memref_slice %arg3[%dma_start3A_386, %dma_start3A_387] : memref<1000000x64xf32, #tpu.memory_space<hbm>> -> memref<1000000x64xf32, #tpu.memory_space<hbm>>
        tpu.enqueue_indirect_dma source(%dma_start3A_388 : memref<1000000x64xf32, #tpu.memory_space<hbm>>) target(%arg7 : memref<256x64xf32, #tpu.memory_space<vmem>>) offsets(%dma_start3A_385 : memref<256xi32, #tpu.memory_space<vmem>>) semaphore(%arg11 : memref<!tpu.dma_semaphore, #tpu.memory_space<semaphore_mem>>)
      } else {
      }
      %mul3A_301 = arith.constant 4 : i32
      %mul3A_302 = arith.muli %mul3A_301, %scan3A_156 : i32
      %add3A_303 = arith.constant 3 : i32
      %add3A_304 = arith.addi %mul3A_302, %add3A_303 : i32
      %mul3A_305 = arith.constant 256 : i32
      %mul3A_306 = arith.muli %add3A_304, %mul3A_305 : i32
      %dma_wait3A_307 = tpu.memref_slice %arg5[%mul3A_306] : memref<25600xi32, #tpu.memory_space<vmem>> -> memref<256xi32, #tpu.memory_space<vmem>>
      %dma_wait3A_308 = arith.constant 0 : i32
      %dma_wait3A_309 = arith.constant 0 : i32
      %dma_wait3A_310 = tpu.memref_slice %arg3[%dma_wait3A_308, %dma_wait3A_309] : memref<1000000x64xf32, #tpu.memory_space<hbm>> -> memref<1000000x64xf32, #tpu.memory_space<hbm>>
      tpu.wait_indirect_dma semaphore(%arg13 : memref<!tpu.dma_semaphore, #tpu.memory_space<semaphore_mem>>) src(%dma_wait3A_310 : memref<1000000x64xf32, #tpu.memory_space<hbm>>) dst(%arg9 : memref<256x64xf32, #tpu.memory_space<vmem>>)
      %add3A_311 = arith.addi %mul3A_4, %add3A_304 : i32
      %dma_start3A_312 = arith.constant 0 : i32
      %dma_start3A_313 = arith.constant 0 : i32
      %dma_start3A_314 = tpu.memref_slice %arg9[%dma_start3A_312, %dma_start3A_313] : memref<256x64xf32, #tpu.memory_space<vmem>> -> memref<128x64xf32, #tpu.memory_space<vmem>>
      %dma_start3A_315 = arith.constant 0 : i32
      %dma_start3A_316 = arith.constant 0 : i32
      %dma_start3A_317 = tpu.memref_slice %arg4[%add3A_311, %dma_start3A_315, %dma_start3A_316] : memref<3200x128x128xf32, #tpu.memory_space<hbm>> -> memref<1x128x64xf32, #tpu.memory_space<hbm>>
      %dma_start3A_318 = tpu.memref_squeeze %dma_start3A_317 : memref<1x128x64xf32, #tpu.memory_space<hbm>> -> memref<128x64xf32, #tpu.memory_space<hbm>>
      %dma_start3A_319 = arith.constant 0 : i32
      %dma_start3A_320 = arith.constant 0 : i32
      %dma_start3A_321 = tpu.memref_slice %arg4[%add3A_311, %dma_start3A_319, %dma_start3A_320] : memref<3200x128x128xf32, #tpu.memory_space<hbm>> -> memref<1x128x64xf32, #tpu.memory_space<hbm>>
      %dma_start3A_322 = tpu.memref_squeeze %dma_start3A_321 : memref<1x128x64xf32, #tpu.memory_space<hbm>> -> memref<128x64xf32, #tpu.memory_space<hbm>>
      %dma_start3A_323 = arith.constant 0 : i32
      %dma_start3A_324 = arith.constant 0 : i32
      %dma_start3A_325 = tpu.memref_slice %arg9[%dma_start3A_323, %dma_start3A_324] : memref<256x64xf32, #tpu.memory_space<vmem>> -> memref<128x64xf32, #tpu.memory_space<vmem>>
      tpu.enqueue_dma source(%dma_start3A_325 : memref<128x64xf32, #tpu.memory_space<vmem>>) target(%dma_start3A_322 : memref<128x64xf32, #tpu.memory_space<hbm>>) target_semaphore(%arg17 : memref<!tpu.dma_semaphore, #tpu.memory_space<semaphore_mem>>)
      %add3A_326 = arith.addi %mul3A_4, %add3A_304 : i32
      %dma_start3A_327 = arith.constant 128 : i32
      %dma_start3A_328 = arith.constant 0 : i32
      %dma_start3A_329 = tpu.memref_slice %arg9[%dma_start3A_327, %dma_start3A_328] : memref<256x64xf32, #tpu.memory_space<vmem>> -> memref<128x64xf32, #tpu.memory_space<vmem>>
      %dma_start3A_330 = arith.constant 0 : i32
      %dma_start3A_331 = arith.constant 64 : i32
      %dma_start3A_332 = tpu.memref_slice %arg4[%add3A_326, %dma_start3A_330, %dma_start3A_331] : memref<3200x128x128xf32, #tpu.memory_space<hbm>> -> memref<1x128x64xf32, #tpu.memory_space<hbm>>
      %dma_start3A_333 = tpu.memref_squeeze %dma_start3A_332 : memref<1x128x64xf32, #tpu.memory_space<hbm>> -> memref<128x64xf32, #tpu.memory_space<hbm>>
      %dma_start3A_334 = arith.constant 0 : i32
      %dma_start3A_335 = arith.constant 64 : i32
      %dma_start3A_336 = tpu.memref_slice %arg4[%add3A_326, %dma_start3A_334, %dma_start3A_335] : memref<3200x128x128xf32, #tpu.memory_space<hbm>> -> memref<1x128x64xf32, #tpu.memory_space<hbm>>
      %dma_start3A_337 = tpu.memref_squeeze %dma_start3A_336 : memref<1x128x64xf32, #tpu.memory_space<hbm>> -> memref<128x64xf32, #tpu.memory_space<hbm>>
      %dma_start3A_338 = arith.constant 128 : i32
      %dma_start3A_339 = arith.constant 0 : i32
      %dma_start3A_340 = tpu.memref_slice %arg9[%dma_start3A_338, %dma_start3A_339] : memref<256x64xf32, #tpu.memory_space<vmem>> -> memref<128x64xf32, #tpu.memory_space<vmem>>
      tpu.enqueue_dma source(%dma_start3A_340 : memref<128x64xf32, #tpu.memory_space<vmem>>) target(%dma_start3A_337 : memref<128x64xf32, #tpu.memory_space<hbm>>) target_semaphore(%arg17 : memref<!tpu.dma_semaphore, #tpu.memory_space<semaphore_mem>>)
      %sub3A_341 = arith.constant 1 : i32
      %sub3A_342 = arith.subi %add3A_304, %sub3A_341 : i32
      %ge3A_343 = arith.constant 0 : i32
      %ge3A_344 = arith.cmpi sge, %sub3A_342, %ge3A_343 : i32
      %lt3A_345 = arith.constant 96 : i32
      %lt3A_346 = arith.cmpi slt, %sub3A_342, %lt3A_345 : i32
      %and3A_347 = arith.andi %ge3A_344, %lt3A_346 : i1
      %convert_element_type3A_348 = arith.extui %and3A_347 : i1 to i32
      %cond3A_349 = arith.constant 0 : i32
      %cond3A_350 = arith.cmpi ne, %convert_element_type3A_348, %cond3A_349 : i32
      scf.if %cond3A_350 {
        %add3A_351 = arith.addi %mul3A_4, %sub3A_342 : i32
        %dma_wait3A_352 = arith.constant 0 : i32
        %dma_wait3A_353 = arith.constant 0 : i32
        %dma_wait3A_354 = tpu.memref_slice %arg8[%dma_wait3A_352, %dma_wait3A_353] : memref<256x64xf32, #tpu.memory_space<vmem>> -> memref<128x64xf32, #tpu.memory_space<vmem>>
        %dma_wait3A_355 = arith.constant 0 : i32
        %dma_wait3A_356 = arith.constant 0 : i32
        %dma_wait3A_357 = tpu.memref_slice %arg4[%add3A_351, %dma_wait3A_355, %dma_wait3A_356] : memref<3200x128x128xf32, #tpu.memory_space<hbm>> -> memref<1x128x64xf32, #tpu.memory_space<hbm>>
        %dma_wait3A_358 = tpu.memref_squeeze %dma_wait3A_357 : memref<1x128x64xf32, #tpu.memory_space<hbm>> -> memref<128x64xf32, #tpu.memory_space<hbm>>
        %dma_wait3A_359 = arith.constant 0 : i32
        %dma_wait3A_360 = arith.constant 0 : i32
        %dma_wait3A_361 = tpu.memref_slice %arg4[%add3A_351, %dma_wait3A_359, %dma_wait3A_360] : memref<3200x128x128xf32, #tpu.memory_space<hbm>> -> memref<1x128x64xf32, #tpu.memory_space<hbm>>
        %dma_wait3A_362 = tpu.memref_squeeze %dma_wait3A_361 : memref<1x128x64xf32, #tpu.memory_space<hbm>> -> memref<128x64xf32, #tpu.memory_space<hbm>>
        %dma_wait3A_363 = arith.constant 0 : i32
        %dma_wait3A_364 = arith.constant 0 : i32
        %dma_wait3A_365 = tpu.memref_slice %arg8[%dma_wait3A_363, %dma_wait3A_364] : memref<256x64xf32, #tpu.memory_space<vmem>> -> memref<128x64xf32, #tpu.memory_space<vmem>>
        tpu.wait_dma2 semaphore(%arg16 : memref<!tpu.dma_semaphore, #tpu.memory_space<semaphore_mem>>) src(%dma_wait3A_365 : memref<128x64xf32, #tpu.memory_space<vmem>>) dst(%dma_wait3A_362 : memref<128x64xf32, #tpu.memory_space<hbm>>)
        %add3A_366 = arith.addi %mul3A_4, %sub3A_342 : i32
        %dma_wait3A_367 = arith.constant 128 : i32
        %dma_wait3A_368 = arith.constant 0 : i32
        %dma_wait3A_369 = tpu.memref_slice %arg8[%dma_wait3A_367, %dma_wait3A_368] : memref<256x64xf32, #tpu.memory_space<vmem>> -> memref<128x64xf32, #tpu.memory_space<vmem>>
        %dma_wait3A_370 = arith.constant 0 : i32
        %dma_wait3A_371 = arith.constant 64 : i32
        %dma_wait3A_372 = tpu.memref_slice %arg4[%add3A_366, %dma_wait3A_370, %dma_wait3A_371] : memref<3200x128x128xf32, #tpu.memory_space<hbm>> -> memref<1x128x64xf32, #tpu.memory_space<hbm>>
        %dma_wait3A_373 = tpu.memref_squeeze %dma_wait3A_372 : memref<1x128x64xf32, #tpu.memory_space<hbm>> -> memref<128x64xf32, #tpu.memory_space<hbm>>
        %dma_wait3A_374 = arith.constant 0 : i32
        %dma_wait3A_375 = arith.constant 64 : i32
        %dma_wait3A_376 = tpu.memref_slice %arg4[%add3A_366, %dma_wait3A_374, %dma_wait3A_375] : memref<3200x128x128xf32, #tpu.memory_space<hbm>> -> memref<1x128x64xf32, #tpu.memory_space<hbm>>
        %dma_wait3A_377 = tpu.memref_squeeze %dma_wait3A_376 : memref<1x128x64xf32, #tpu.memory_space<hbm>> -> memref<128x64xf32, #tpu.memory_space<hbm>>
        %dma_wait3A_378 = arith.constant 128 : i32
        %dma_wait3A_379 = arith.constant 0 : i32
        %dma_wait3A_380 = tpu.memref_slice %arg8[%dma_wait3A_378, %dma_wait3A_379] : memref<256x64xf32, #tpu.memory_space<vmem>> -> memref<128x64xf32, #tpu.memory_space<vmem>>
        tpu.wait_dma2 semaphore(%arg16 : memref<!tpu.dma_semaphore, #tpu.memory_space<semaphore_mem>>) src(%dma_wait3A_380 : memref<128x64xf32, #tpu.memory_space<vmem>>) dst(%dma_wait3A_377 : memref<128x64xf32, #tpu.memory_space<hbm>>)
        %add3A_381 = arith.constant 4 : i32
        %add3A_382 = arith.addi %sub3A_342, %add3A_381 : i32
        %mul3A_383 = arith.constant 256 : i32
        %mul3A_384 = arith.muli %add3A_382, %mul3A_383 : i32
        %dma_start3A_385 = tpu.memref_slice %arg5[%mul3A_384] : memref<25600xi32, #tpu.memory_space<vmem>> -> memref<256xi32, #tpu.memory_space<vmem>>
        %dma_start3A_386 = arith.constant 0 : i32
        %dma_start3A_387 = arith.constant 0 : i32
        %dma_start3A_388 = tpu.memref_slice %arg3[%dma_start3A_386, %dma_start3A_387] : memref<1000000x64xf32, #tpu.memory_space<hbm>> -> memref<1000000x64xf32, #tpu.memory_space<hbm>>
        tpu.enqueue_indirect_dma source(%dma_start3A_388 : memref<1000000x64xf32, #tpu.memory_space<hbm>>) target(%arg8 : memref<256x64xf32, #tpu.memory_space<vmem>>) offsets(%dma_start3A_385 : memref<256xi32, #tpu.memory_space<vmem>>) semaphore(%arg12 : memref<!tpu.dma_semaphore, #tpu.memory_space<semaphore_mem>>)
      } else {
      }
    }
    %scan3A_28 = arith.constant 25 : i32
    %add3A_29 = arith.constant 96 : i32
    %add3A_30 = arith.addi %mul3A_4, %add3A_29 : i32
    %dma_wait3A = arith.constant 0 : i32
    %dma_wait3A_31 = arith.constant 0 : i32
    %dma_wait3A_32 = tpu.memref_slice %arg6[%dma_wait3A, %dma_wait3A_31] : memref<256x64xf32, #tpu.memory_space<vmem>> -> memref<128x64xf32, #tpu.memory_space<vmem>>
    %dma_wait3A_33 = arith.constant 0 : i32
    %dma_wait3A_34 = arith.constant 0 : i32
    %dma_wait3A_35 = tpu.memref_slice %arg4[%add3A_30, %dma_wait3A_33, %dma_wait3A_34] : memref<3200x128x128xf32, #tpu.memory_space<hbm>> -> memref<1x128x64xf32, #tpu.memory_space<hbm>>
    %dma_wait3A_36 = tpu.memref_squeeze %dma_wait3A_35 : memref<1x128x64xf32, #tpu.memory_space<hbm>> -> memref<128x64xf32, #tpu.memory_space<hbm>>
    %dma_wait3A_37 = arith.constant 0 : i32
    %dma_wait3A_38 = arith.constant 0 : i32
    %dma_wait3A_39 = tpu.memref_slice %arg4[%add3A_30, %dma_wait3A_37, %dma_wait3A_38] : memref<3200x128x128xf32, #tpu.memory_space<hbm>> -> memref<1x128x64xf32, #tpu.memory_space<hbm>>
    %dma_wait3A_40 = tpu.memref_squeeze %dma_wait3A_39 : memref<1x128x64xf32, #tpu.memory_space<hbm>> -> memref<128x64xf32, #tpu.memory_space<hbm>>
    %dma_wait3A_41 = arith.constant 0 : i32
    %dma_wait3A_42 = arith.constant 0 : i32
    %dma_wait3A_43 = tpu.memref_slice %arg6[%dma_wait3A_41, %dma_wait3A_42] : memref<256x64xf32, #tpu.memory_space<vmem>> -> memref<128x64xf32, #tpu.memory_space<vmem>>
    tpu.wait_dma2 semaphore(%arg14 : memref<!tpu.dma_semaphore, #tpu.memory_space<semaphore_mem>>) src(%dma_wait3A_43 : memref<128x64xf32, #tpu.memory_space<vmem>>) dst(%dma_wait3A_40 : memref<128x64xf32, #tpu.memory_space<hbm>>)
    %add3A_44 = arith.constant 96 : i32
    %add3A_45 = arith.addi %mul3A_4, %add3A_44 : i32
    %dma_wait3A_46 = arith.constant 128 : i32
    %dma_wait3A_47 = arith.constant 0 : i32
    %dma_wait3A_48 = tpu.memref_slice %arg6[%dma_wait3A_46, %dma_wait3A_47] : memref<256x64xf32, #tpu.memory_space<vmem>> -> memref<128x64xf32, #tpu.memory_space<vmem>>
    %dma_wait3A_49 = arith.constant 0 : i32
    %dma_wait3A_50 = arith.constant 64 : i32
    %dma_wait3A_51 = tpu.memref_slice %arg4[%add3A_45, %dma_wait3A_49, %dma_wait3A_50] : memref<3200x128x128xf32, #tpu.memory_space<hbm>> -> memref<1x128x64xf32, #tpu.memory_space<hbm>>
    %dma_wait3A_52 = tpu.memref_squeeze %dma_wait3A_51 : memref<1x128x64xf32, #tpu.memory_space<hbm>> -> memref<128x64xf32, #tpu.memory_space<hbm>>
    %dma_wait3A_53 = arith.constant 0 : i32
    %dma_wait3A_54 = arith.constant 64 : i32
    %dma_wait3A_55 = tpu.memref_slice %arg4[%add3A_45, %dma_wait3A_53, %dma_wait3A_54] : memref<3200x128x128xf32, #tpu.memory_space<hbm>> -> memref<1x128x64xf32, #tpu.memory_space<hbm>>
    %dma_wait3A_56 = tpu.memref_squeeze %dma_wait3A_55 : memref<1x128x64xf32, #tpu.memory_space<hbm>> -> memref<128x64xf32, #tpu.memory_space<hbm>>
    %dma_wait3A_57 = arith.constant 128 : i32
    %dma_wait3A_58 = arith.constant 0 : i32
    %dma_wait3A_59 = tpu.memref_slice %arg6[%dma_wait3A_57, %dma_wait3A_58] : memref<256x64xf32, #tpu.memory_space<vmem>> -> memref<128x64xf32, #tpu.memory_space<vmem>>
    tpu.wait_dma2 semaphore(%arg14 : memref<!tpu.dma_semaphore, #tpu.memory_space<semaphore_mem>>) src(%dma_wait3A_59 : memref<128x64xf32, #tpu.memory_space<vmem>>) dst(%dma_wait3A_56 : memref<128x64xf32, #tpu.memory_space<hbm>>)
    %add3A_60 = arith.constant 97 : i32
    %add3A_61 = arith.addi %mul3A_4, %add3A_60 : i32
    %dma_wait3A_62 = arith.constant 0 : i32
    %dma_wait3A_63 = arith.constant 0 : i32
    %dma_wait3A_64 = tpu.memref_slice %arg7[%dma_wait3A_62, %dma_wait3A_63] : memref<256x64xf32, #tpu.memory_space<vmem>> -> memref<128x64xf32, #tpu.memory_space<vmem>>
    %dma_wait3A_65 = arith.constant 0 : i32
    %dma_wait3A_66 = arith.constant 0 : i32
    %dma_wait3A_67 = tpu.memref_slice %arg4[%add3A_61, %dma_wait3A_65, %dma_wait3A_66] : memref<3200x128x128xf32, #tpu.memory_space<hbm>> -> memref<1x128x64xf32, #tpu.memory_space<hbm>>
    %dma_wait3A_68 = tpu.memref_squeeze %dma_wait3A_67 : memref<1x128x64xf32, #tpu.memory_space<hbm>> -> memref<128x64xf32, #tpu.memory_space<hbm>>
    %dma_wait3A_69 = arith.constant 0 : i32
    %dma_wait3A_70 = arith.constant 0 : i32
    %dma_wait3A_71 = tpu.memref_slice %arg4[%add3A_61, %dma_wait3A_69, %dma_wait3A_70] : memref<3200x128x128xf32, #tpu.memory_space<hbm>> -> memref<1x128x64xf32, #tpu.memory_space<hbm>>
    %dma_wait3A_72 = tpu.memref_squeeze %dma_wait3A_71 : memref<1x128x64xf32, #tpu.memory_space<hbm>> -> memref<128x64xf32, #tpu.memory_space<hbm>>
    %dma_wait3A_73 = arith.constant 0 : i32
    %dma_wait3A_74 = arith.constant 0 : i32
    %dma_wait3A_75 = tpu.memref_slice %arg7[%dma_wait3A_73, %dma_wait3A_74] : memref<256x64xf32, #tpu.memory_space<vmem>> -> memref<128x64xf32, #tpu.memory_space<vmem>>
    tpu.wait_dma2 semaphore(%arg15 : memref<!tpu.dma_semaphore, #tpu.memory_space<semaphore_mem>>) src(%dma_wait3A_75 : memref<128x64xf32, #tpu.memory_space<vmem>>) dst(%dma_wait3A_72 : memref<128x64xf32, #tpu.memory_space<hbm>>)
    %add3A_76 = arith.constant 97 : i32
    %add3A_77 = arith.addi %mul3A_4, %add3A_76 : i32
    %dma_wait3A_78 = arith.constant 128 : i32
    %dma_wait3A_79 = arith.constant 0 : i32
    %dma_wait3A_80 = tpu.memref_slice %arg7[%dma_wait3A_78, %dma_wait3A_79] : memref<256x64xf32, #tpu.memory_space<vmem>> -> memref<128x64xf32, #tpu.memory_space<vmem>>
    %dma_wait3A_81 = arith.constant 0 : i32
    %dma_wait3A_82 = arith.constant 64 : i32
    %dma_wait3A_83 = tpu.memref_slice %arg4[%add3A_77, %dma_wait3A_81, %dma_wait3A_82] : memref<3200x128x128xf32, #tpu.memory_space<hbm>> -> memref<1x128x64xf32, #tpu.memory_space<hbm>>
    %dma_wait3A_84 = tpu.memref_squeeze %dma_wait3A_83 : memref<1x128x64xf32, #tpu.memory_space<hbm>> -> memref<128x64xf32, #tpu.memory_space<hbm>>
    %dma_wait3A_85 = arith.constant 0 : i32
    %dma_wait3A_86 = arith.constant 64 : i32
    %dma_wait3A_87 = tpu.memref_slice %arg4[%add3A_77, %dma_wait3A_85, %dma_wait3A_86] : memref<3200x128x128xf32, #tpu.memory_space<hbm>> -> memref<1x128x64xf32, #tpu.memory_space<hbm>>
    %dma_wait3A_88 = tpu.memref_squeeze %dma_wait3A_87 : memref<1x128x64xf32, #tpu.memory_space<hbm>> -> memref<128x64xf32, #tpu.memory_space<hbm>>
    %dma_wait3A_89 = arith.constant 128 : i32
    %dma_wait3A_90 = arith.constant 0 : i32
    %dma_wait3A_91 = tpu.memref_slice %arg7[%dma_wait3A_89, %dma_wait3A_90] : memref<256x64xf32, #tpu.memory_space<vmem>> -> memref<128x64xf32, #tpu.memory_space<vmem>>
    tpu.wait_dma2 semaphore(%arg15 : memref<!tpu.dma_semaphore, #tpu.memory_space<semaphore_mem>>) src(%dma_wait3A_91 : memref<128x64xf32, #tpu.memory_space<vmem>>) dst(%dma_wait3A_88 : memref<128x64xf32, #tpu.memory_space<hbm>>)
    %add3A_92 = arith.constant 98 : i32
    %add3A_93 = arith.addi %mul3A_4, %add3A_92 : i32
    %dma_wait3A_94 = arith.constant 0 : i32
    %dma_wait3A_95 = arith.constant 0 : i32
    %dma_wait3A_96 = tpu.memref_slice %arg8[%dma_wait3A_94, %dma_wait3A_95] : memref<256x64xf32, #tpu.memory_space<vmem>> -> memref<128x64xf32, #tpu.memory_space<vmem>>
    %dma_wait3A_97 = arith.constant 0 : i32
    %dma_wait3A_98 = arith.constant 0 : i32
    %dma_wait3A_99 = tpu.memref_slice %arg4[%add3A_93, %dma_wait3A_97, %dma_wait3A_98] : memref<3200x128x128xf32, #tpu.memory_space<hbm>> -> memref<1x128x64xf32, #tpu.memory_space<hbm>>
    %dma_wait3A_100 = tpu.memref_squeeze %dma_wait3A_99 : memref<1x128x64xf32, #tpu.memory_space<hbm>> -> memref<128x64xf32, #tpu.memory_space<hbm>>
    %dma_wait3A_101 = arith.constant 0 : i32
    %dma_wait3A_102 = arith.constant 0 : i32
    %dma_wait3A_103 = tpu.memref_slice %arg4[%add3A_93, %dma_wait3A_101, %dma_wait3A_102] : memref<3200x128x128xf32, #tpu.memory_space<hbm>> -> memref<1x128x64xf32, #tpu.memory_space<hbm>>
    %dma_wait3A_104 = tpu.memref_squeeze %dma_wait3A_103 : memref<1x128x64xf32, #tpu.memory_space<hbm>> -> memref<128x64xf32, #tpu.memory_space<hbm>>
    %dma_wait3A_105 = arith.constant 0 : i32
    %dma_wait3A_106 = arith.constant 0 : i32
    %dma_wait3A_107 = tpu.memref_slice %arg8[%dma_wait3A_105, %dma_wait3A_106] : memref<256x64xf32, #tpu.memory_space<vmem>> -> memref<128x64xf32, #tpu.memory_space<vmem>>
    tpu.wait_dma2 semaphore(%arg16 : memref<!tpu.dma_semaphore, #tpu.memory_space<semaphore_mem>>) src(%dma_wait3A_107 : memref<128x64xf32, #tpu.memory_space<vmem>>) dst(%dma_wait3A_104 : memref<128x64xf32, #tpu.memory_space<hbm>>)
    %add3A_108 = arith.constant 98 : i32
    %add3A_109 = arith.addi %mul3A_4, %add3A_108 : i32
    %dma_wait3A_110 = arith.constant 128 : i32
    %dma_wait3A_111 = arith.constant 0 : i32
    %dma_wait3A_112 = tpu.memref_slice %arg8[%dma_wait3A_110, %dma_wait3A_111] : memref<256x64xf32, #tpu.memory_space<vmem>> -> memref<128x64xf32, #tpu.memory_space<vmem>>
    %dma_wait3A_113 = arith.constant 0 : i32
    %dma_wait3A_114 = arith.constant 64 : i32
    %dma_wait3A_115 = tpu.memref_slice %arg4[%add3A_109, %dma_wait3A_113, %dma_wait3A_114] : memref<3200x128x128xf32, #tpu.memory_space<hbm>> -> memref<1x128x64xf32, #tpu.memory_space<hbm>>
    %dma_wait3A_116 = tpu.memref_squeeze %dma_wait3A_115 : memref<1x128x64xf32, #tpu.memory_space<hbm>> -> memref<128x64xf32, #tpu.memory_space<hbm>>
    %dma_wait3A_117 = arith.constant 0 : i32
    %dma_wait3A_118 = arith.constant 64 : i32
    %dma_wait3A_119 = tpu.memref_slice %arg4[%add3A_109, %dma_wait3A_117, %dma_wait3A_118] : memref<3200x128x128xf32, #tpu.memory_space<hbm>> -> memref<1x128x64xf32, #tpu.memory_space<hbm>>
    %dma_wait3A_120 = tpu.memref_squeeze %dma_wait3A_119 : memref<1x128x64xf32, #tpu.memory_space<hbm>> -> memref<128x64xf32, #tpu.memory_space<hbm>>
    %dma_wait3A_121 = arith.constant 128 : i32
    %dma_wait3A_122 = arith.constant 0 : i32
    %dma_wait3A_123 = tpu.memref_slice %arg8[%dma_wait3A_121, %dma_wait3A_122] : memref<256x64xf32, #tpu.memory_space<vmem>> -> memref<128x64xf32, #tpu.memory_space<vmem>>
    tpu.wait_dma2 semaphore(%arg16 : memref<!tpu.dma_semaphore, #tpu.memory_space<semaphore_mem>>) src(%dma_wait3A_123 : memref<128x64xf32, #tpu.memory_space<vmem>>) dst(%dma_wait3A_120 : memref<128x64xf32, #tpu.memory_space<hbm>>)
    %add3A_124 = arith.constant 99 : i32
    %add3A_125 = arith.addi %mul3A_4, %add3A_124 : i32
    %dma_wait3A_126 = arith.constant 0 : i32
    %dma_wait3A_127 = arith.constant 0 : i32
    %dma_wait3A_128 = tpu.memref_slice %arg9[%dma_wait3A_126, %dma_wait3A_127] : memref<256x64xf32, #tpu.memory_space<vmem>> -> memref<128x64xf32, #tpu.memory_space<vmem>>
    %dma_wait3A_129 = arith.constant 0 : i32
    %dma_wait3A_130 = arith.constant 0 : i32
    %dma_wait3A_131 = tpu.memref_slice %arg4[%add3A_125, %dma_wait3A_129, %dma_wait3A_130] : memref<3200x128x128xf32, #tpu.memory_space<hbm>> -> memref<1x128x64xf32, #tpu.memory_space<hbm>>
    %dma_wait3A_132 = tpu.memref_squeeze %dma_wait3A_131 : memref<1x128x64xf32, #tpu.memory_space<hbm>> -> memref<128x64xf32, #tpu.memory_space<hbm>>
    %dma_wait3A_133 = arith.constant 0 : i32
    %dma_wait3A_134 = arith.constant 0 : i32
    %dma_wait3A_135 = tpu.memref_slice %arg4[%add3A_125, %dma_wait3A_133, %dma_wait3A_134] : memref<3200x128x128xf32, #tpu.memory_space<hbm>> -> memref<1x128x64xf32, #tpu.memory_space<hbm>>
    %dma_wait3A_136 = tpu.memref_squeeze %dma_wait3A_135 : memref<1x128x64xf32, #tpu.memory_space<hbm>> -> memref<128x64xf32, #tpu.memory_space<hbm>>
    %dma_wait3A_137 = arith.constant 0 : i32
    %dma_wait3A_138 = arith.constant 0 : i32
    %dma_wait3A_139 = tpu.memref_slice %arg9[%dma_wait3A_137, %dma_wait3A_138] : memref<256x64xf32, #tpu.memory_space<vmem>> -> memref<128x64xf32, #tpu.memory_space<vmem>>
    tpu.wait_dma2 semaphore(%arg17 : memref<!tpu.dma_semaphore, #tpu.memory_space<semaphore_mem>>) src(%dma_wait3A_139 : memref<128x64xf32, #tpu.memory_space<vmem>>) dst(%dma_wait3A_136 : memref<128x64xf32, #tpu.memory_space<hbm>>)
    %add3A_140 = arith.constant 99 : i32
    %add3A_141 = arith.addi %mul3A_4, %add3A_140 : i32
    %dma_wait3A_142 = arith.constant 128 : i32
    %dma_wait3A_143 = arith.constant 0 : i32
    %dma_wait3A_144 = tpu.memref_slice %arg9[%dma_wait3A_142, %dma_wait3A_143] : memref<256x64xf32, #tpu.memory_space<vmem>> -> memref<128x64xf32, #tpu.memory_space<vmem>>
    %dma_wait3A_145 = arith.constant 0 : i32
    %dma_wait3A_146 = arith.constant 64 : i32
    %dma_wait3A_147 = tpu.memref_slice %arg4[%add3A_141, %dma_wait3A_145, %dma_wait3A_146] : memref<3200x128x128xf32, #tpu.memory_space<hbm>> -> memref<1x128x64xf32, #tpu.memory_space<hbm>>
    %dma_wait3A_148 = tpu.memref_squeeze %dma_wait3A_147 : memref<1x128x64xf32, #tpu.memory_space<hbm>> -> memref<128x64xf32, #tpu.memory_space<hbm>>
    %dma_wait3A_149 = arith.constant 0 : i32
    %dma_wait3A_150 = arith.constant 64 : i32
    %dma_wait3A_151 = tpu.memref_slice %arg4[%add3A_141, %dma_wait3A_149, %dma_wait3A_150] : memref<3200x128x128xf32, #tpu.memory_space<hbm>> -> memref<1x128x64xf32, #tpu.memory_space<hbm>>
    %dma_wait3A_152 = tpu.memref_squeeze %dma_wait3A_151 : memref<1x128x64xf32, #tpu.memory_space<hbm>> -> memref<128x64xf32, #tpu.memory_space<hbm>>
    %dma_wait3A_153 = arith.constant 128 : i32
    %dma_wait3A_154 = arith.constant 0 : i32
    %dma_wait3A_155 = tpu.memref_slice %arg9[%dma_wait3A_153, %dma_wait3A_154] : memref<256x64xf32, #tpu.memory_space<vmem>> -> memref<128x64xf32, #tpu.memory_space<vmem>>
    tpu.wait_dma2 semaphore(%arg17 : memref<!tpu.dma_semaphore, #tpu.memory_space<semaphore_mem>>) src(%dma_wait3A_155 : memref<128x64xf32, #tpu.memory_space<vmem>>) dst(%dma_wait3A_152 : memref<128x64xf32, #tpu.memory_space<hbm>>)
    return
  }
}

module attributes {stable_mosaic.version = 14 : i64} {
  func.func @_tc_body(%arg0: i32, %arg1: memref<16384x128xf32, #tpu.memory_space<vmem>>, %arg2: memref<2x8x128x8x128xf32, #tpu.memory_space<vmem>>) attributes {dimension_semantics = [#tpu.dimension_semantics<arbitrary>], iteration_bounds = array<i64: 25>, scalar_prefetch = 0 : i64, scratch_operands = 0 : i64, tpu.core_type = #tpu.core_type<tc>, window_params = [{transform_indices = @transform_0, window_bounds = array<i64: 16384, 128>}, {transform_indices = @transform_1, window_bounds = array<i64: 2, 8, 128, 8, 128>}]} {
    %get3A = arith.constant 0 : index
    %get3A_0 = arith.constant 0 : index
    %get3A_1 = vector.load %arg1[%get3A, %get3A_0] : memref<16384x128xf32, #tpu.memory_space<vmem>>, vector<128x128xf32>
    %transpose3A = tpu.transpose %get3A_1, [1, 0] : vector<128x128xf32> -> vector<128x128xf32>
    %reshape3A = vector.shape_cast %transpose3A : vector<128x128xf32> to vector<2x8x8x128xf32>
    %transpose3A_2 = tpu.transpose %reshape3A, [1, 0, 2, 3] : vector<2x8x8x128xf32> -> vector<8x2x8x128xf32>
    %swap3A = arith.constant 0 : index
    %swap3A_3 = arith.constant 0 : index
    %swap3A_4 = arith.constant 0 : index
    %swap3A_5 = arith.constant 0 : index
    %swap3A_6 = arith.constant 0 : index
    %swap3A_7 = vector.load %arg2[%swap3A, %swap3A_3, %swap3A_4, %swap3A_5, %swap3A_6] : memref<2x8x128x8x128xf32, #tpu.memory_space<vmem>>, vector<1x8x2x8x128xf32>
    %swap3A_8 = vector.shape_cast %swap3A_7 : vector<1x8x2x8x128xf32> to vector<8x2x8x128xf32>
    %swap3A_9 = vector.shape_cast %transpose3A_2 : vector<8x2x8x128xf32> to vector<1x8x2x8x128xf32>
    tpu.vector_store %arg2[%swap3A, %swap3A_3, %swap3A_4, %swap3A_5, %swap3A_6], %swap3A_9 {strides = array<i32>} : memref<2x8x128x8x128xf32, #tpu.memory_space<vmem>>, vector<1x8x2x8x128xf32>,
    %get3A_10 = arith.constant 128 : index
    %get3A_11 = arith.constant 0 : index
    %get3A_12 = vector.load %arg1[%get3A_10, %get3A_11] : memref<16384x128xf32, #tpu.memory_space<vmem>>, vector<128x128xf32>
    %transpose3A_13 = tpu.transpose %get3A_12, [1, 0] : vector<128x128xf32> -> vector<128x128xf32>
    %reshape3A_14 = vector.shape_cast %transpose3A_13 : vector<128x128xf32> to vector<2x8x8x128xf32>
    %transpose3A_15 = tpu.transpose %reshape3A_14, [1, 0, 2, 3] : vector<2x8x8x128xf32> -> vector<8x2x8x128xf32>
    %swap3A_16 = arith.constant 0 : index
    %swap3A_17 = arith.constant 0 : index
    %swap3A_18 = arith.constant 2 : index
    %swap3A_19 = arith.constant 0 : index
    %swap3A_20 = arith.constant 0 : index
    %swap3A_21 = vector.load %arg2[%swap3A_16, %swap3A_17, %swap3A_18, %swap3A_19, %swap3A_20] : memref<2x8x128x8x128xf32, #tpu.memory_space<vmem>>, vector<1x8x2x8x128xf32>
    %swap3A_22 = vector.shape_cast %swap3A_21 : vector<1x8x2x8x128xf32> to vector<8x2x8x128xf32>
    %swap3A_23 = vector.shape_cast %transpose3A_15 : vector<8x2x8x128xf32> to vector<1x8x2x8x128xf32>
    tpu.vector_store %arg2[%swap3A_16, %swap3A_17, %swap3A_18, %swap3A_19, %swap3A_20], %swap3A_23 {strides = array<i32>} : memref<2x8x128x8x128xf32, #tpu.memory_space<vmem>>, vector<1x8x2x8x128xf32>,
    %get3A_24 = arith.constant 256 : index
    %get3A_25 = arith.constant 0 : index
    %get3A_26 = vector.load %arg1[%get3A_24, %get3A_25] : memref<16384x128xf32, #tpu.memory_space<vmem>>, vector<128x128xf32>
    %transpose3A_27 = tpu.transpose %get3A_26, [1, 0] : vector<128x128xf32> -> vector<128x128xf32>
    %reshape3A_28 = vector.shape_cast %transpose3A_27 : vector<128x128xf32> to vector<2x8x8x128xf32>
    %transpose3A_29 = tpu.transpose %reshape3A_28, [1, 0, 2, 3] : vector<2x8x8x128xf32> -> vector<8x2x8x128xf32>
    %swap3A_30 = arith.constant 0 : index
    %swap3A_31 = arith.constant 0 : index
    %swap3A_32 = arith.constant 4 : index
    %swap3A_33 = arith.constant 0 : index
    %swap3A_34 = arith.constant 0 : index
    %swap3A_35 = vector.load %arg2[%swap3A_30, %swap3A_31, %swap3A_32, %swap3A_33, %swap3A_34] : memref<2x8x128x8x128xf32, #tpu.memory_space<vmem>>, vector<1x8x2x8x128xf32>
    %swap3A_36 = vector.shape_cast %swap3A_35 : vector<1x8x2x8x128xf32> to vector<8x2x8x128xf32>
    %swap3A_37 = vector.shape_cast %transpose3A_29 : vector<8x2x8x128xf32> to vector<1x8x2x8x128xf32>
    tpu.vector_store %arg2[%swap3A_30, %swap3A_31, %swap3A_32, %swap3A_33, %swap3A_34], %swap3A_37 {strides = array<i32>} : memref<2x8x128x8x128xf32, #tpu.memory_space<vmem>>, vector<1x8x2x8x128xf32>,
    %get3A_38 = arith.constant 384 : index
    %get3A_39 = arith.constant 0 : index
    %get3A_40 = vector.load %arg1[%get3A_38, %get3A_39] : memref<16384x128xf32, #tpu.memory_space<vmem>>, vector<128x128xf32>
    %transpose3A_41 = tpu.transpose %get3A_40, [1, 0] : vector<128x128xf32> -> vector<128x128xf32>
    %reshape3A_42 = vector.shape_cast %transpose3A_41 : vector<128x128xf32> to vector<2x8x8x128xf32>
    %transpose3A_43 = tpu.transpose %reshape3A_42, [1, 0, 2, 3] : vector<2x8x8x128xf32> -> vector<8x2x8x128xf32>
    %swap3A_44 = arith.constant 0 : index
    %swap3A_45 = arith.constant 0 : index
    %swap3A_46 = arith.constant 6 : index
    %swap3A_47 = arith.constant 0 : index
    %swap3A_48 = arith.constant 0 : index
    %swap3A_49 = vector.load %arg2[%swap3A_44, %swap3A_45, %swap3A_46, %swap3A_47, %swap3A_48] : memref<2x8x128x8x128xf32, #tpu.memory_space<vmem>>, vector<1x8x2x8x128xf32>
    %swap3A_50 = vector.shape_cast %swap3A_49 : vector<1x8x2x8x128xf32> to vector<8x2x8x128xf32>
    %swap3A_51 = vector.shape_cast %transpose3A_43 : vector<8x2x8x128xf32> to vector<1x8x2x8x128xf32>
    tpu.vector_store %arg2[%swap3A_44, %swap3A_45, %swap3A_46, %swap3A_47, %swap3A_48], %swap3A_51 {strides = array<i32>} : memref<2x8x128x8x128xf32, #tpu.memory_space<vmem>>, vector<1x8x2x8x128xf32>,
    %get3A_52 = arith.constant 512 : index
    %get3A_53 = arith.constant 0 : index
    %get3A_54 = vector.load %arg1[%get3A_52, %get3A_53] : memref<16384x128xf32, #tpu.memory_space<vmem>>, vector<128x128xf32>
    %transpose3A_55 = tpu.transpose %get3A_54, [1, 0] : vector<128x128xf32> -> vector<128x128xf32>
    %reshape3A_56 = vector.shape_cast %transpose3A_55 : vector<128x128xf32> to vector<2x8x8x128xf32>
    %transpose3A_57 = tpu.transpose %reshape3A_56, [1, 0, 2, 3] : vector<2x8x8x128xf32> -> vector<8x2x8x128xf32>
    %swap3A_58 = arith.constant 0 : index
    %swap3A_59 = arith.constant 0 : index
    %swap3A_60 = arith.constant 8 : index
    %swap3A_61 = arith.constant 0 : index
    %swap3A_62 = arith.constant 0 : index
    %swap3A_63 = vector.load %arg2[%swap3A_58, %swap3A_59, %swap3A_60, %swap3A_61, %swap3A_62] : memref<2x8x128x8x128xf32, #tpu.memory_space<vmem>>, vector<1x8x2x8x128xf32>
    %swap3A_64 = vector.shape_cast %swap3A_63 : vector<1x8x2x8x128xf32> to vector<8x2x8x128xf32>
    %swap3A_65 = vector.shape_cast %transpose3A_57 : vector<8x2x8x128xf32> to vector<1x8x2x8x128xf32>
    tpu.vector_store %arg2[%swap3A_58, %swap3A_59, %swap3A_60, %swap3A_61, %swap3A_62], %swap3A_65 {strides = array<i32>} : memref<2x8x128x8x128xf32, #tpu.memory_space<vmem>>, vector<1x8x2x8x128xf32>,
    %get3A_66 = arith.constant 640 : index
    %get3A_67 = arith.constant 0 : index
    %get3A_68 = vector.load %arg1[%get3A_66, %get3A_67] : memref<16384x128xf32, #tpu.memory_space<vmem>>, vector<128x128xf32>
    %transpose3A_69 = tpu.transpose %get3A_68, [1, 0] : vector<128x128xf32> -> vector<128x128xf32>
    %reshape3A_70 = vector.shape_cast %transpose3A_69 : vector<128x128xf32> to vector<2x8x8x128xf32>
    %transpose3A_71 = tpu.transpose %reshape3A_70, [1, 0, 2, 3] : vector<2x8x8x128xf32> -> vector<8x2x8x128xf32>
    %swap3A_72 = arith.constant 0 : index
    %swap3A_73 = arith.constant 0 : index
    %swap3A_74 = arith.constant 10 : index
    %swap3A_75 = arith.constant 0 : index
    %swap3A_76 = arith.constant 0 : index
    %swap3A_77 = vector.load %arg2[%swap3A_72, %swap3A_73, %swap3A_74, %swap3A_75, %swap3A_76] : memref<2x8x128x8x128xf32, #tpu.memory_space<vmem>>, vector<1x8x2x8x128xf32>
    %swap3A_78 = vector.shape_cast %swap3A_77 : vector<1x8x2x8x128xf32> to vector<8x2x8x128xf32>
    %swap3A_79 = vector.shape_cast %transpose3A_71 : vector<8x2x8x128xf32> to vector<1x8x2x8x128xf32>
    tpu.vector_store %arg2[%swap3A_72, %swap3A_73, %swap3A_74, %swap3A_75, %swap3A_76], %swap3A_79 {strides = array<i32>} : memref<2x8x128x8x128xf32, #tpu.memory_space<vmem>>, vector<1x8x2x8x128xf32>,
    %get3A_80 = arith.constant 768 : index
    %get3A_81 = arith.constant 0 : index
    %get3A_82 = vector.load %arg1[%get3A_80, %get3A_81] : memref<16384x128xf32, #tpu.memory_space<vmem>>, vector<128x128xf32>
    %transpose3A_83 = tpu.transpose %get3A_82, [1, 0] : vector<128x128xf32> -> vector<128x128xf32>
    %reshape3A_84 = vector.shape_cast %transpose3A_83 : vector<128x128xf32> to vector<2x8x8x128xf32>
    %transpose3A_85 = tpu.transpose %reshape3A_84, [1, 0, 2, 3] : vector<2x8x8x128xf32> -> vector<8x2x8x128xf32>
    %swap3A_86 = arith.constant 0 : index
    %swap3A_87 = arith.constant 0 : index
    %swap3A_88 = arith.constant 12 : index
    %swap3A_89 = arith.constant 0 : index
    %swap3A_90 = arith.constant 0 : index
    %swap3A_91 = vector.load %arg2[%swap3A_86, %swap3A_87, %swap3A_88, %swap3A_89, %swap3A_90] : memref<2x8x128x8x128xf32, #tpu.memory_space<vmem>>, vector<1x8x2x8x128xf32>
    %swap3A_92 = vector.shape_cast %swap3A_91 : vector<1x8x2x8x128xf32> to vector<8x2x8x128xf32>
    %swap3A_93 = vector.shape_cast %transpose3A_85 : vector<8x2x8x128xf32> to vector<1x8x2x8x128xf32>
    tpu.vector_store %arg2[%swap3A_86, %swap3A_87, %swap3A_88, %swap3A_89, %swap3A_90], %swap3A_93 {strides = array<i32>} : memref<2x8x128x8x128xf32, #tpu.memory_space<vmem>>, vector<1x8x2x8x128xf32>,
    %get3A_94 = arith.constant 896 : index
    %get3A_95 = arith.constant 0 : index
    %get3A_96 = vector.load %arg1[%get3A_94, %get3A_95] : memref<16384x128xf32, #tpu.memory_space<vmem>>, vector<128x128xf32>
    %transpose3A_97 = tpu.transpose %get3A_96, [1, 0] : vector<128x128xf32> -> vector<128x128xf32>
    %reshape3A_98 = vector.shape_cast %transpose3A_97 : vector<128x128xf32> to vector<2x8x8x128xf32>
    %transpose3A_99 = tpu.transpose %reshape3A_98, [1, 0, 2, 3] : vector<2x8x8x128xf32> -> vector<8x2x8x128xf32>
    %swap3A_100 = arith.constant 0 : index
    %swap3A_101 = arith.constant 0 : index
    %swap3A_102 = arith.constant 14 : index
    %swap3A_103 = arith.constant 0 : index
    %swap3A_104 = arith.constant 0 : index
    %swap3A_105 = vector.load %arg2[%swap3A_100, %swap3A_101, %swap3A_102, %swap3A_103, %swap3A_104] : memref<2x8x128x8x128xf32, #tpu.memory_space<vmem>>, vector<1x8x2x8x128xf32>
    %swap3A_106 = vector.shape_cast %swap3A_105 : vector<1x8x2x8x128xf32> to vector<8x2x8x128xf32>
    %swap3A_107 = vector.shape_cast %transpose3A_99 : vector<8x2x8x128xf32> to vector<1x8x2x8x128xf32>
    tpu.vector_store %arg2[%swap3A_100, %swap3A_101, %swap3A_102, %swap3A_103, %swap3A_104], %swap3A_107 {strides = array<i32>} : memref<2x8x128x8x128xf32, #tpu.memory_space<vmem>>, vector<1x8x2x8x128xf32>,
    %get3A_108 = arith.constant 1024 : index
    %get3A_109 = arith.constant 0 : index
    %get3A_110 = vector.load %arg1[%get3A_108, %get3A_109] : memref<16384x128xf32, #tpu.memory_space<vmem>>, vector<128x128xf32>
    %transpose3A_111 = tpu.transpose %get3A_110, [1, 0] : vector<128x128xf32> -> vector<128x128xf32>
    %reshape3A_112 = vector.shape_cast %transpose3A_111 : vector<128x128xf32> to vector<2x8x8x128xf32>
    %transpose3A_113 = tpu.transpose %reshape3A_112, [1, 0, 2, 3] : vector<2x8x8x128xf32> -> vector<8x2x8x128xf32>
    %swap3A_114 = arith.constant 0 : index
    %swap3A_115 = arith.constant 0 : index
    %swap3A_116 = arith.constant 16 : index
    %swap3A_117 = arith.constant 0 : index
    %swap3A_118 = arith.constant 0 : index
    %swap3A_119 = vector.load %arg2[%swap3A_114, %swap3A_115, %swap3A_116, %swap3A_117, %swap3A_118] : memref<2x8x128x8x128xf32, #tpu.memory_space<vmem>>, vector<1x8x2x8x128xf32>
    %swap3A_120 = vector.shape_cast %swap3A_119 : vector<1x8x2x8x128xf32> to vector<8x2x8x128xf32>
    %swap3A_121 = vector.shape_cast %transpose3A_113 : vector<8x2x8x128xf32> to vector<1x8x2x8x128xf32>
    tpu.vector_store %arg2[%swap3A_114, %swap3A_115, %swap3A_116, %swap3A_117, %swap3A_118], %swap3A_121 {strides = array<i32>} : memref<2x8x128x8x128xf32, #tpu.memory_space<vmem>>, vector<1x8x2x8x128xf32>,
    %get3A_122 = arith.constant 1152 : index
    %get3A_123 = arith.constant 0 : index
    %get3A_124 = vector.load %arg1[%get3A_122, %get3A_123] : memref<16384x128xf32, #tpu.memory_space<vmem>>, vector<128x128xf32>
    %transpose3A_125 = tpu.transpose %get3A_124, [1, 0] : vector<128x128xf32> -> vector<128x128xf32>
    %reshape3A_126 = vector.shape_cast %transpose3A_125 : vector<128x128xf32> to vector<2x8x8x128xf32>
    %transpose3A_127 = tpu.transpose %reshape3A_126, [1, 0, 2, 3] : vector<2x8x8x128xf32> -> vector<8x2x8x128xf32>
    %swap3A_128 = arith.constant 0 : index
    %swap3A_129 = arith.constant 0 : index
    %swap3A_130 = arith.constant 18 : index
    %swap3A_131 = arith.constant 0 : index
    %swap3A_132 = arith.constant 0 : index
    %swap3A_133 = vector.load %arg2[%swap3A_128, %swap3A_129, %swap3A_130, %swap3A_131, %swap3A_132] : memref<2x8x128x8x128xf32, #tpu.memory_space<vmem>>, vector<1x8x2x8x128xf32>
    %swap3A_134 = vector.shape_cast %swap3A_133 : vector<1x8x2x8x128xf32> to vector<8x2x8x128xf32>
    %swap3A_135 = vector.shape_cast %transpose3A_127 : vector<8x2x8x128xf32> to vector<1x8x2x8x128xf32>
    tpu.vector_store %arg2[%swap3A_128, %swap3A_129, %swap3A_130, %swap3A_131, %swap3A_132], %swap3A_135 {strides = array<i32>} : memref<2x8x128x8x128xf32, #tpu.memory_space<vmem>>, vector<1x8x2x8x128xf32>,
    %get3A_136 = arith.constant 1280 : index
    %get3A_137 = arith.constant 0 : index
    %get3A_138 = vector.load %arg1[%get3A_136, %get3A_137] : memref<16384x128xf32, #tpu.memory_space<vmem>>, vector<128x128xf32>
    %transpose3A_139 = tpu.transpose %get3A_138, [1, 0] : vector<128x128xf32> -> vector<128x128xf32>
    %reshape3A_140 = vector.shape_cast %transpose3A_139 : vector<128x128xf32> to vector<2x8x8x128xf32>
    %transpose3A_141 = tpu.transpose %reshape3A_140, [1, 0, 2, 3] : vector<2x8x8x128xf32> -> vector<8x2x8x128xf32>
    %swap3A_142 = arith.constant 0 : index
    %swap3A_143 = arith.constant 0 : index
    %swap3A_144 = arith.constant 20 : index
    %swap3A_145 = arith.constant 0 : index
    %swap3A_146 = arith.constant 0 : index
    %swap3A_147 = vector.load %arg2[%swap3A_142, %swap3A_143, %swap3A_144, %swap3A_145, %swap3A_146] : memref<2x8x128x8x128xf32, #tpu.memory_space<vmem>>, vector<1x8x2x8x128xf32>
    %swap3A_148 = vector.shape_cast %swap3A_147 : vector<1x8x2x8x128xf32> to vector<8x2x8x128xf32>
    %swap3A_149 = vector.shape_cast %transpose3A_141 : vector<8x2x8x128xf32> to vector<1x8x2x8x128xf32>
    tpu.vector_store %arg2[%swap3A_142, %swap3A_143, %swap3A_144, %swap3A_145, %swap3A_146], %swap3A_149 {strides = array<i32>} : memref<2x8x128x8x128xf32, #tpu.memory_space<vmem>>, vector<1x8x2x8x128xf32>,
    %get3A_150 = arith.constant 1408 : index
    %get3A_151 = arith.constant 0 : index
    %get3A_152 = vector.load %arg1[%get3A_150, %get3A_151] : memref<16384x128xf32, #tpu.memory_space<vmem>>, vector<128x128xf32>
    %transpose3A_153 = tpu.transpose %get3A_152, [1, 0] : vector<128x128xf32> -> vector<128x128xf32>
    %reshape3A_154 = vector.shape_cast %transpose3A_153 : vector<128x128xf32> to vector<2x8x8x128xf32>
    %transpose3A_155 = tpu.transpose %reshape3A_154, [1, 0, 2, 3] : vector<2x8x8x128xf32> -> vector<8x2x8x128xf32>
    %swap3A_156 = arith.constant 0 : index
    %swap3A_157 = arith.constant 0 : index
    %swap3A_158 = arith.constant 22 : index
    %swap3A_159 = arith.constant 0 : index
    %swap3A_160 = arith.constant 0 : index
    %swap3A_161 = vector.load %arg2[%swap3A_156, %swap3A_157, %swap3A_158, %swap3A_159, %swap3A_160] : memref<2x8x128x8x128xf32, #tpu.memory_space<vmem>>, vector<1x8x2x8x128xf32>
    %swap3A_162 = vector.shape_cast %swap3A_161 : vector<1x8x2x8x128xf32> to vector<8x2x8x128xf32>
    %swap3A_163 = vector.shape_cast %transpose3A_155 : vector<8x2x8x128xf32> to vector<1x8x2x8x128xf32>
    tpu.vector_store %arg2[%swap3A_156, %swap3A_157, %swap3A_158, %swap3A_159, %swap3A_160], %swap3A_163 {strides = array<i32>} : memref<2x8x128x8x128xf32, #tpu.memory_space<vmem>>, vector<1x8x2x8x128xf32>,
    %get3A_164 = arith.constant 1536 : index
    %get3A_165 = arith.constant 0 : index
    %get3A_166 = vector.load %arg1[%get3A_164, %get3A_165] : memref<16384x128xf32, #tpu.memory_space<vmem>>, vector<128x128xf32>
    %transpose3A_167 = tpu.transpose %get3A_166, [1, 0] : vector<128x128xf32> -> vector<128x128xf32>
    %reshape3A_168 = vector.shape_cast %transpose3A_167 : vector<128x128xf32> to vector<2x8x8x128xf32>
    %transpose3A_169 = tpu.transpose %reshape3A_168, [1, 0, 2, 3] : vector<2x8x8x128xf32> -> vector<8x2x8x128xf32>
    %swap3A_170 = arith.constant 0 : index
    %swap3A_171 = arith.constant 0 : index
    %swap3A_172 = arith.constant 24 : index
    %swap3A_173 = arith.constant 0 : index
    %swap3A_174 = arith.constant 0 : index
    %swap3A_175 = vector.load %arg2[%swap3A_170, %swap3A_171, %swap3A_172, %swap3A_173, %swap3A_174] : memref<2x8x128x8x128xf32, #tpu.memory_space<vmem>>, vector<1x8x2x8x128xf32>
    %swap3A_176 = vector.shape_cast %swap3A_175 : vector<1x8x2x8x128xf32> to vector<8x2x8x128xf32>
    %swap3A_177 = vector.shape_cast %transpose3A_169 : vector<8x2x8x128xf32> to vector<1x8x2x8x128xf32>
    tpu.vector_store %arg2[%swap3A_170, %swap3A_171, %swap3A_172, %swap3A_173, %swap3A_174], %swap3A_177 {strides = array<i32>} : memref<2x8x128x8x128xf32, #tpu.memory_space<vmem>>, vector<1x8x2x8x128xf32>,
    %get3A_178 = arith.constant 1664 : index
    %get3A_179 = arith.constant 0 : index
    %get3A_180 = vector.load %arg1[%get3A_178, %get3A_179] : memref<16384x128xf32, #tpu.memory_space<vmem>>, vector<128x128xf32>
    %transpose3A_181 = tpu.transpose %get3A_180, [1, 0] : vector<128x128xf32> -> vector<128x128xf32>
    %reshape3A_182 = vector.shape_cast %transpose3A_181 : vector<128x128xf32> to vector<2x8x8x128xf32>
    %transpose3A_183 = tpu.transpose %reshape3A_182, [1, 0, 2, 3] : vector<2x8x8x128xf32> -> vector<8x2x8x128xf32>
    %swap3A_184 = arith.constant 0 : index
    %swap3A_185 = arith.constant 0 : index
    %swap3A_186 = arith.constant 26 : index
    %swap3A_187 = arith.constant 0 : index
    %swap3A_188 = arith.constant 0 : index
    %swap3A_189 = vector.load %arg2[%swap3A_184, %swap3A_185, %swap3A_186, %swap3A_187, %swap3A_188] : memref<2x8x128x8x128xf32, #tpu.memory_space<vmem>>, vector<1x8x2x8x128xf32>
    %swap3A_190 = vector.shape_cast %swap3A_189 : vector<1x8x2x8x128xf32> to vector<8x2x8x128xf32>
    %swap3A_191 = vector.shape_cast %transpose3A_183 : vector<8x2x8x128xf32> to vector<1x8x2x8x128xf32>
    tpu.vector_store %arg2[%swap3A_184, %swap3A_185, %swap3A_186, %swap3A_187, %swap3A_188], %swap3A_191 {strides = array<i32>} : memref<2x8x128x8x128xf32, #tpu.memory_space<vmem>>, vector<1x8x2x8x128xf32>,
    %get3A_192 = arith.constant 1792 : index
    %get3A_193 = arith.constant 0 : index
    %get3A_194 = vector.load %arg1[%get3A_192, %get3A_193] : memref<16384x128xf32, #tpu.memory_space<vmem>>, vector<128x128xf32>
    %transpose3A_195 = tpu.transpose %get3A_194, [1, 0] : vector<128x128xf32> -> vector<128x128xf32>
    %reshape3A_196 = vector.shape_cast %transpose3A_195 : vector<128x128xf32> to vector<2x8x8x128xf32>
    %transpose3A_197 = tpu.transpose %reshape3A_196, [1, 0, 2, 3] : vector<2x8x8x128xf32> -> vector<8x2x8x128xf32>
    %swap3A_198 = arith.constant 0 : index
    %swap3A_199 = arith.constant 0 : index
    %swap3A_200 = arith.constant 28 : index
    %swap3A_201 = arith.constant 0 : index
    %swap3A_202 = arith.constant 0 : index
    %swap3A_203 = vector.load %arg2[%swap3A_198, %swap3A_199, %swap3A_200, %swap3A_201, %swap3A_202] : memref<2x8x128x8x128xf32, #tpu.memory_space<vmem>>, vector<1x8x2x8x128xf32>
    %swap3A_204 = vector.shape_cast %swap3A_203 : vector<1x8x2x8x128xf32> to vector<8x2x8x128xf32>
    %swap3A_205 = vector.shape_cast %transpose3A_197 : vector<8x2x8x128xf32> to vector<1x8x2x8x128xf32>
    tpu.vector_store %arg2[%swap3A_198, %swap3A_199, %swap3A_200, %swap3A_201, %swap3A_202], %swap3A_205 {strides = array<i32>} : memref<2x8x128x8x128xf32, #tpu.memory_space<vmem>>, vector<1x8x2x8x128xf32>,
    %get3A_206 = arith.constant 1920 : index
    %get3A_207 = arith.constant 0 : index
    %get3A_208 = vector.load %arg1[%get3A_206, %get3A_207] : memref<16384x128xf32, #tpu.memory_space<vmem>>, vector<128x128xf32>
    %transpose3A_209 = tpu.transpose %get3A_208, [1, 0] : vector<128x128xf32> -> vector<128x128xf32>
    %reshape3A_210 = vector.shape_cast %transpose3A_209 : vector<128x128xf32> to vector<2x8x8x128xf32>
    %transpose3A_211 = tpu.transpose %reshape3A_210, [1, 0, 2, 3] : vector<2x8x8x128xf32> -> vector<8x2x8x128xf32>
    %swap3A_212 = arith.constant 0 : index
    %swap3A_213 = arith.constant 0 : index
    %swap3A_214 = arith.constant 30 : index
    %swap3A_215 = arith.constant 0 : index
    %swap3A_216 = arith.constant 0 : index
    %swap3A_217 = vector.load %arg2[%swap3A_212, %swap3A_213, %swap3A_214, %swap3A_215, %swap3A_216] : memref<2x8x128x8x128xf32, #tpu.memory_space<vmem>>, vector<1x8x2x8x128xf32>
    %swap3A_218 = vector.shape_cast %swap3A_217 : vector<1x8x2x8x128xf32> to vector<8x2x8x128xf32>
    %swap3A_219 = vector.shape_cast %transpose3A_211 : vector<8x2x8x128xf32> to vector<1x8x2x8x128xf32>
    tpu.vector_store %arg2[%swap3A_212, %swap3A_213, %swap3A_214, %swap3A_215, %swap3A_216], %swap3A_219 {strides = array<i32>} : memref<2x8x128x8x128xf32, #tpu.memory_space<vmem>>, vector<1x8x2x8x128xf32>,
    %get3A_220 = arith.constant 2048 : index
    %get3A_221 = arith.constant 0 : index
    %get3A_222 = vector.load %arg1[%get3A_220, %get3A_221] : memref<16384x128xf32, #tpu.memory_space<vmem>>, vector<128x128xf32>
    %transpose3A_223 = tpu.transpose %get3A_222, [1, 0] : vector<128x128xf32> -> vector<128x128xf32>
    %reshape3A_224 = vector.shape_cast %transpose3A_223 : vector<128x128xf32> to vector<2x8x8x128xf32>
    %transpose3A_225 = tpu.transpose %reshape3A_224, [1, 0, 2, 3] : vector<2x8x8x128xf32> -> vector<8x2x8x128xf32>
    %swap3A_226 = arith.constant 0 : index
    %swap3A_227 = arith.constant 0 : index
    %swap3A_228 = arith.constant 32 : index
    %swap3A_229 = arith.constant 0 : index
    %swap3A_230 = arith.constant 0 : index
    %swap3A_231 = vector.load %arg2[%swap3A_226, %swap3A_227, %swap3A_228, %swap3A_229, %swap3A_230] : memref<2x8x128x8x128xf32, #tpu.memory_space<vmem>>, vector<1x8x2x8x128xf32>
    %swap3A_232 = vector.shape_cast %swap3A_231 : vector<1x8x2x8x128xf32> to vector<8x2x8x128xf32>
    %swap3A_233 = vector.shape_cast %transpose3A_225 : vector<8x2x8x128xf32> to vector<1x8x2x8x128xf32>
    tpu.vector_store %arg2[%swap3A_226, %swap3A_227, %swap3A_228, %swap3A_229, %swap3A_230], %swap3A_233 {strides = array<i32>} : memref<2x8x128x8x128xf32, #tpu.memory_space<vmem>>, vector<1x8x2x8x128xf32>,
    %get3A_234 = arith.constant 2176 : index
    %get3A_235 = arith.constant 0 : index
    %get3A_236 = vector.load %arg1[%get3A_234, %get3A_235] : memref<16384x128xf32, #tpu.memory_space<vmem>>, vector<128x128xf32>
    %transpose3A_237 = tpu.transpose %get3A_236, [1, 0] : vector<128x128xf32> -> vector<128x128xf32>
    %reshape3A_238 = vector.shape_cast %transpose3A_237 : vector<128x128xf32> to vector<2x8x8x128xf32>
    %transpose3A_239 = tpu.transpose %reshape3A_238, [1, 0, 2, 3] : vector<2x8x8x128xf32> -> vector<8x2x8x128xf32>
    %swap3A_240 = arith.constant 0 : index
    %swap3A_241 = arith.constant 0 : index
    %swap3A_242 = arith.constant 34 : index
    %swap3A_243 = arith.constant 0 : index
    %swap3A_244 = arith.constant 0 : index
    %swap3A_245 = vector.load %arg2[%swap3A_240, %swap3A_241, %swap3A_242, %swap3A_243, %swap3A_244] : memref<2x8x128x8x128xf32, #tpu.memory_space<vmem>>, vector<1x8x2x8x128xf32>
    %swap3A_246 = vector.shape_cast %swap3A_245 : vector<1x8x2x8x128xf32> to vector<8x2x8x128xf32>
    %swap3A_247 = vector.shape_cast %transpose3A_239 : vector<8x2x8x128xf32> to vector<1x8x2x8x128xf32>
    tpu.vector_store %arg2[%swap3A_240, %swap3A_241, %swap3A_242, %swap3A_243, %swap3A_244], %swap3A_247 {strides = array<i32>} : memref<2x8x128x8x128xf32, #tpu.memory_space<vmem>>, vector<1x8x2x8x128xf32>,
    %get3A_248 = arith.constant 2304 : index
    %get3A_249 = arith.constant 0 : index
    %get3A_250 = vector.load %arg1[%get3A_248, %get3A_249] : memref<16384x128xf32, #tpu.memory_space<vmem>>, vector<128x128xf32>
    %transpose3A_251 = tpu.transpose %get3A_250, [1, 0] : vector<128x128xf32> -> vector<128x128xf32>
    %reshape3A_252 = vector.shape_cast %transpose3A_251 : vector<128x128xf32> to vector<2x8x8x128xf32>
    %transpose3A_253 = tpu.transpose %reshape3A_252, [1, 0, 2, 3] : vector<2x8x8x128xf32> -> vector<8x2x8x128xf32>
    %swap3A_254 = arith.constant 0 : index
    %swap3A_255 = arith.constant 0 : index
    %swap3A_256 = arith.constant 36 : index
    %swap3A_257 = arith.constant 0 : index
    %swap3A_258 = arith.constant 0 : index
    %swap3A_259 = vector.load %arg2[%swap3A_254, %swap3A_255, %swap3A_256, %swap3A_257, %swap3A_258] : memref<2x8x128x8x128xf32, #tpu.memory_space<vmem>>, vector<1x8x2x8x128xf32>
    %swap3A_260 = vector.shape_cast %swap3A_259 : vector<1x8x2x8x128xf32> to vector<8x2x8x128xf32>
    %swap3A_261 = vector.shape_cast %transpose3A_253 : vector<8x2x8x128xf32> to vector<1x8x2x8x128xf32>
    tpu.vector_store %arg2[%swap3A_254, %swap3A_255, %swap3A_256, %swap3A_257, %swap3A_258], %swap3A_261 {strides = array<i32>} : memref<2x8x128x8x128xf32, #tpu.memory_space<vmem>>, vector<1x8x2x8x128xf32>,
    %get3A_262 = arith.constant 2432 : index
    %get3A_263 = arith.constant 0 : index
    %get3A_264 = vector.load %arg1[%get3A_262, %get3A_263] : memref<16384x128xf32, #tpu.memory_space<vmem>>, vector<128x128xf32>
    %transpose3A_265 = tpu.transpose %get3A_264, [1, 0] : vector<128x128xf32> -> vector<128x128xf32>
    %reshape3A_266 = vector.shape_cast %transpose3A_265 : vector<128x128xf32> to vector<2x8x8x128xf32>
    %transpose3A_267 = tpu.transpose %reshape3A_266, [1, 0, 2, 3] : vector<2x8x8x128xf32> -> vector<8x2x8x128xf32>
    %swap3A_268 = arith.constant 0 : index
    %swap3A_269 = arith.constant 0 : index
    %swap3A_270 = arith.constant 38 : index
    %swap3A_271 = arith.constant 0 : index
    %swap3A_272 = arith.constant 0 : index
    %swap3A_273 = vector.load %arg2[%swap3A_268, %swap3A_269, %swap3A_270, %swap3A_271, %swap3A_272] : memref<2x8x128x8x128xf32, #tpu.memory_space<vmem>>, vector<1x8x2x8x128xf32>
    %swap3A_274 = vector.shape_cast %swap3A_273 : vector<1x8x2x8x128xf32> to vector<8x2x8x128xf32>
    %swap3A_275 = vector.shape_cast %transpose3A_267 : vector<8x2x8x128xf32> to vector<1x8x2x8x128xf32>
    tpu.vector_store %arg2[%swap3A_268, %swap3A_269, %swap3A_270, %swap3A_271, %swap3A_272], %swap3A_275 {strides = array<i32>} : memref<2x8x128x8x128xf32, #tpu.memory_space<vmem>>, vector<1x8x2x8x128xf32>,
    %get3A_276 = arith.constant 2560 : index
    %get3A_277 = arith.constant 0 : index
    %get3A_278 = vector.load %arg1[%get3A_276, %get3A_277] : memref<16384x128xf32, #tpu.memory_space<vmem>>, vector<128x128xf32>
    %transpose3A_279 = tpu.transpose %get3A_278, [1, 0] : vector<128x128xf32> -> vector<128x128xf32>
    %reshape3A_280 = vector.shape_cast %transpose3A_279 : vector<128x128xf32> to vector<2x8x8x128xf32>
    %transpose3A_281 = tpu.transpose %reshape3A_280, [1, 0, 2, 3] : vector<2x8x8x128xf32> -> vector<8x2x8x128xf32>
    %swap3A_282 = arith.constant 0 : index
    %swap3A_283 = arith.constant 0 : index
    %swap3A_284 = arith.constant 40 : index
    %swap3A_285 = arith.constant 0 : index
    %swap3A_286 = arith.constant 0 : index
    %swap3A_287 = vector.load %arg2[%swap3A_282, %swap3A_283, %swap3A_284, %swap3A_285, %swap3A_286] : memref<2x8x128x8x128xf32, #tpu.memory_space<vmem>>, vector<1x8x2x8x128xf32>
    %swap3A_288 = vector.shape_cast %swap3A_287 : vector<1x8x2x8x128xf32> to vector<8x2x8x128xf32>
    %swap3A_289 = vector.shape_cast %transpose3A_281 : vector<8x2x8x128xf32> to vector<1x8x2x8x128xf32>
    tpu.vector_store %arg2[%swap3A_282, %swap3A_283, %swap3A_284, %swap3A_285, %swap3A_286], %swap3A_289 {strides = array<i32>} : memref<2x8x128x8x128xf32, #tpu.memory_space<vmem>>, vector<1x8x2x8x128xf32>,
    %get3A_290 = arith.constant 2688 : index
    %get3A_291 = arith.constant 0 : index
    %get3A_292 = vector.load %arg1[%get3A_290, %get3A_291] : memref<16384x128xf32, #tpu.memory_space<vmem>>, vector<128x128xf32>
    %transpose3A_293 = tpu.transpose %get3A_292, [1, 0] : vector<128x128xf32> -> vector<128x128xf32>
    %reshape3A_294 = vector.shape_cast %transpose3A_293 : vector<128x128xf32> to vector<2x8x8x128xf32>
    %transpose3A_295 = tpu.transpose %reshape3A_294, [1, 0, 2, 3] : vector<2x8x8x128xf32> -> vector<8x2x8x128xf32>
    %swap3A_296 = arith.constant 0 : index
    %swap3A_297 = arith.constant 0 : index
    %swap3A_298 = arith.constant 42 : index
    %swap3A_299 = arith.constant 0 : index
    %swap3A_300 = arith.constant 0 : index
    %swap3A_301 = vector.load %arg2[%swap3A_296, %swap3A_297, %swap3A_298, %swap3A_299, %swap3A_300] : memref<2x8x128x8x128xf32, #tpu.memory_space<vmem>>, vector<1x8x2x8x128xf32>
    %swap3A_302 = vector.shape_cast %swap3A_301 : vector<1x8x2x8x128xf32> to vector<8x2x8x128xf32>
    %swap3A_303 = vector.shape_cast %transpose3A_295 : vector<8x2x8x128xf32> to vector<1x8x2x8x128xf32>
    tpu.vector_store %arg2[%swap3A_296, %swap3A_297, %swap3A_298, %swap3A_299, %swap3A_300], %swap3A_303 {strides = array<i32>} : memref<2x8x128x8x128xf32, #tpu.memory_space<vmem>>, vector<1x8x2x8x128xf32>,
    %get3A_304 = arith.constant 2816 : index
    %get3A_305 = arith.constant 0 : index
    %get3A_306 = vector.load %arg1[%get3A_304, %get3A_305] : memref<16384x128xf32, #tpu.memory_space<vmem>>, vector<128x128xf32>
    %transpose3A_307 = tpu.transpose %get3A_306, [1, 0] : vector<128x128xf32> -> vector<128x128xf32>
    %reshape3A_308 = vector.shape_cast %transpose3A_307 : vector<128x128xf32> to vector<2x8x8x128xf32>
    %transpose3A_309 = tpu.transpose %reshape3A_308, [1, 0, 2, 3] : vector<2x8x8x128xf32> -> vector<8x2x8x128xf32>
    %swap3A_310 = arith.constant 0 : index
    %swap3A_311 = arith.constant 0 : index
    %swap3A_312 = arith.constant 44 : index
    %swap3A_313 = arith.constant 0 : index
    %swap3A_314 = arith.constant 0 : index
    %swap3A_315 = vector.load %arg2[%swap3A_310, %swap3A_311, %swap3A_312, %swap3A_313, %swap3A_314] : memref<2x8x128x8x128xf32, #tpu.memory_space<vmem>>, vector<1x8x2x8x128xf32>
    %swap3A_316 = vector.shape_cast %swap3A_315 : vector<1x8x2x8x128xf32> to vector<8x2x8x128xf32>
    %swap3A_317 = vector.shape_cast %transpose3A_309 : vector<8x2x8x128xf32> to vector<1x8x2x8x128xf32>
    tpu.vector_store %arg2[%swap3A_310, %swap3A_311, %swap3A_312, %swap3A_313, %swap3A_314], %swap3A_317 {strides = array<i32>} : memref<2x8x128x8x128xf32, #tpu.memory_space<vmem>>, vector<1x8x2x8x128xf32>,
    %get3A_318 = arith.constant 2944 : index
    %get3A_319 = arith.constant 0 : index
    %get3A_320 = vector.load %arg1[%get3A_318, %get3A_319] : memref<16384x128xf32, #tpu.memory_space<vmem>>, vector<128x128xf32>
    %transpose3A_321 = tpu.transpose %get3A_320, [1, 0] : vector<128x128xf32> -> vector<128x128xf32>
    %reshape3A_322 = vector.shape_cast %transpose3A_321 : vector<128x128xf32> to vector<2x8x8x128xf32>
    %transpose3A_323 = tpu.transpose %reshape3A_322, [1, 0, 2, 3] : vector<2x8x8x128xf32> -> vector<8x2x8x128xf32>
    %swap3A_324 = arith.constant 0 : index
    %swap3A_325 = arith.constant 0 : index
    %swap3A_326 = arith.constant 46 : index
    %swap3A_327 = arith.constant 0 : index
    %swap3A_328 = arith.constant 0 : index
    %swap3A_329 = vector.load %arg2[%swap3A_324, %swap3A_325, %swap3A_326, %swap3A_327, %swap3A_328] : memref<2x8x128x8x128xf32, #tpu.memory_space<vmem>>, vector<1x8x2x8x128xf32>
    %swap3A_330 = vector.shape_cast %swap3A_329 : vector<1x8x2x8x128xf32> to vector<8x2x8x128xf32>
    %swap3A_331 = vector.shape_cast %transpose3A_323 : vector<8x2x8x128xf32> to vector<1x8x2x8x128xf32>
    tpu.vector_store %arg2[%swap3A_324, %swap3A_325, %swap3A_326, %swap3A_327, %swap3A_328], %swap3A_331 {strides = array<i32>} : memref<2x8x128x8x128xf32, #tpu.memory_space<vmem>>, vector<1x8x2x8x128xf32>,
    %get3A_332 = arith.constant 3072 : index
    %get3A_333 = arith.constant 0 : index
    %get3A_334 = vector.load %arg1[%get3A_332, %get3A_333] : memref<16384x128xf32, #tpu.memory_space<vmem>>, vector<128x128xf32>
    %transpose3A_335 = tpu.transpose %get3A_334, [1, 0] : vector<128x128xf32> -> vector<128x128xf32>
    %reshape3A_336 = vector.shape_cast %transpose3A_335 : vector<128x128xf32> to vector<2x8x8x128xf32>
    %transpose3A_337 = tpu.transpose %reshape3A_336, [1, 0, 2, 3] : vector<2x8x8x128xf32> -> vector<8x2x8x128xf32>
    %swap3A_338 = arith.constant 0 : index
    %swap3A_339 = arith.constant 0 : index
    %swap3A_340 = arith.constant 48 : index
    %swap3A_341 = arith.constant 0 : index
    %swap3A_342 = arith.constant 0 : index
    %swap3A_343 = vector.load %arg2[%swap3A_338, %swap3A_339, %swap3A_340, %swap3A_341, %swap3A_342] : memref<2x8x128x8x128xf32, #tpu.memory_space<vmem>>, vector<1x8x2x8x128xf32>
    %swap3A_344 = vector.shape_cast %swap3A_343 : vector<1x8x2x8x128xf32> to vector<8x2x8x128xf32>
    %swap3A_345 = vector.shape_cast %transpose3A_337 : vector<8x2x8x128xf32> to vector<1x8x2x8x128xf32>
    tpu.vector_store %arg2[%swap3A_338, %swap3A_339, %swap3A_340, %swap3A_341, %swap3A_342], %swap3A_345 {strides = array<i32>} : memref<2x8x128x8x128xf32, #tpu.memory_space<vmem>>, vector<1x8x2x8x128xf32>,
    %get3A_346 = arith.constant 3200 : index
    %get3A_347 = arith.constant 0 : index
    %get3A_348 = vector.load %arg1[%get3A_346, %get3A_347] : memref<16384x128xf32, #tpu.memory_space<vmem>>, vector<128x128xf32>
    %transpose3A_349 = tpu.transpose %get3A_348, [1, 0] : vector<128x128xf32> -> vector<128x128xf32>
    %reshape3A_350 = vector.shape_cast %transpose3A_349 : vector<128x128xf32> to vector<2x8x8x128xf32>
    %transpose3A_351 = tpu.transpose %reshape3A_350, [1, 0, 2, 3] : vector<2x8x8x128xf32> -> vector<8x2x8x128xf32>
    %swap3A_352 = arith.constant 0 : index
    %swap3A_353 = arith.constant 0 : index
    %swap3A_354 = arith.constant 50 : index
    %swap3A_355 = arith.constant 0 : index
    %swap3A_356 = arith.constant 0 : index
    %swap3A_357 = vector.load %arg2[%swap3A_352, %swap3A_353, %swap3A_354, %swap3A_355, %swap3A_356] : memref<2x8x128x8x128xf32, #tpu.memory_space<vmem>>, vector<1x8x2x8x128xf32>
    %swap3A_358 = vector.shape_cast %swap3A_357 : vector<1x8x2x8x128xf32> to vector<8x2x8x128xf32>
    %swap3A_359 = vector.shape_cast %transpose3A_351 : vector<8x2x8x128xf32> to vector<1x8x2x8x128xf32>
    tpu.vector_store %arg2[%swap3A_352, %swap3A_353, %swap3A_354, %swap3A_355, %swap3A_356], %swap3A_359 {strides = array<i32>} : memref<2x8x128x8x128xf32, #tpu.memory_space<vmem>>, vector<1x8x2x8x128xf32>,
    %get3A_360 = arith.constant 3328 : index
    %get3A_361 = arith.constant 0 : index
    %get3A_362 = vector.load %arg1[%get3A_360, %get3A_361] : memref<16384x128xf32, #tpu.memory_space<vmem>>, vector<128x128xf32>
    %transpose3A_363 = tpu.transpose %get3A_362, [1, 0] : vector<128x128xf32> -> vector<128x128xf32>
    %reshape3A_364 = vector.shape_cast %transpose3A_363 : vector<128x128xf32> to vector<2x8x8x128xf32>
    %transpose3A_365 = tpu.transpose %reshape3A_364, [1, 0, 2, 3] : vector<2x8x8x128xf32> -> vector<8x2x8x128xf32>
    %swap3A_366 = arith.constant 0 : index
    %swap3A_367 = arith.constant 0 : index
    %swap3A_368 = arith.constant 52 : index
    %swap3A_369 = arith.constant 0 : index
    %swap3A_370 = arith.constant 0 : index
    %swap3A_371 = vector.load %arg2[%swap3A_366, %swap3A_367, %swap3A_368, %swap3A_369, %swap3A_370] : memref<2x8x128x8x128xf32, #tpu.memory_space<vmem>>, vector<1x8x2x8x128xf32>
    %swap3A_372 = vector.shape_cast %swap3A_371 : vector<1x8x2x8x128xf32> to vector<8x2x8x128xf32>
    %swap3A_373 = vector.shape_cast %transpose3A_365 : vector<8x2x8x128xf32> to vector<1x8x2x8x128xf32>
    tpu.vector_store %arg2[%swap3A_366, %swap3A_367, %swap3A_368, %swap3A_369, %swap3A_370], %swap3A_373 {strides = array<i32>} : memref<2x8x128x8x128xf32, #tpu.memory_space<vmem>>, vector<1x8x2x8x128xf32>,
    %get3A_374 = arith.constant 3456 : index
    %get3A_375 = arith.constant 0 : index
    %get3A_376 = vector.load %arg1[%get3A_374, %get3A_375] : memref<16384x128xf32, #tpu.memory_space<vmem>>, vector<128x128xf32>
    %transpose3A_377 = tpu.transpose %get3A_376, [1, 0] : vector<128x128xf32> -> vector<128x128xf32>
    %reshape3A_378 = vector.shape_cast %transpose3A_377 : vector<128x128xf32> to vector<2x8x8x128xf32>
    %transpose3A_379 = tpu.transpose %reshape3A_378, [1, 0, 2, 3] : vector<2x8x8x128xf32> -> vector<8x2x8x128xf32>
    %swap3A_380 = arith.constant 0 : index
    %swap3A_381 = arith.constant 0 : index
    %swap3A_382 = arith.constant 54 : index
    %swap3A_383 = arith.constant 0 : index
    %swap3A_384 = arith.constant 0 : index
    %swap3A_385 = vector.load %arg2[%swap3A_380, %swap3A_381, %swap3A_382, %swap3A_383, %swap3A_384] : memref<2x8x128x8x128xf32, #tpu.memory_space<vmem>>, vector<1x8x2x8x128xf32>
    %swap3A_386 = vector.shape_cast %swap3A_385 : vector<1x8x2x8x128xf32> to vector<8x2x8x128xf32>
    %swap3A_387 = vector.shape_cast %transpose3A_379 : vector<8x2x8x128xf32> to vector<1x8x2x8x128xf32>
    tpu.vector_store %arg2[%swap3A_380, %swap3A_381, %swap3A_382, %swap3A_383, %swap3A_384], %swap3A_387 {strides = array<i32>} : memref<2x8x128x8x128xf32, #tpu.memory_space<vmem>>, vector<1x8x2x8x128xf32>,
    %get3A_388 = arith.constant 3584 : index
    %get3A_389 = arith.constant 0 : index
    %get3A_390 = vector.load %arg1[%get3A_388, %get3A_389] : memref<16384x128xf32, #tpu.memory_space<vmem>>, vector<128x128xf32>
    %transpose3A_391 = tpu.transpose %get3A_390, [1, 0] : vector<128x128xf32> -> vector<128x128xf32>
    %reshape3A_392 = vector.shape_cast %transpose3A_391 : vector<128x128xf32> to vector<2x8x8x128xf32>
    %transpose3A_393 = tpu.transpose %reshape3A_392, [1, 0, 2, 3] : vector<2x8x8x128xf32> -> vector<8x2x8x128xf32>
    %swap3A_394 = arith.constant 0 : index
    %swap3A_395 = arith.constant 0 : index
    %swap3A_396 = arith.constant 56 : index
    %swap3A_397 = arith.constant 0 : index
    %swap3A_398 = arith.constant 0 : index
    %swap3A_399 = vector.load %arg2[%swap3A_394, %swap3A_395, %swap3A_396, %swap3A_397, %swap3A_398] : memref<2x8x128x8x128xf32, #tpu.memory_space<vmem>>, vector<1x8x2x8x128xf32>
    %swap3A_400 = vector.shape_cast %swap3A_399 : vector<1x8x2x8x128xf32> to vector<8x2x8x128xf32>
    %swap3A_401 = vector.shape_cast %transpose3A_393 : vector<8x2x8x128xf32> to vector<1x8x2x8x128xf32>
    tpu.vector_store %arg2[%swap3A_394, %swap3A_395, %swap3A_396, %swap3A_397, %swap3A_398], %swap3A_401 {strides = array<i32>} : memref<2x8x128x8x128xf32, #tpu.memory_space<vmem>>, vector<1x8x2x8x128xf32>,
    %get3A_402 = arith.constant 3712 : index
    %get3A_403 = arith.constant 0 : index
    %get3A_404 = vector.load %arg1[%get3A_402, %get3A_403] : memref<16384x128xf32, #tpu.memory_space<vmem>>, vector<128x128xf32>
    %transpose3A_405 = tpu.transpose %get3A_404, [1, 0] : vector<128x128xf32> -> vector<128x128xf32>
    %reshape3A_406 = vector.shape_cast %transpose3A_405 : vector<128x128xf32> to vector<2x8x8x128xf32>
    %transpose3A_407 = tpu.transpose %reshape3A_406, [1, 0, 2, 3] : vector<2x8x8x128xf32> -> vector<8x2x8x128xf32>
    %swap3A_408 = arith.constant 0 : index
    %swap3A_409 = arith.constant 0 : index
    %swap3A_410 = arith.constant 58 : index
    %swap3A_411 = arith.constant 0 : index
    %swap3A_412 = arith.constant 0 : index
    %swap3A_413 = vector.load %arg2[%swap3A_408, %swap3A_409, %swap3A_410, %swap3A_411, %swap3A_412] : memref<2x8x128x8x128xf32, #tpu.memory_space<vmem>>, vector<1x8x2x8x128xf32>
    %swap3A_414 = vector.shape_cast %swap3A_413 : vector<1x8x2x8x128xf32> to vector<8x2x8x128xf32>
    %swap3A_415 = vector.shape_cast %transpose3A_407 : vector<8x2x8x128xf32> to vector<1x8x2x8x128xf32>
    tpu.vector_store %arg2[%swap3A_408, %swap3A_409, %swap3A_410, %swap3A_411, %swap3A_412], %swap3A_415 {strides = array<i32>} : memref<2x8x128x8x128xf32, #tpu.memory_space<vmem>>, vector<1x8x2x8x128xf32>,
    %get3A_416 = arith.constant 3840 : index
    %get3A_417 = arith.constant 0 : index
    %get3A_418 = vector.load %arg1[%get3A_416, %get3A_417] : memref<16384x128xf32, #tpu.memory_space<vmem>>, vector<128x128xf32>
    %transpose3A_419 = tpu.transpose %get3A_418, [1, 0] : vector<128x128xf32> -> vector<128x128xf32>
    %reshape3A_420 = vector.shape_cast %transpose3A_419 : vector<128x128xf32> to vector<2x8x8x128xf32>
    %transpose3A_421 = tpu.transpose %reshape3A_420, [1, 0, 2, 3] : vector<2x8x8x128xf32> -> vector<8x2x8x128xf32>
    %swap3A_422 = arith.constant 0 : index
    %swap3A_423 = arith.constant 0 : index
    %swap3A_424 = arith.constant 60 : index
    %swap3A_425 = arith.constant 0 : index
    %swap3A_426 = arith.constant 0 : index
    %swap3A_427 = vector.load %arg2[%swap3A_422, %swap3A_423, %swap3A_424, %swap3A_425, %swap3A_426] : memref<2x8x128x8x128xf32, #tpu.memory_space<vmem>>, vector<1x8x2x8x128xf32>
    %swap3A_428 = vector.shape_cast %swap3A_427 : vector<1x8x2x8x128xf32> to vector<8x2x8x128xf32>
    %swap3A_429 = vector.shape_cast %transpose3A_421 : vector<8x2x8x128xf32> to vector<1x8x2x8x128xf32>
    tpu.vector_store %arg2[%swap3A_422, %swap3A_423, %swap3A_424, %swap3A_425, %swap3A_426], %swap3A_429 {strides = array<i32>} : memref<2x8x128x8x128xf32, #tpu.memory_space<vmem>>, vector<1x8x2x8x128xf32>,
    %get3A_430 = arith.constant 3968 : index
    %get3A_431 = arith.constant 0 : index
    %get3A_432 = vector.load %arg1[%get3A_430, %get3A_431] : memref<16384x128xf32, #tpu.memory_space<vmem>>, vector<128x128xf32>
    %transpose3A_433 = tpu.transpose %get3A_432, [1, 0] : vector<128x128xf32> -> vector<128x128xf32>
    %reshape3A_434 = vector.shape_cast %transpose3A_433 : vector<128x128xf32> to vector<2x8x8x128xf32>
    %transpose3A_435 = tpu.transpose %reshape3A_434, [1, 0, 2, 3] : vector<2x8x8x128xf32> -> vector<8x2x8x128xf32>
    %swap3A_436 = arith.constant 0 : index
    %swap3A_437 = arith.constant 0 : index
    %swap3A_438 = arith.constant 62 : index
    %swap3A_439 = arith.constant 0 : index
    %swap3A_440 = arith.constant 0 : index
    %swap3A_441 = vector.load %arg2[%swap3A_436, %swap3A_437, %swap3A_438, %swap3A_439, %swap3A_440] : memref<2x8x128x8x128xf32, #tpu.memory_space<vmem>>, vector<1x8x2x8x128xf32>
    %swap3A_442 = vector.shape_cast %swap3A_441 : vector<1x8x2x8x128xf32> to vector<8x2x8x128xf32>
    %swap3A_443 = vector.shape_cast %transpose3A_435 : vector<8x2x8x128xf32> to vector<1x8x2x8x128xf32>
    tpu.vector_store %arg2[%swap3A_436, %swap3A_437, %swap3A_438, %swap3A_439, %swap3A_440], %swap3A_443 {strides = array<i32>} : memref<2x8x128x8x128xf32, #tpu.memory_space<vmem>>, vector<1x8x2x8x128xf32>,
    %get3A_444 = arith.constant 4096 : index
    %get3A_445 = arith.constant 0 : index
    %get3A_446 = vector.load %arg1[%get3A_444, %get3A_445] : memref<16384x128xf32, #tpu.memory_space<vmem>>, vector<128x128xf32>
    %transpose3A_447 = tpu.transpose %get3A_446, [1, 0] : vector<128x128xf32> -> vector<128x128xf32>
    %reshape3A_448 = vector.shape_cast %transpose3A_447 : vector<128x128xf32> to vector<2x8x8x128xf32>
    %transpose3A_449 = tpu.transpose %reshape3A_448, [1, 0, 2, 3] : vector<2x8x8x128xf32> -> vector<8x2x8x128xf32>
    %swap3A_450 = arith.constant 0 : index
    %swap3A_451 = arith.constant 0 : index
    %swap3A_452 = arith.constant 64 : index
    %swap3A_453 = arith.constant 0 : index
    %swap3A_454 = arith.constant 0 : index
    %swap3A_455 = vector.load %arg2[%swap3A_450, %swap3A_451, %swap3A_452, %swap3A_453, %swap3A_454] : memref<2x8x128x8x128xf32, #tpu.memory_space<vmem>>, vector<1x8x2x8x128xf32>
    %swap3A_456 = vector.shape_cast %swap3A_455 : vector<1x8x2x8x128xf32> to vector<8x2x8x128xf32>
    %swap3A_457 = vector.shape_cast %transpose3A_449 : vector<8x2x8x128xf32> to vector<1x8x2x8x128xf32>
    tpu.vector_store %arg2[%swap3A_450, %swap3A_451, %swap3A_452, %swap3A_453, %swap3A_454], %swap3A_457 {strides = array<i32>} : memref<2x8x128x8x128xf32, #tpu.memory_space<vmem>>, vector<1x8x2x8x128xf32>,
    %get3A_458 = arith.constant 4224 : index
    %get3A_459 = arith.constant 0 : index
    %get3A_460 = vector.load %arg1[%get3A_458, %get3A_459] : memref<16384x128xf32, #tpu.memory_space<vmem>>, vector<128x128xf32>
    %transpose3A_461 = tpu.transpose %get3A_460, [1, 0] : vector<128x128xf32> -> vector<128x128xf32>
    %reshape3A_462 = vector.shape_cast %transpose3A_461 : vector<128x128xf32> to vector<2x8x8x128xf32>
    %transpose3A_463 = tpu.transpose %reshape3A_462, [1, 0, 2, 3] : vector<2x8x8x128xf32> -> vector<8x2x8x128xf32>
    %swap3A_464 = arith.constant 0 : index
    %swap3A_465 = arith.constant 0 : index
    %swap3A_466 = arith.constant 66 : index
    %swap3A_467 = arith.constant 0 : index
    %swap3A_468 = arith.constant 0 : index
    %swap3A_469 = vector.load %arg2[%swap3A_464, %swap3A_465, %swap3A_466, %swap3A_467, %swap3A_468] : memref<2x8x128x8x128xf32, #tpu.memory_space<vmem>>, vector<1x8x2x8x128xf32>
    %swap3A_470 = vector.shape_cast %swap3A_469 : vector<1x8x2x8x128xf32> to vector<8x2x8x128xf32>
    %swap3A_471 = vector.shape_cast %transpose3A_463 : vector<8x2x8x128xf32> to vector<1x8x2x8x128xf32>
    tpu.vector_store %arg2[%swap3A_464, %swap3A_465, %swap3A_466, %swap3A_467, %swap3A_468], %swap3A_471 {strides = array<i32>} : memref<2x8x128x8x128xf32, #tpu.memory_space<vmem>>, vector<1x8x2x8x128xf32>,
    %get3A_472 = arith.constant 4352 : index
    %get3A_473 = arith.constant 0 : index
    %get3A_474 = vector.load %arg1[%get3A_472, %get3A_473] : memref<16384x128xf32, #tpu.memory_space<vmem>>, vector<128x128xf32>
    %transpose3A_475 = tpu.transpose %get3A_474, [1, 0] : vector<128x128xf32> -> vector<128x128xf32>
    %reshape3A_476 = vector.shape_cast %transpose3A_475 : vector<128x128xf32> to vector<2x8x8x128xf32>
    %transpose3A_477 = tpu.transpose %reshape3A_476, [1, 0, 2, 3] : vector<2x8x8x128xf32> -> vector<8x2x8x128xf32>
    %swap3A_478 = arith.constant 0 : index
    %swap3A_479 = arith.constant 0 : index
    %swap3A_480 = arith.constant 68 : index
    %swap3A_481 = arith.constant 0 : index
    %swap3A_482 = arith.constant 0 : index
    %swap3A_483 = vector.load %arg2[%swap3A_478, %swap3A_479, %swap3A_480, %swap3A_481, %swap3A_482] : memref<2x8x128x8x128xf32, #tpu.memory_space<vmem>>, vector<1x8x2x8x128xf32>
    %swap3A_484 = vector.shape_cast %swap3A_483 : vector<1x8x2x8x128xf32> to vector<8x2x8x128xf32>
    %swap3A_485 = vector.shape_cast %transpose3A_477 : vector<8x2x8x128xf32> to vector<1x8x2x8x128xf32>
    tpu.vector_store %arg2[%swap3A_478, %swap3A_479, %swap3A_480, %swap3A_481, %swap3A_482], %swap3A_485 {strides = array<i32>} : memref<2x8x128x8x128xf32, #tpu.memory_space<vmem>>, vector<1x8x2x8x128xf32>,
    %get3A_486 = arith.constant 4480 : index
    %get3A_487 = arith.constant 0 : index
    %get3A_488 = vector.load %arg1[%get3A_486, %get3A_487] : memref<16384x128xf32, #tpu.memory_space<vmem>>, vector<128x128xf32>
    %transpose3A_489 = tpu.transpose %get3A_488, [1, 0] : vector<128x128xf32> -> vector<128x128xf32>
    %reshape3A_490 = vector.shape_cast %transpose3A_489 : vector<128x128xf32> to vector<2x8x8x128xf32>
    %transpose3A_491 = tpu.transpose %reshape3A_490, [1, 0, 2, 3] : vector<2x8x8x128xf32> -> vector<8x2x8x128xf32>
    %swap3A_492 = arith.constant 0 : index
    %swap3A_493 = arith.constant 0 : index
    %swap3A_494 = arith.constant 70 : index
    %swap3A_495 = arith.constant 0 : index
    %swap3A_496 = arith.constant 0 : index
    %swap3A_497 = vector.load %arg2[%swap3A_492, %swap3A_493, %swap3A_494, %swap3A_495, %swap3A_496] : memref<2x8x128x8x128xf32, #tpu.memory_space<vmem>>, vector<1x8x2x8x128xf32>
    %swap3A_498 = vector.shape_cast %swap3A_497 : vector<1x8x2x8x128xf32> to vector<8x2x8x128xf32>
    %swap3A_499 = vector.shape_cast %transpose3A_491 : vector<8x2x8x128xf32> to vector<1x8x2x8x128xf32>
    tpu.vector_store %arg2[%swap3A_492, %swap3A_493, %swap3A_494, %swap3A_495, %swap3A_496], %swap3A_499 {strides = array<i32>} : memref<2x8x128x8x128xf32, #tpu.memory_space<vmem>>, vector<1x8x2x8x128xf32>,
    %get3A_500 = arith.constant 4608 : index
    %get3A_501 = arith.constant 0 : index
    %get3A_502 = vector.load %arg1[%get3A_500, %get3A_501] : memref<16384x128xf32, #tpu.memory_space<vmem>>, vector<128x128xf32>
    %transpose3A_503 = tpu.transpose %get3A_502, [1, 0] : vector<128x128xf32> -> vector<128x128xf32>
    %reshape3A_504 = vector.shape_cast %transpose3A_503 : vector<128x128xf32> to vector<2x8x8x128xf32>
    %transpose3A_505 = tpu.transpose %reshape3A_504, [1, 0, 2, 3] : vector<2x8x8x128xf32> -> vector<8x2x8x128xf32>
    %swap3A_506 = arith.constant 0 : index
    %swap3A_507 = arith.constant 0 : index
    %swap3A_508 = arith.constant 72 : index
    %swap3A_509 = arith.constant 0 : index
    %swap3A_510 = arith.constant 0 : index
    %swap3A_511 = vector.load %arg2[%swap3A_506, %swap3A_507, %swap3A_508, %swap3A_509, %swap3A_510] : memref<2x8x128x8x128xf32, #tpu.memory_space<vmem>>, vector<1x8x2x8x128xf32>
    %swap3A_512 = vector.shape_cast %swap3A_511 : vector<1x8x2x8x128xf32> to vector<8x2x8x128xf32>
    %swap3A_513 = vector.shape_cast %transpose3A_505 : vector<8x2x8x128xf32> to vector<1x8x2x8x128xf32>
    tpu.vector_store %arg2[%swap3A_506, %swap3A_507, %swap3A_508, %swap3A_509, %swap3A_510], %swap3A_513 {strides = array<i32>} : memref<2x8x128x8x128xf32, #tpu.memory_space<vmem>>, vector<1x8x2x8x128xf32>,
    %get3A_514 = arith.constant 4736 : index
    %get3A_515 = arith.constant 0 : index
    %get3A_516 = vector.load %arg1[%get3A_514, %get3A_515] : memref<16384x128xf32, #tpu.memory_space<vmem>>, vector<128x128xf32>
    %transpose3A_517 = tpu.transpose %get3A_516, [1, 0] : vector<128x128xf32> -> vector<128x128xf32>
    %reshape3A_518 = vector.shape_cast %transpose3A_517 : vector<128x128xf32> to vector<2x8x8x128xf32>
    %transpose3A_519 = tpu.transpose %reshape3A_518, [1, 0, 2, 3] : vector<2x8x8x128xf32> -> vector<8x2x8x128xf32>
    %swap3A_520 = arith.constant 0 : index
    %swap3A_521 = arith.constant 0 : index
    %swap3A_522 = arith.constant 74 : index
    %swap3A_523 = arith.constant 0 : index
    %swap3A_524 = arith.constant 0 : index
    %swap3A_525 = vector.load %arg2[%swap3A_520, %swap3A_521, %swap3A_522, %swap3A_523, %swap3A_524] : memref<2x8x128x8x128xf32, #tpu.memory_space<vmem>>, vector<1x8x2x8x128xf32>
    %swap3A_526 = vector.shape_cast %swap3A_525 : vector<1x8x2x8x128xf32> to vector<8x2x8x128xf32>
    %swap3A_527 = vector.shape_cast %transpose3A_519 : vector<8x2x8x128xf32> to vector<1x8x2x8x128xf32>
    tpu.vector_store %arg2[%swap3A_520, %swap3A_521, %swap3A_522, %swap3A_523, %swap3A_524], %swap3A_527 {strides = array<i32>} : memref<2x8x128x8x128xf32, #tpu.memory_space<vmem>>, vector<1x8x2x8x128xf32>,
    %get3A_528 = arith.constant 4864 : index
    %get3A_529 = arith.constant 0 : index
    %get3A_530 = vector.load %arg1[%get3A_528, %get3A_529] : memref<16384x128xf32, #tpu.memory_space<vmem>>, vector<128x128xf32>
    %transpose3A_531 = tpu.transpose %get3A_530, [1, 0] : vector<128x128xf32> -> vector<128x128xf32>
    %reshape3A_532 = vector.shape_cast %transpose3A_531 : vector<128x128xf32> to vector<2x8x8x128xf32>
    %transpose3A_533 = tpu.transpose %reshape3A_532, [1, 0, 2, 3] : vector<2x8x8x128xf32> -> vector<8x2x8x128xf32>
    %swap3A_534 = arith.constant 0 : index
    %swap3A_535 = arith.constant 0 : index
    %swap3A_536 = arith.constant 76 : index
    %swap3A_537 = arith.constant 0 : index
    %swap3A_538 = arith.constant 0 : index
    %swap3A_539 = vector.load %arg2[%swap3A_534, %swap3A_535, %swap3A_536, %swap3A_537, %swap3A_538] : memref<2x8x128x8x128xf32, #tpu.memory_space<vmem>>, vector<1x8x2x8x128xf32>
    %swap3A_540 = vector.shape_cast %swap3A_539 : vector<1x8x2x8x128xf32> to vector<8x2x8x128xf32>
    %swap3A_541 = vector.shape_cast %transpose3A_533 : vector<8x2x8x128xf32> to vector<1x8x2x8x128xf32>
    tpu.vector_store %arg2[%swap3A_534, %swap3A_535, %swap3A_536, %swap3A_537, %swap3A_538], %swap3A_541 {strides = array<i32>} : memref<2x8x128x8x128xf32, #tpu.memory_space<vmem>>, vector<1x8x2x8x128xf32>,
    %get3A_542 = arith.constant 4992 : index
    %get3A_543 = arith.constant 0 : index
    %get3A_544 = vector.load %arg1[%get3A_542, %get3A_543] : memref<16384x128xf32, #tpu.memory_space<vmem>>, vector<128x128xf32>
    %transpose3A_545 = tpu.transpose %get3A_544, [1, 0] : vector<128x128xf32> -> vector<128x128xf32>
    %reshape3A_546 = vector.shape_cast %transpose3A_545 : vector<128x128xf32> to vector<2x8x8x128xf32>
    %transpose3A_547 = tpu.transpose %reshape3A_546, [1, 0, 2, 3] : vector<2x8x8x128xf32> -> vector<8x2x8x128xf32>
    %swap3A_548 = arith.constant 0 : index
    %swap3A_549 = arith.constant 0 : index
    %swap3A_550 = arith.constant 78 : index
    %swap3A_551 = arith.constant 0 : index
    %swap3A_552 = arith.constant 0 : index
    %swap3A_553 = vector.load %arg2[%swap3A_548, %swap3A_549, %swap3A_550, %swap3A_551, %swap3A_552] : memref<2x8x128x8x128xf32, #tpu.memory_space<vmem>>, vector<1x8x2x8x128xf32>
    %swap3A_554 = vector.shape_cast %swap3A_553 : vector<1x8x2x8x128xf32> to vector<8x2x8x128xf32>
    %swap3A_555 = vector.shape_cast %transpose3A_547 : vector<8x2x8x128xf32> to vector<1x8x2x8x128xf32>
    tpu.vector_store %arg2[%swap3A_548, %swap3A_549, %swap3A_550, %swap3A_551, %swap3A_552], %swap3A_555 {strides = array<i32>} : memref<2x8x128x8x128xf32, #tpu.memory_space<vmem>>, vector<1x8x2x8x128xf32>,
    %get3A_556 = arith.constant 5120 : index
    %get3A_557 = arith.constant 0 : index
    %get3A_558 = vector.load %arg1[%get3A_556, %get3A_557] : memref<16384x128xf32, #tpu.memory_space<vmem>>, vector<128x128xf32>
    %transpose3A_559 = tpu.transpose %get3A_558, [1, 0] : vector<128x128xf32> -> vector<128x128xf32>
    %reshape3A_560 = vector.shape_cast %transpose3A_559 : vector<128x128xf32> to vector<2x8x8x128xf32>
    %transpose3A_561 = tpu.transpose %reshape3A_560, [1, 0, 2, 3] : vector<2x8x8x128xf32> -> vector<8x2x8x128xf32>
    %swap3A_562 = arith.constant 0 : index
    %swap3A_563 = arith.constant 0 : index
    %swap3A_564 = arith.constant 80 : index
    %swap3A_565 = arith.constant 0 : index
    %swap3A_566 = arith.constant 0 : index
    %swap3A_567 = vector.load %arg2[%swap3A_562, %swap3A_563, %swap3A_564, %swap3A_565, %swap3A_566] : memref<2x8x128x8x128xf32, #tpu.memory_space<vmem>>, vector<1x8x2x8x128xf32>
    %swap3A_568 = vector.shape_cast %swap3A_567 : vector<1x8x2x8x128xf32> to vector<8x2x8x128xf32>
    %swap3A_569 = vector.shape_cast %transpose3A_561 : vector<8x2x8x128xf32> to vector<1x8x2x8x128xf32>
    tpu.vector_store %arg2[%swap3A_562, %swap3A_563, %swap3A_564, %swap3A_565, %swap3A_566], %swap3A_569 {strides = array<i32>} : memref<2x8x128x8x128xf32, #tpu.memory_space<vmem>>, vector<1x8x2x8x128xf32>,
    %get3A_570 = arith.constant 5248 : index
    %get3A_571 = arith.constant 0 : index
    %get3A_572 = vector.load %arg1[%get3A_570, %get3A_571] : memref<16384x128xf32, #tpu.memory_space<vmem>>, vector<128x128xf32>
    %transpose3A_573 = tpu.transpose %get3A_572, [1, 0] : vector<128x128xf32> -> vector<128x128xf32>
    %reshape3A_574 = vector.shape_cast %transpose3A_573 : vector<128x128xf32> to vector<2x8x8x128xf32>
    %transpose3A_575 = tpu.transpose %reshape3A_574, [1, 0, 2, 3] : vector<2x8x8x128xf32> -> vector<8x2x8x128xf32>
    %swap3A_576 = arith.constant 0 : index
    %swap3A_577 = arith.constant 0 : index
    %swap3A_578 = arith.constant 82 : index
    %swap3A_579 = arith.constant 0 : index
    %swap3A_580 = arith.constant 0 : index
    %swap3A_581 = vector.load %arg2[%swap3A_576, %swap3A_577, %swap3A_578, %swap3A_579, %swap3A_580] : memref<2x8x128x8x128xf32, #tpu.memory_space<vmem>>, vector<1x8x2x8x128xf32>
    %swap3A_582 = vector.shape_cast %swap3A_581 : vector<1x8x2x8x128xf32> to vector<8x2x8x128xf32>
    %swap3A_583 = vector.shape_cast %transpose3A_575 : vector<8x2x8x128xf32> to vector<1x8x2x8x128xf32>
    tpu.vector_store %arg2[%swap3A_576, %swap3A_577, %swap3A_578, %swap3A_579, %swap3A_580], %swap3A_583 {strides = array<i32>} : memref<2x8x128x8x128xf32, #tpu.memory_space<vmem>>, vector<1x8x2x8x128xf32>,
    %get3A_584 = arith.constant 5376 : index
    %get3A_585 = arith.constant 0 : index
    %get3A_586 = vector.load %arg1[%get3A_584, %get3A_585] : memref<16384x128xf32, #tpu.memory_space<vmem>>, vector<128x128xf32>
    %transpose3A_587 = tpu.transpose %get3A_586, [1, 0] : vector<128x128xf32> -> vector<128x128xf32>
    %reshape3A_588 = vector.shape_cast %transpose3A_587 : vector<128x128xf32> to vector<2x8x8x128xf32>
    %transpose3A_589 = tpu.transpose %reshape3A_588, [1, 0, 2, 3] : vector<2x8x8x128xf32> -> vector<8x2x8x128xf32>
    %swap3A_590 = arith.constant 0 : index
    %swap3A_591 = arith.constant 0 : index
    %swap3A_592 = arith.constant 84 : index
    %swap3A_593 = arith.constant 0 : index
    %swap3A_594 = arith.constant 0 : index
    %swap3A_595 = vector.load %arg2[%swap3A_590, %swap3A_591, %swap3A_592, %swap3A_593, %swap3A_594] : memref<2x8x128x8x128xf32, #tpu.memory_space<vmem>>, vector<1x8x2x8x128xf32>
    %swap3A_596 = vector.shape_cast %swap3A_595 : vector<1x8x2x8x128xf32> to vector<8x2x8x128xf32>
    %swap3A_597 = vector.shape_cast %transpose3A_589 : vector<8x2x8x128xf32> to vector<1x8x2x8x128xf32>
    tpu.vector_store %arg2[%swap3A_590, %swap3A_591, %swap3A_592, %swap3A_593, %swap3A_594], %swap3A_597 {strides = array<i32>} : memref<2x8x128x8x128xf32, #tpu.memory_space<vmem>>, vector<1x8x2x8x128xf32>,
    %get3A_598 = arith.constant 5504 : index
    %get3A_599 = arith.constant 0 : index
    %get3A_600 = vector.load %arg1[%get3A_598, %get3A_599] : memref<16384x128xf32, #tpu.memory_space<vmem>>, vector<128x128xf32>
    %transpose3A_601 = tpu.transpose %get3A_600, [1, 0] : vector<128x128xf32> -> vector<128x128xf32>
    %reshape3A_602 = vector.shape_cast %transpose3A_601 : vector<128x128xf32> to vector<2x8x8x128xf32>
    %transpose3A_603 = tpu.transpose %reshape3A_602, [1, 0, 2, 3] : vector<2x8x8x128xf32> -> vector<8x2x8x128xf32>
    %swap3A_604 = arith.constant 0 : index
    %swap3A_605 = arith.constant 0 : index
    %swap3A_606 = arith.constant 86 : index
    %swap3A_607 = arith.constant 0 : index
    %swap3A_608 = arith.constant 0 : index
    %swap3A_609 = vector.load %arg2[%swap3A_604, %swap3A_605, %swap3A_606, %swap3A_607, %swap3A_608] : memref<2x8x128x8x128xf32, #tpu.memory_space<vmem>>, vector<1x8x2x8x128xf32>
    %swap3A_610 = vector.shape_cast %swap3A_609 : vector<1x8x2x8x128xf32> to vector<8x2x8x128xf32>
    %swap3A_611 = vector.shape_cast %transpose3A_603 : vector<8x2x8x128xf32> to vector<1x8x2x8x128xf32>
    tpu.vector_store %arg2[%swap3A_604, %swap3A_605, %swap3A_606, %swap3A_607, %swap3A_608], %swap3A_611 {strides = array<i32>} : memref<2x8x128x8x128xf32, #tpu.memory_space<vmem>>, vector<1x8x2x8x128xf32>,
    %get3A_612 = arith.constant 5632 : index
    %get3A_613 = arith.constant 0 : index
    %get3A_614 = vector.load %arg1[%get3A_612, %get3A_613] : memref<16384x128xf32, #tpu.memory_space<vmem>>, vector<128x128xf32>
    %transpose3A_615 = tpu.transpose %get3A_614, [1, 0] : vector<128x128xf32> -> vector<128x128xf32>
    %reshape3A_616 = vector.shape_cast %transpose3A_615 : vector<128x128xf32> to vector<2x8x8x128xf32>
    %transpose3A_617 = tpu.transpose %reshape3A_616, [1, 0, 2, 3] : vector<2x8x8x128xf32> -> vector<8x2x8x128xf32>
    %swap3A_618 = arith.constant 0 : index
    %swap3A_619 = arith.constant 0 : index
    %swap3A_620 = arith.constant 88 : index
    %swap3A_621 = arith.constant 0 : index
    %swap3A_622 = arith.constant 0 : index
    %swap3A_623 = vector.load %arg2[%swap3A_618, %swap3A_619, %swap3A_620, %swap3A_621, %swap3A_622] : memref<2x8x128x8x128xf32, #tpu.memory_space<vmem>>, vector<1x8x2x8x128xf32>
    %swap3A_624 = vector.shape_cast %swap3A_623 : vector<1x8x2x8x128xf32> to vector<8x2x8x128xf32>
    %swap3A_625 = vector.shape_cast %transpose3A_617 : vector<8x2x8x128xf32> to vector<1x8x2x8x128xf32>
    tpu.vector_store %arg2[%swap3A_618, %swap3A_619, %swap3A_620, %swap3A_621, %swap3A_622], %swap3A_625 {strides = array<i32>} : memref<2x8x128x8x128xf32, #tpu.memory_space<vmem>>, vector<1x8x2x8x128xf32>,
    %get3A_626 = arith.constant 5760 : index
    %get3A_627 = arith.constant 0 : index
    %get3A_628 = vector.load %arg1[%get3A_626, %get3A_627] : memref<16384x128xf32, #tpu.memory_space<vmem>>, vector<128x128xf32>
    %transpose3A_629 = tpu.transpose %get3A_628, [1, 0] : vector<128x128xf32> -> vector<128x128xf32>
    %reshape3A_630 = vector.shape_cast %transpose3A_629 : vector<128x128xf32> to vector<2x8x8x128xf32>
    %transpose3A_631 = tpu.transpose %reshape3A_630, [1, 0, 2, 3] : vector<2x8x8x128xf32> -> vector<8x2x8x128xf32>
    %swap3A_632 = arith.constant 0 : index
    %swap3A_633 = arith.constant 0 : index
    %swap3A_634 = arith.constant 90 : index
    %swap3A_635 = arith.constant 0 : index
    %swap3A_636 = arith.constant 0 : index
    %swap3A_637 = vector.load %arg2[%swap3A_632, %swap3A_633, %swap3A_634, %swap3A_635, %swap3A_636] : memref<2x8x128x8x128xf32, #tpu.memory_space<vmem>>, vector<1x8x2x8x128xf32>
    %swap3A_638 = vector.shape_cast %swap3A_637 : vector<1x8x2x8x128xf32> to vector<8x2x8x128xf32>
    %swap3A_639 = vector.shape_cast %transpose3A_631 : vector<8x2x8x128xf32> to vector<1x8x2x8x128xf32>
    tpu.vector_store %arg2[%swap3A_632, %swap3A_633, %swap3A_634, %swap3A_635, %swap3A_636], %swap3A_639 {strides = array<i32>} : memref<2x8x128x8x128xf32, #tpu.memory_space<vmem>>, vector<1x8x2x8x128xf32>,
    %get3A_640 = arith.constant 5888 : index
    %get3A_641 = arith.constant 0 : index
    %get3A_642 = vector.load %arg1[%get3A_640, %get3A_641] : memref<16384x128xf32, #tpu.memory_space<vmem>>, vector<128x128xf32>
    %transpose3A_643 = tpu.transpose %get3A_642, [1, 0] : vector<128x128xf32> -> vector<128x128xf32>
    %reshape3A_644 = vector.shape_cast %transpose3A_643 : vector<128x128xf32> to vector<2x8x8x128xf32>
    %transpose3A_645 = tpu.transpose %reshape3A_644, [1, 0, 2, 3] : vector<2x8x8x128xf32> -> vector<8x2x8x128xf32>
    %swap3A_646 = arith.constant 0 : index
    %swap3A_647 = arith.constant 0 : index
    %swap3A_648 = arith.constant 92 : index
    %swap3A_649 = arith.constant 0 : index
    %swap3A_650 = arith.constant 0 : index
    %swap3A_651 = vector.load %arg2[%swap3A_646, %swap3A_647, %swap3A_648, %swap3A_649, %swap3A_650] : memref<2x8x128x8x128xf32, #tpu.memory_space<vmem>>, vector<1x8x2x8x128xf32>
    %swap3A_652 = vector.shape_cast %swap3A_651 : vector<1x8x2x8x128xf32> to vector<8x2x8x128xf32>
    %swap3A_653 = vector.shape_cast %transpose3A_645 : vector<8x2x8x128xf32> to vector<1x8x2x8x128xf32>
    tpu.vector_store %arg2[%swap3A_646, %swap3A_647, %swap3A_648, %swap3A_649, %swap3A_650], %swap3A_653 {strides = array<i32>} : memref<2x8x128x8x128xf32, #tpu.memory_space<vmem>>, vector<1x8x2x8x128xf32>,
    %get3A_654 = arith.constant 6016 : index
    %get3A_655 = arith.constant 0 : index
    %get3A_656 = vector.load %arg1[%get3A_654, %get3A_655] : memref<16384x128xf32, #tpu.memory_space<vmem>>, vector<128x128xf32>
    %transpose3A_657 = tpu.transpose %get3A_656, [1, 0] : vector<128x128xf32> -> vector<128x128xf32>
    %reshape3A_658 = vector.shape_cast %transpose3A_657 : vector<128x128xf32> to vector<2x8x8x128xf32>
    %transpose3A_659 = tpu.transpose %reshape3A_658, [1, 0, 2, 3] : vector<2x8x8x128xf32> -> vector<8x2x8x128xf32>
    %swap3A_660 = arith.constant 0 : index
    %swap3A_661 = arith.constant 0 : index
    %swap3A_662 = arith.constant 94 : index
    %swap3A_663 = arith.constant 0 : index
    %swap3A_664 = arith.constant 0 : index
    %swap3A_665 = vector.load %arg2[%swap3A_660, %swap3A_661, %swap3A_662, %swap3A_663, %swap3A_664] : memref<2x8x128x8x128xf32, #tpu.memory_space<vmem>>, vector<1x8x2x8x128xf32>
    %swap3A_666 = vector.shape_cast %swap3A_665 : vector<1x8x2x8x128xf32> to vector<8x2x8x128xf32>
    %swap3A_667 = vector.shape_cast %transpose3A_659 : vector<8x2x8x128xf32> to vector<1x8x2x8x128xf32>
    tpu.vector_store %arg2[%swap3A_660, %swap3A_661, %swap3A_662, %swap3A_663, %swap3A_664], %swap3A_667 {strides = array<i32>} : memref<2x8x128x8x128xf32, #tpu.memory_space<vmem>>, vector<1x8x2x8x128xf32>,
    %get3A_668 = arith.constant 6144 : index
    %get3A_669 = arith.constant 0 : index
    %get3A_670 = vector.load %arg1[%get3A_668, %get3A_669] : memref<16384x128xf32, #tpu.memory_space<vmem>>, vector<128x128xf32>
    %transpose3A_671 = tpu.transpose %get3A_670, [1, 0] : vector<128x128xf32> -> vector<128x128xf32>
    %reshape3A_672 = vector.shape_cast %transpose3A_671 : vector<128x128xf32> to vector<2x8x8x128xf32>
    %transpose3A_673 = tpu.transpose %reshape3A_672, [1, 0, 2, 3] : vector<2x8x8x128xf32> -> vector<8x2x8x128xf32>
    %swap3A_674 = arith.constant 0 : index
    %swap3A_675 = arith.constant 0 : index
    %swap3A_676 = arith.constant 96 : index
    %swap3A_677 = arith.constant 0 : index
    %swap3A_678 = arith.constant 0 : index
    %swap3A_679 = vector.load %arg2[%swap3A_674, %swap3A_675, %swap3A_676, %swap3A_677, %swap3A_678] : memref<2x8x128x8x128xf32, #tpu.memory_space<vmem>>, vector<1x8x2x8x128xf32>
    %swap3A_680 = vector.shape_cast %swap3A_679 : vector<1x8x2x8x128xf32> to vector<8x2x8x128xf32>
    %swap3A_681 = vector.shape_cast %transpose3A_673 : vector<8x2x8x128xf32> to vector<1x8x2x8x128xf32>
    tpu.vector_store %arg2[%swap3A_674, %swap3A_675, %swap3A_676, %swap3A_677, %swap3A_678], %swap3A_681 {strides = array<i32>} : memref<2x8x128x8x128xf32, #tpu.memory_space<vmem>>, vector<1x8x2x8x128xf32>,
    %get3A_682 = arith.constant 6272 : index
    %get3A_683 = arith.constant 0 : index
    %get3A_684 = vector.load %arg1[%get3A_682, %get3A_683] : memref<16384x128xf32, #tpu.memory_space<vmem>>, vector<128x128xf32>
    %transpose3A_685 = tpu.transpose %get3A_684, [1, 0] : vector<128x128xf32> -> vector<128x128xf32>
    %reshape3A_686 = vector.shape_cast %transpose3A_685 : vector<128x128xf32> to vector<2x8x8x128xf32>
    %transpose3A_687 = tpu.transpose %reshape3A_686, [1, 0, 2, 3] : vector<2x8x8x128xf32> -> vector<8x2x8x128xf32>
    %swap3A_688 = arith.constant 0 : index
    %swap3A_689 = arith.constant 0 : index
    %swap3A_690 = arith.constant 98 : index
    %swap3A_691 = arith.constant 0 : index
    %swap3A_692 = arith.constant 0 : index
    %swap3A_693 = vector.load %arg2[%swap3A_688, %swap3A_689, %swap3A_690, %swap3A_691, %swap3A_692] : memref<2x8x128x8x128xf32, #tpu.memory_space<vmem>>, vector<1x8x2x8x128xf32>
    %swap3A_694 = vector.shape_cast %swap3A_693 : vector<1x8x2x8x128xf32> to vector<8x2x8x128xf32>
    %swap3A_695 = vector.shape_cast %transpose3A_687 : vector<8x2x8x128xf32> to vector<1x8x2x8x128xf32>
    tpu.vector_store %arg2[%swap3A_688, %swap3A_689, %swap3A_690, %swap3A_691, %swap3A_692], %swap3A_695 {strides = array<i32>} : memref<2x8x128x8x128xf32, #tpu.memory_space<vmem>>, vector<1x8x2x8x128xf32>,
    %get3A_696 = arith.constant 6400 : index
    %get3A_697 = arith.constant 0 : index
    %get3A_698 = vector.load %arg1[%get3A_696, %get3A_697] : memref<16384x128xf32, #tpu.memory_space<vmem>>, vector<128x128xf32>
    %transpose3A_699 = tpu.transpose %get3A_698, [1, 0] : vector<128x128xf32> -> vector<128x128xf32>
    %reshape3A_700 = vector.shape_cast %transpose3A_699 : vector<128x128xf32> to vector<2x8x8x128xf32>
    %transpose3A_701 = tpu.transpose %reshape3A_700, [1, 0, 2, 3] : vector<2x8x8x128xf32> -> vector<8x2x8x128xf32>
    %swap3A_702 = arith.constant 0 : index
    %swap3A_703 = arith.constant 0 : index
    %swap3A_704 = arith.constant 100 : index
    %swap3A_705 = arith.constant 0 : index
    %swap3A_706 = arith.constant 0 : index
    %swap3A_707 = vector.load %arg2[%swap3A_702, %swap3A_703, %swap3A_704, %swap3A_705, %swap3A_706] : memref<2x8x128x8x128xf32, #tpu.memory_space<vmem>>, vector<1x8x2x8x128xf32>
    %swap3A_708 = vector.shape_cast %swap3A_707 : vector<1x8x2x8x128xf32> to vector<8x2x8x128xf32>
    %swap3A_709 = vector.shape_cast %transpose3A_701 : vector<8x2x8x128xf32> to vector<1x8x2x8x128xf32>
    tpu.vector_store %arg2[%swap3A_702, %swap3A_703, %swap3A_704, %swap3A_705, %swap3A_706], %swap3A_709 {strides = array<i32>} : memref<2x8x128x8x128xf32, #tpu.memory_space<vmem>>, vector<1x8x2x8x128xf32>,
    %get3A_710 = arith.constant 6528 : index
    %get3A_711 = arith.constant 0 : index
    %get3A_712 = vector.load %arg1[%get3A_710, %get3A_711] : memref<16384x128xf32, #tpu.memory_space<vmem>>, vector<128x128xf32>
    %transpose3A_713 = tpu.transpose %get3A_712, [1, 0] : vector<128x128xf32> -> vector<128x128xf32>
    %reshape3A_714 = vector.shape_cast %transpose3A_713 : vector<128x128xf32> to vector<2x8x8x128xf32>
    %transpose3A_715 = tpu.transpose %reshape3A_714, [1, 0, 2, 3] : vector<2x8x8x128xf32> -> vector<8x2x8x128xf32>
    %swap3A_716 = arith.constant 0 : index
    %swap3A_717 = arith.constant 0 : index
    %swap3A_718 = arith.constant 102 : index
    %swap3A_719 = arith.constant 0 : index
    %swap3A_720 = arith.constant 0 : index
    %swap3A_721 = vector.load %arg2[%swap3A_716, %swap3A_717, %swap3A_718, %swap3A_719, %swap3A_720] : memref<2x8x128x8x128xf32, #tpu.memory_space<vmem>>, vector<1x8x2x8x128xf32>
    %swap3A_722 = vector.shape_cast %swap3A_721 : vector<1x8x2x8x128xf32> to vector<8x2x8x128xf32>
    %swap3A_723 = vector.shape_cast %transpose3A_715 : vector<8x2x8x128xf32> to vector<1x8x2x8x128xf32>
    tpu.vector_store %arg2[%swap3A_716, %swap3A_717, %swap3A_718, %swap3A_719, %swap3A_720], %swap3A_723 {strides = array<i32>} : memref<2x8x128x8x128xf32, #tpu.memory_space<vmem>>, vector<1x8x2x8x128xf32>,
    %get3A_724 = arith.constant 6656 : index
    %get3A_725 = arith.constant 0 : index
    %get3A_726 = vector.load %arg1[%get3A_724, %get3A_725] : memref<16384x128xf32, #tpu.memory_space<vmem>>, vector<128x128xf32>
    %transpose3A_727 = tpu.transpose %get3A_726, [1, 0] : vector<128x128xf32> -> vector<128x128xf32>
    %reshape3A_728 = vector.shape_cast %transpose3A_727 : vector<128x128xf32> to vector<2x8x8x128xf32>
    %transpose3A_729 = tpu.transpose %reshape3A_728, [1, 0, 2, 3] : vector<2x8x8x128xf32> -> vector<8x2x8x128xf32>
    %swap3A_730 = arith.constant 0 : index
    %swap3A_731 = arith.constant 0 : index
    %swap3A_732 = arith.constant 104 : index
    %swap3A_733 = arith.constant 0 : index
    %swap3A_734 = arith.constant 0 : index
    %swap3A_735 = vector.load %arg2[%swap3A_730, %swap3A_731, %swap3A_732, %swap3A_733, %swap3A_734] : memref<2x8x128x8x128xf32, #tpu.memory_space<vmem>>, vector<1x8x2x8x128xf32>
    %swap3A_736 = vector.shape_cast %swap3A_735 : vector<1x8x2x8x128xf32> to vector<8x2x8x128xf32>
    %swap3A_737 = vector.shape_cast %transpose3A_729 : vector<8x2x8x128xf32> to vector<1x8x2x8x128xf32>
    tpu.vector_store %arg2[%swap3A_730, %swap3A_731, %swap3A_732, %swap3A_733, %swap3A_734], %swap3A_737 {strides = array<i32>} : memref<2x8x128x8x128xf32, #tpu.memory_space<vmem>>, vector<1x8x2x8x128xf32>,
    %get3A_738 = arith.constant 6784 : index
    %get3A_739 = arith.constant 0 : index
    %get3A_740 = vector.load %arg1[%get3A_738, %get3A_739] : memref<16384x128xf32, #tpu.memory_space<vmem>>, vector<128x128xf32>
    %transpose3A_741 = tpu.transpose %get3A_740, [1, 0] : vector<128x128xf32> -> vector<128x128xf32>
    %reshape3A_742 = vector.shape_cast %transpose3A_741 : vector<128x128xf32> to vector<2x8x8x128xf32>
    %transpose3A_743 = tpu.transpose %reshape3A_742, [1, 0, 2, 3] : vector<2x8x8x128xf32> -> vector<8x2x8x128xf32>
    %swap3A_744 = arith.constant 0 : index
    %swap3A_745 = arith.constant 0 : index
    %swap3A_746 = arith.constant 106 : index
    %swap3A_747 = arith.constant 0 : index
    %swap3A_748 = arith.constant 0 : index
    %swap3A_749 = vector.load %arg2[%swap3A_744, %swap3A_745, %swap3A_746, %swap3A_747, %swap3A_748] : memref<2x8x128x8x128xf32, #tpu.memory_space<vmem>>, vector<1x8x2x8x128xf32>
    %swap3A_750 = vector.shape_cast %swap3A_749 : vector<1x8x2x8x128xf32> to vector<8x2x8x128xf32>
    %swap3A_751 = vector.shape_cast %transpose3A_743 : vector<8x2x8x128xf32> to vector<1x8x2x8x128xf32>
    tpu.vector_store %arg2[%swap3A_744, %swap3A_745, %swap3A_746, %swap3A_747, %swap3A_748], %swap3A_751 {strides = array<i32>} : memref<2x8x128x8x128xf32, #tpu.memory_space<vmem>>, vector<1x8x2x8x128xf32>,
    %get3A_752 = arith.constant 6912 : index
    %get3A_753 = arith.constant 0 : index
    %get3A_754 = vector.load %arg1[%get3A_752, %get3A_753] : memref<16384x128xf32, #tpu.memory_space<vmem>>, vector<128x128xf32>
    %transpose3A_755 = tpu.transpose %get3A_754, [1, 0] : vector<128x128xf32> -> vector<128x128xf32>
    %reshape3A_756 = vector.shape_cast %transpose3A_755 : vector<128x128xf32> to vector<2x8x8x128xf32>
    %transpose3A_757 = tpu.transpose %reshape3A_756, [1, 0, 2, 3] : vector<2x8x8x128xf32> -> vector<8x2x8x128xf32>
    %swap3A_758 = arith.constant 0 : index
    %swap3A_759 = arith.constant 0 : index
    %swap3A_760 = arith.constant 108 : index
    %swap3A_761 = arith.constant 0 : index
    %swap3A_762 = arith.constant 0 : index
    %swap3A_763 = vector.load %arg2[%swap3A_758, %swap3A_759, %swap3A_760, %swap3A_761, %swap3A_762] : memref<2x8x128x8x128xf32, #tpu.memory_space<vmem>>, vector<1x8x2x8x128xf32>
    %swap3A_764 = vector.shape_cast %swap3A_763 : vector<1x8x2x8x128xf32> to vector<8x2x8x128xf32>
    %swap3A_765 = vector.shape_cast %transpose3A_757 : vector<8x2x8x128xf32> to vector<1x8x2x8x128xf32>
    tpu.vector_store %arg2[%swap3A_758, %swap3A_759, %swap3A_760, %swap3A_761, %swap3A_762], %swap3A_765 {strides = array<i32>} : memref<2x8x128x8x128xf32, #tpu.memory_space<vmem>>, vector<1x8x2x8x128xf32>,
    %get3A_766 = arith.constant 7040 : index
    %get3A_767 = arith.constant 0 : index
    %get3A_768 = vector.load %arg1[%get3A_766, %get3A_767] : memref<16384x128xf32, #tpu.memory_space<vmem>>, vector<128x128xf32>
    %transpose3A_769 = tpu.transpose %get3A_768, [1, 0] : vector<128x128xf32> -> vector<128x128xf32>
    %reshape3A_770 = vector.shape_cast %transpose3A_769 : vector<128x128xf32> to vector<2x8x8x128xf32>
    %transpose3A_771 = tpu.transpose %reshape3A_770, [1, 0, 2, 3] : vector<2x8x8x128xf32> -> vector<8x2x8x128xf32>
    %swap3A_772 = arith.constant 0 : index
    %swap3A_773 = arith.constant 0 : index
    %swap3A_774 = arith.constant 110 : index
    %swap3A_775 = arith.constant 0 : index
    %swap3A_776 = arith.constant 0 : index
    %swap3A_777 = vector.load %arg2[%swap3A_772, %swap3A_773, %swap3A_774, %swap3A_775, %swap3A_776] : memref<2x8x128x8x128xf32, #tpu.memory_space<vmem>>, vector<1x8x2x8x128xf32>
    %swap3A_778 = vector.shape_cast %swap3A_777 : vector<1x8x2x8x128xf32> to vector<8x2x8x128xf32>
    %swap3A_779 = vector.shape_cast %transpose3A_771 : vector<8x2x8x128xf32> to vector<1x8x2x8x128xf32>
    tpu.vector_store %arg2[%swap3A_772, %swap3A_773, %swap3A_774, %swap3A_775, %swap3A_776], %swap3A_779 {strides = array<i32>} : memref<2x8x128x8x128xf32, #tpu.memory_space<vmem>>, vector<1x8x2x8x128xf32>,
    %get3A_780 = arith.constant 7168 : index
    %get3A_781 = arith.constant 0 : index
    %get3A_782 = vector.load %arg1[%get3A_780, %get3A_781] : memref<16384x128xf32, #tpu.memory_space<vmem>>, vector<128x128xf32>
    %transpose3A_783 = tpu.transpose %get3A_782, [1, 0] : vector<128x128xf32> -> vector<128x128xf32>
    %reshape3A_784 = vector.shape_cast %transpose3A_783 : vector<128x128xf32> to vector<2x8x8x128xf32>
    %transpose3A_785 = tpu.transpose %reshape3A_784, [1, 0, 2, 3] : vector<2x8x8x128xf32> -> vector<8x2x8x128xf32>
    %swap3A_786 = arith.constant 0 : index
    %swap3A_787 = arith.constant 0 : index
    %swap3A_788 = arith.constant 112 : index
    %swap3A_789 = arith.constant 0 : index
    %swap3A_790 = arith.constant 0 : index
    %swap3A_791 = vector.load %arg2[%swap3A_786, %swap3A_787, %swap3A_788, %swap3A_789, %swap3A_790] : memref<2x8x128x8x128xf32, #tpu.memory_space<vmem>>, vector<1x8x2x8x128xf32>
    %swap3A_792 = vector.shape_cast %swap3A_791 : vector<1x8x2x8x128xf32> to vector<8x2x8x128xf32>
    %swap3A_793 = vector.shape_cast %transpose3A_785 : vector<8x2x8x128xf32> to vector<1x8x2x8x128xf32>
    tpu.vector_store %arg2[%swap3A_786, %swap3A_787, %swap3A_788, %swap3A_789, %swap3A_790], %swap3A_793 {strides = array<i32>} : memref<2x8x128x8x128xf32, #tpu.memory_space<vmem>>, vector<1x8x2x8x128xf32>,
    %get3A_794 = arith.constant 7296 : index
    %get3A_795 = arith.constant 0 : index
    %get3A_796 = vector.load %arg1[%get3A_794, %get3A_795] : memref<16384x128xf32, #tpu.memory_space<vmem>>, vector<128x128xf32>
    %transpose3A_797 = tpu.transpose %get3A_796, [1, 0] : vector<128x128xf32> -> vector<128x128xf32>
    %reshape3A_798 = vector.shape_cast %transpose3A_797 : vector<128x128xf32> to vector<2x8x8x128xf32>
    %transpose3A_799 = tpu.transpose %reshape3A_798, [1, 0, 2, 3] : vector<2x8x8x128xf32> -> vector<8x2x8x128xf32>
    %swap3A_800 = arith.constant 0 : index
    %swap3A_801 = arith.constant 0 : index
    %swap3A_802 = arith.constant 114 : index
    %swap3A_803 = arith.constant 0 : index
    %swap3A_804 = arith.constant 0 : index
    %swap3A_805 = vector.load %arg2[%swap3A_800, %swap3A_801, %swap3A_802, %swap3A_803, %swap3A_804] : memref<2x8x128x8x128xf32, #tpu.memory_space<vmem>>, vector<1x8x2x8x128xf32>
    %swap3A_806 = vector.shape_cast %swap3A_805 : vector<1x8x2x8x128xf32> to vector<8x2x8x128xf32>
    %swap3A_807 = vector.shape_cast %transpose3A_799 : vector<8x2x8x128xf32> to vector<1x8x2x8x128xf32>
    tpu.vector_store %arg2[%swap3A_800, %swap3A_801, %swap3A_802, %swap3A_803, %swap3A_804], %swap3A_807 {strides = array<i32>} : memref<2x8x128x8x128xf32, #tpu.memory_space<vmem>>, vector<1x8x2x8x128xf32>,
    %get3A_808 = arith.constant 7424 : index
    %get3A_809 = arith.constant 0 : index
    %get3A_810 = vector.load %arg1[%get3A_808, %get3A_809] : memref<16384x128xf32, #tpu.memory_space<vmem>>, vector<128x128xf32>
    %transpose3A_811 = tpu.transpose %get3A_810, [1, 0] : vector<128x128xf32> -> vector<128x128xf32>
    %reshape3A_812 = vector.shape_cast %transpose3A_811 : vector<128x128xf32> to vector<2x8x8x128xf32>
    %transpose3A_813 = tpu.transpose %reshape3A_812, [1, 0, 2, 3] : vector<2x8x8x128xf32> -> vector<8x2x8x128xf32>
    %swap3A_814 = arith.constant 0 : index
    %swap3A_815 = arith.constant 0 : index
    %swap3A_816 = arith.constant 116 : index
    %swap3A_817 = arith.constant 0 : index
    %swap3A_818 = arith.constant 0 : index
    %swap3A_819 = vector.load %arg2[%swap3A_814, %swap3A_815, %swap3A_816, %swap3A_817, %swap3A_818] : memref<2x8x128x8x128xf32, #tpu.memory_space<vmem>>, vector<1x8x2x8x128xf32>
    %swap3A_820 = vector.shape_cast %swap3A_819 : vector<1x8x2x8x128xf32> to vector<8x2x8x128xf32>
    %swap3A_821 = vector.shape_cast %transpose3A_813 : vector<8x2x8x128xf32> to vector<1x8x2x8x128xf32>
    tpu.vector_store %arg2[%swap3A_814, %swap3A_815, %swap3A_816, %swap3A_817, %swap3A_818], %swap3A_821 {strides = array<i32>} : memref<2x8x128x8x128xf32, #tpu.memory_space<vmem>>, vector<1x8x2x8x128xf32>,
    %get3A_822 = arith.constant 7552 : index
    %get3A_823 = arith.constant 0 : index
    %get3A_824 = vector.load %arg1[%get3A_822, %get3A_823] : memref<16384x128xf32, #tpu.memory_space<vmem>>, vector<128x128xf32>
    %transpose3A_825 = tpu.transpose %get3A_824, [1, 0] : vector<128x128xf32> -> vector<128x128xf32>
    %reshape3A_826 = vector.shape_cast %transpose3A_825 : vector<128x128xf32> to vector<2x8x8x128xf32>
    %transpose3A_827 = tpu.transpose %reshape3A_826, [1, 0, 2, 3] : vector<2x8x8x128xf32> -> vector<8x2x8x128xf32>
    %swap3A_828 = arith.constant 0 : index
    %swap3A_829 = arith.constant 0 : index
    %swap3A_830 = arith.constant 118 : index
    %swap3A_831 = arith.constant 0 : index
    %swap3A_832 = arith.constant 0 : index
    %swap3A_833 = vector.load %arg2[%swap3A_828, %swap3A_829, %swap3A_830, %swap3A_831, %swap3A_832] : memref<2x8x128x8x128xf32, #tpu.memory_space<vmem>>, vector<1x8x2x8x128xf32>
    %swap3A_834 = vector.shape_cast %swap3A_833 : vector<1x8x2x8x128xf32> to vector<8x2x8x128xf32>
    %swap3A_835 = vector.shape_cast %transpose3A_827 : vector<8x2x8x128xf32> to vector<1x8x2x8x128xf32>
    tpu.vector_store %arg2[%swap3A_828, %swap3A_829, %swap3A_830, %swap3A_831, %swap3A_832], %swap3A_835 {strides = array<i32>} : memref<2x8x128x8x128xf32, #tpu.memory_space<vmem>>, vector<1x8x2x8x128xf32>,
    %get3A_836 = arith.constant 7680 : index
    %get3A_837 = arith.constant 0 : index
    %get3A_838 = vector.load %arg1[%get3A_836, %get3A_837] : memref<16384x128xf32, #tpu.memory_space<vmem>>, vector<128x128xf32>
    %transpose3A_839 = tpu.transpose %get3A_838, [1, 0] : vector<128x128xf32> -> vector<128x128xf32>
    %reshape3A_840 = vector.shape_cast %transpose3A_839 : vector<128x128xf32> to vector<2x8x8x128xf32>
    %transpose3A_841 = tpu.transpose %reshape3A_840, [1, 0, 2, 3] : vector<2x8x8x128xf32> -> vector<8x2x8x128xf32>
    %swap3A_842 = arith.constant 0 : index
    %swap3A_843 = arith.constant 0 : index
    %swap3A_844 = arith.constant 120 : index
    %swap3A_845 = arith.constant 0 : index
    %swap3A_846 = arith.constant 0 : index
    %swap3A_847 = vector.load %arg2[%swap3A_842, %swap3A_843, %swap3A_844, %swap3A_845, %swap3A_846] : memref<2x8x128x8x128xf32, #tpu.memory_space<vmem>>, vector<1x8x2x8x128xf32>
    %swap3A_848 = vector.shape_cast %swap3A_847 : vector<1x8x2x8x128xf32> to vector<8x2x8x128xf32>
    %swap3A_849 = vector.shape_cast %transpose3A_841 : vector<8x2x8x128xf32> to vector<1x8x2x8x128xf32>
    tpu.vector_store %arg2[%swap3A_842, %swap3A_843, %swap3A_844, %swap3A_845, %swap3A_846], %swap3A_849 {strides = array<i32>} : memref<2x8x128x8x128xf32, #tpu.memory_space<vmem>>, vector<1x8x2x8x128xf32>,
    %get3A_850 = arith.constant 7808 : index
    %get3A_851 = arith.constant 0 : index
    %get3A_852 = vector.load %arg1[%get3A_850, %get3A_851] : memref<16384x128xf32, #tpu.memory_space<vmem>>, vector<128x128xf32>
    %transpose3A_853 = tpu.transpose %get3A_852, [1, 0] : vector<128x128xf32> -> vector<128x128xf32>
    %reshape3A_854 = vector.shape_cast %transpose3A_853 : vector<128x128xf32> to vector<2x8x8x128xf32>
    %transpose3A_855 = tpu.transpose %reshape3A_854, [1, 0, 2, 3] : vector<2x8x8x128xf32> -> vector<8x2x8x128xf32>
    %swap3A_856 = arith.constant 0 : index
    %swap3A_857 = arith.constant 0 : index
    %swap3A_858 = arith.constant 122 : index
    %swap3A_859 = arith.constant 0 : index
    %swap3A_860 = arith.constant 0 : index
    %swap3A_861 = vector.load %arg2[%swap3A_856, %swap3A_857, %swap3A_858, %swap3A_859, %swap3A_860] : memref<2x8x128x8x128xf32, #tpu.memory_space<vmem>>, vector<1x8x2x8x128xf32>
    %swap3A_862 = vector.shape_cast %swap3A_861 : vector<1x8x2x8x128xf32> to vector<8x2x8x128xf32>
    %swap3A_863 = vector.shape_cast %transpose3A_855 : vector<8x2x8x128xf32> to vector<1x8x2x8x128xf32>
    tpu.vector_store %arg2[%swap3A_856, %swap3A_857, %swap3A_858, %swap3A_859, %swap3A_860], %swap3A_863 {strides = array<i32>} : memref<2x8x128x8x128xf32, #tpu.memory_space<vmem>>, vector<1x8x2x8x128xf32>,
    %get3A_864 = arith.constant 7936 : index
    %get3A_865 = arith.constant 0 : index
    %get3A_866 = vector.load %arg1[%get3A_864, %get3A_865] : memref<16384x128xf32, #tpu.memory_space<vmem>>, vector<128x128xf32>
    %transpose3A_867 = tpu.transpose %get3A_866, [1, 0] : vector<128x128xf32> -> vector<128x128xf32>
    %reshape3A_868 = vector.shape_cast %transpose3A_867 : vector<128x128xf32> to vector<2x8x8x128xf32>
    %transpose3A_869 = tpu.transpose %reshape3A_868, [1, 0, 2, 3] : vector<2x8x8x128xf32> -> vector<8x2x8x128xf32>
    %swap3A_870 = arith.constant 0 : index
    %swap3A_871 = arith.constant 0 : index
    %swap3A_872 = arith.constant 124 : index
    %swap3A_873 = arith.constant 0 : index
    %swap3A_874 = arith.constant 0 : index
    %swap3A_875 = vector.load %arg2[%swap3A_870, %swap3A_871, %swap3A_872, %swap3A_873, %swap3A_874] : memref<2x8x128x8x128xf32, #tpu.memory_space<vmem>>, vector<1x8x2x8x128xf32>
    %swap3A_876 = vector.shape_cast %swap3A_875 : vector<1x8x2x8x128xf32> to vector<8x2x8x128xf32>
    %swap3A_877 = vector.shape_cast %transpose3A_869 : vector<8x2x8x128xf32> to vector<1x8x2x8x128xf32>
    tpu.vector_store %arg2[%swap3A_870, %swap3A_871, %swap3A_872, %swap3A_873, %swap3A_874], %swap3A_877 {strides = array<i32>} : memref<2x8x128x8x128xf32, #tpu.memory_space<vmem>>, vector<1x8x2x8x128xf32>,
    %get3A_878 = arith.constant 8064 : index
    %get3A_879 = arith.constant 0 : index
    %get3A_880 = vector.load %arg1[%get3A_878, %get3A_879] : memref<16384x128xf32, #tpu.memory_space<vmem>>, vector<128x128xf32>
    %transpose3A_881 = tpu.transpose %get3A_880, [1, 0] : vector<128x128xf32> -> vector<128x128xf32>
    %reshape3A_882 = vector.shape_cast %transpose3A_881 : vector<128x128xf32> to vector<2x8x8x128xf32>
    %transpose3A_883 = tpu.transpose %reshape3A_882, [1, 0, 2, 3] : vector<2x8x8x128xf32> -> vector<8x2x8x128xf32>
    %swap3A_884 = arith.constant 0 : index
    %swap3A_885 = arith.constant 0 : index
    %swap3A_886 = arith.constant 126 : index
    %swap3A_887 = arith.constant 0 : index
    %swap3A_888 = arith.constant 0 : index
    %swap3A_889 = vector.load %arg2[%swap3A_884, %swap3A_885, %swap3A_886, %swap3A_887, %swap3A_888] : memref<2x8x128x8x128xf32, #tpu.memory_space<vmem>>, vector<1x8x2x8x128xf32>
    %swap3A_890 = vector.shape_cast %swap3A_889 : vector<1x8x2x8x128xf32> to vector<8x2x8x128xf32>
    %swap3A_891 = vector.shape_cast %transpose3A_883 : vector<8x2x8x128xf32> to vector<1x8x2x8x128xf32>
    tpu.vector_store %arg2[%swap3A_884, %swap3A_885, %swap3A_886, %swap3A_887, %swap3A_888], %swap3A_891 {strides = array<i32>} : memref<2x8x128x8x128xf32, #tpu.memory_space<vmem>>, vector<1x8x2x8x128xf32>,
    %get3A_892 = arith.constant 8192 : index
    %get3A_893 = arith.constant 0 : index
    %get3A_894 = vector.load %arg1[%get3A_892, %get3A_893] : memref<16384x128xf32, #tpu.memory_space<vmem>>, vector<128x128xf32>
    %transpose3A_895 = tpu.transpose %get3A_894, [1, 0] : vector<128x128xf32> -> vector<128x128xf32>
    %reshape3A_896 = vector.shape_cast %transpose3A_895 : vector<128x128xf32> to vector<2x8x8x128xf32>
    %transpose3A_897 = tpu.transpose %reshape3A_896, [1, 0, 2, 3] : vector<2x8x8x128xf32> -> vector<8x2x8x128xf32>
    %swap3A_898 = arith.constant 1 : index
    %swap3A_899 = arith.constant 0 : index
    %swap3A_900 = arith.constant 0 : index
    %swap3A_901 = arith.constant 0 : index
    %swap3A_902 = arith.constant 0 : index
    %swap3A_903 = vector.load %arg2[%swap3A_898, %swap3A_899, %swap3A_900, %swap3A_901, %swap3A_902] : memref<2x8x128x8x128xf32, #tpu.memory_space<vmem>>, vector<1x8x2x8x128xf32>
    %swap3A_904 = vector.shape_cast %swap3A_903 : vector<1x8x2x8x128xf32> to vector<8x2x8x128xf32>
    %swap3A_905 = vector.shape_cast %transpose3A_897 : vector<8x2x8x128xf32> to vector<1x8x2x8x128xf32>
    tpu.vector_store %arg2[%swap3A_898, %swap3A_899, %swap3A_900, %swap3A_901, %swap3A_902], %swap3A_905 {strides = array<i32>} : memref<2x8x128x8x128xf32, #tpu.memory_space<vmem>>, vector<1x8x2x8x128xf32>,
    %get3A_906 = arith.constant 8320 : index
    %get3A_907 = arith.constant 0 : index
    %get3A_908 = vector.load %arg1[%get3A_906, %get3A_907] : memref<16384x128xf32, #tpu.memory_space<vmem>>, vector<128x128xf32>
    %transpose3A_909 = tpu.transpose %get3A_908, [1, 0] : vector<128x128xf32> -> vector<128x128xf32>
    %reshape3A_910 = vector.shape_cast %transpose3A_909 : vector<128x128xf32> to vector<2x8x8x128xf32>
    %transpose3A_911 = tpu.transpose %reshape3A_910, [1, 0, 2, 3] : vector<2x8x8x128xf32> -> vector<8x2x8x128xf32>
    %swap3A_912 = arith.constant 1 : index
    %swap3A_913 = arith.constant 0 : index
    %swap3A_914 = arith.constant 2 : index
    %swap3A_915 = arith.constant 0 : index
    %swap3A_916 = arith.constant 0 : index
    %swap3A_917 = vector.load %arg2[%swap3A_912, %swap3A_913, %swap3A_914, %swap3A_915, %swap3A_916] : memref<2x8x128x8x128xf32, #tpu.memory_space<vmem>>, vector<1x8x2x8x128xf32>
    %swap3A_918 = vector.shape_cast %swap3A_917 : vector<1x8x2x8x128xf32> to vector<8x2x8x128xf32>
    %swap3A_919 = vector.shape_cast %transpose3A_911 : vector<8x2x8x128xf32> to vector<1x8x2x8x128xf32>
    tpu.vector_store %arg2[%swap3A_912, %swap3A_913, %swap3A_914, %swap3A_915, %swap3A_916], %swap3A_919 {strides = array<i32>} : memref<2x8x128x8x128xf32, #tpu.memory_space<vmem>>, vector<1x8x2x8x128xf32>,
    %get3A_920 = arith.constant 8448 : index
    %get3A_921 = arith.constant 0 : index
    %get3A_922 = vector.load %arg1[%get3A_920, %get3A_921] : memref<16384x128xf32, #tpu.memory_space<vmem>>, vector<128x128xf32>
    %transpose3A_923 = tpu.transpose %get3A_922, [1, 0] : vector<128x128xf32> -> vector<128x128xf32>
    %reshape3A_924 = vector.shape_cast %transpose3A_923 : vector<128x128xf32> to vector<2x8x8x128xf32>
    %transpose3A_925 = tpu.transpose %reshape3A_924, [1, 0, 2, 3] : vector<2x8x8x128xf32> -> vector<8x2x8x128xf32>
    %swap3A_926 = arith.constant 1 : index
    %swap3A_927 = arith.constant 0 : index
    %swap3A_928 = arith.constant 4 : index
    %swap3A_929 = arith.constant 0 : index
    %swap3A_930 = arith.constant 0 : index
    %swap3A_931 = vector.load %arg2[%swap3A_926, %swap3A_927, %swap3A_928, %swap3A_929, %swap3A_930] : memref<2x8x128x8x128xf32, #tpu.memory_space<vmem>>, vector<1x8x2x8x128xf32>
    %swap3A_932 = vector.shape_cast %swap3A_931 : vector<1x8x2x8x128xf32> to vector<8x2x8x128xf32>
    %swap3A_933 = vector.shape_cast %transpose3A_925 : vector<8x2x8x128xf32> to vector<1x8x2x8x128xf32>
    tpu.vector_store %arg2[%swap3A_926, %swap3A_927, %swap3A_928, %swap3A_929, %swap3A_930], %swap3A_933 {strides = array<i32>} : memref<2x8x128x8x128xf32, #tpu.memory_space<vmem>>, vector<1x8x2x8x128xf32>,
    %get3A_934 = arith.constant 8576 : index
    %get3A_935 = arith.constant 0 : index
    %get3A_936 = vector.load %arg1[%get3A_934, %get3A_935] : memref<16384x128xf32, #tpu.memory_space<vmem>>, vector<128x128xf32>
    %transpose3A_937 = tpu.transpose %get3A_936, [1, 0] : vector<128x128xf32> -> vector<128x128xf32>
    %reshape3A_938 = vector.shape_cast %transpose3A_937 : vector<128x128xf32> to vector<2x8x8x128xf32>
    %transpose3A_939 = tpu.transpose %reshape3A_938, [1, 0, 2, 3] : vector<2x8x8x128xf32> -> vector<8x2x8x128xf32>
    %swap3A_940 = arith.constant 1 : index
    %swap3A_941 = arith.constant 0 : index
    %swap3A_942 = arith.constant 6 : index
    %swap3A_943 = arith.constant 0 : index
    %swap3A_944 = arith.constant 0 : index
    %swap3A_945 = vector.load %arg2[%swap3A_940, %swap3A_941, %swap3A_942, %swap3A_943, %swap3A_944] : memref<2x8x128x8x128xf32, #tpu.memory_space<vmem>>, vector<1x8x2x8x128xf32>
    %swap3A_946 = vector.shape_cast %swap3A_945 : vector<1x8x2x8x128xf32> to vector<8x2x8x128xf32>
    %swap3A_947 = vector.shape_cast %transpose3A_939 : vector<8x2x8x128xf32> to vector<1x8x2x8x128xf32>
    tpu.vector_store %arg2[%swap3A_940, %swap3A_941, %swap3A_942, %swap3A_943, %swap3A_944], %swap3A_947 {strides = array<i32>} : memref<2x8x128x8x128xf32, #tpu.memory_space<vmem>>, vector<1x8x2x8x128xf32>,
    %get3A_948 = arith.constant 8704 : index
    %get3A_949 = arith.constant 0 : index
    %get3A_950 = vector.load %arg1[%get3A_948, %get3A_949] : memref<16384x128xf32, #tpu.memory_space<vmem>>, vector<128x128xf32>
    %transpose3A_951 = tpu.transpose %get3A_950, [1, 0] : vector<128x128xf32> -> vector<128x128xf32>
    %reshape3A_952 = vector.shape_cast %transpose3A_951 : vector<128x128xf32> to vector<2x8x8x128xf32>
    %transpose3A_953 = tpu.transpose %reshape3A_952, [1, 0, 2, 3] : vector<2x8x8x128xf32> -> vector<8x2x8x128xf32>
    %swap3A_954 = arith.constant 1 : index
    %swap3A_955 = arith.constant 0 : index
    %swap3A_956 = arith.constant 8 : index
    %swap3A_957 = arith.constant 0 : index
    %swap3A_958 = arith.constant 0 : index
    %swap3A_959 = vector.load %arg2[%swap3A_954, %swap3A_955, %swap3A_956, %swap3A_957, %swap3A_958] : memref<2x8x128x8x128xf32, #tpu.memory_space<vmem>>, vector<1x8x2x8x128xf32>
    %swap3A_960 = vector.shape_cast %swap3A_959 : vector<1x8x2x8x128xf32> to vector<8x2x8x128xf32>
    %swap3A_961 = vector.shape_cast %transpose3A_953 : vector<8x2x8x128xf32> to vector<1x8x2x8x128xf32>
    tpu.vector_store %arg2[%swap3A_954, %swap3A_955, %swap3A_956, %swap3A_957, %swap3A_958], %swap3A_961 {strides = array<i32>} : memref<2x8x128x8x128xf32, #tpu.memory_space<vmem>>, vector<1x8x2x8x128xf32>,
    %get3A_962 = arith.constant 8832 : index
    %get3A_963 = arith.constant 0 : index
    %get3A_964 = vector.load %arg1[%get3A_962, %get3A_963] : memref<16384x128xf32, #tpu.memory_space<vmem>>, vector<128x128xf32>
    %transpose3A_965 = tpu.transpose %get3A_964, [1, 0] : vector<128x128xf32> -> vector<128x128xf32>
    %reshape3A_966 = vector.shape_cast %transpose3A_965 : vector<128x128xf32> to vector<2x8x8x128xf32>
    %transpose3A_967 = tpu.transpose %reshape3A_966, [1, 0, 2, 3] : vector<2x8x8x128xf32> -> vector<8x2x8x128xf32>
    %swap3A_968 = arith.constant 1 : index
    %swap3A_969 = arith.constant 0 : index
    %swap3A_970 = arith.constant 10 : index
    %swap3A_971 = arith.constant 0 : index
    %swap3A_972 = arith.constant 0 : index
    %swap3A_973 = vector.load %arg2[%swap3A_968, %swap3A_969, %swap3A_970, %swap3A_971, %swap3A_972] : memref<2x8x128x8x128xf32, #tpu.memory_space<vmem>>, vector<1x8x2x8x128xf32>
    %swap3A_974 = vector.shape_cast %swap3A_973 : vector<1x8x2x8x128xf32> to vector<8x2x8x128xf32>
    %swap3A_975 = vector.shape_cast %transpose3A_967 : vector<8x2x8x128xf32> to vector<1x8x2x8x128xf32>
    tpu.vector_store %arg2[%swap3A_968, %swap3A_969, %swap3A_970, %swap3A_971, %swap3A_972], %swap3A_975 {strides = array<i32>} : memref<2x8x128x8x128xf32, #tpu.memory_space<vmem>>, vector<1x8x2x8x128xf32>,
    %get3A_976 = arith.constant 8960 : index
    %get3A_977 = arith.constant 0 : index
    %get3A_978 = vector.load %arg1[%get3A_976, %get3A_977] : memref<16384x128xf32, #tpu.memory_space<vmem>>, vector<128x128xf32>
    %transpose3A_979 = tpu.transpose %get3A_978, [1, 0] : vector<128x128xf32> -> vector<128x128xf32>
    %reshape3A_980 = vector.shape_cast %transpose3A_979 : vector<128x128xf32> to vector<2x8x8x128xf32>
    %transpose3A_981 = tpu.transpose %reshape3A_980, [1, 0, 2, 3] : vector<2x8x8x128xf32> -> vector<8x2x8x128xf32>
    %swap3A_982 = arith.constant 1 : index
    %swap3A_983 = arith.constant 0 : index
    %swap3A_984 = arith.constant 12 : index
    %swap3A_985 = arith.constant 0 : index
    %swap3A_986 = arith.constant 0 : index
    %swap3A_987 = vector.load %arg2[%swap3A_982, %swap3A_983, %swap3A_984, %swap3A_985, %swap3A_986] : memref<2x8x128x8x128xf32, #tpu.memory_space<vmem>>, vector<1x8x2x8x128xf32>
    %swap3A_988 = vector.shape_cast %swap3A_987 : vector<1x8x2x8x128xf32> to vector<8x2x8x128xf32>
    %swap3A_989 = vector.shape_cast %transpose3A_981 : vector<8x2x8x128xf32> to vector<1x8x2x8x128xf32>
    tpu.vector_store %arg2[%swap3A_982, %swap3A_983, %swap3A_984, %swap3A_985, %swap3A_986], %swap3A_989 {strides = array<i32>} : memref<2x8x128x8x128xf32, #tpu.memory_space<vmem>>, vector<1x8x2x8x128xf32>,
    %get3A_990 = arith.constant 9088 : index
    %get3A_991 = arith.constant 0 : index
    %get3A_992 = vector.load %arg1[%get3A_990, %get3A_991] : memref<16384x128xf32, #tpu.memory_space<vmem>>, vector<128x128xf32>
    %transpose3A_993 = tpu.transpose %get3A_992, [1, 0] : vector<128x128xf32> -> vector<128x128xf32>
    %reshape3A_994 = vector.shape_cast %transpose3A_993 : vector<128x128xf32> to vector<2x8x8x128xf32>
    %transpose3A_995 = tpu.transpose %reshape3A_994, [1, 0, 2, 3] : vector<2x8x8x128xf32> -> vector<8x2x8x128xf32>
    %swap3A_996 = arith.constant 1 : index
    %swap3A_997 = arith.constant 0 : index
    %swap3A_998 = arith.constant 14 : index
    %swap3A_999 = arith.constant 0 : index
    %swap3A_1000 = arith.constant 0 : index
    %swap3A_1001 = vector.load %arg2[%swap3A_996, %swap3A_997, %swap3A_998, %swap3A_999, %swap3A_1000] : memref<2x8x128x8x128xf32, #tpu.memory_space<vmem>>, vector<1x8x2x8x128xf32>
    %swap3A_1002 = vector.shape_cast %swap3A_1001 : vector<1x8x2x8x128xf32> to vector<8x2x8x128xf32>
    %swap3A_1003 = vector.shape_cast %transpose3A_995 : vector<8x2x8x128xf32> to vector<1x8x2x8x128xf32>
    tpu.vector_store %arg2[%swap3A_996, %swap3A_997, %swap3A_998, %swap3A_999, %swap3A_1000], %swap3A_1003 {strides = array<i32>} : memref<2x8x128x8x128xf32, #tpu.memory_space<vmem>>, vector<1x8x2x8x128xf32>,
    %get3A_1004 = arith.constant 9216 : index
    %get3A_1005 = arith.constant 0 : index
    %get3A_1006 = vector.load %arg1[%get3A_1004, %get3A_1005] : memref<16384x128xf32, #tpu.memory_space<vmem>>, vector<128x128xf32>
    %transpose3A_1007 = tpu.transpose %get3A_1006, [1, 0] : vector<128x128xf32> -> vector<128x128xf32>
    %reshape3A_1008 = vector.shape_cast %transpose3A_1007 : vector<128x128xf32> to vector<2x8x8x128xf32>
    %transpose3A_1009 = tpu.transpose %reshape3A_1008, [1, 0, 2, 3] : vector<2x8x8x128xf32> -> vector<8x2x8x128xf32>
    %swap3A_1010 = arith.constant 1 : index
    %swap3A_1011 = arith.constant 0 : index
    %swap3A_1012 = arith.constant 16 : index
    %swap3A_1013 = arith.constant 0 : index
    %swap3A_1014 = arith.constant 0 : index
    %swap3A_1015 = vector.load %arg2[%swap3A_1010, %swap3A_1011, %swap3A_1012, %swap3A_1013, %swap3A_1014] : memref<2x8x128x8x128xf32, #tpu.memory_space<vmem>>, vector<1x8x2x8x128xf32>
    %swap3A_1016 = vector.shape_cast %swap3A_1015 : vector<1x8x2x8x128xf32> to vector<8x2x8x128xf32>
    %swap3A_1017 = vector.shape_cast %transpose3A_1009 : vector<8x2x8x128xf32> to vector<1x8x2x8x128xf32>
    tpu.vector_store %arg2[%swap3A_1010, %swap3A_1011, %swap3A_1012, %swap3A_1013, %swap3A_1014], %swap3A_1017 {strides = array<i32>} : memref<2x8x128x8x128xf32, #tpu.memory_space<vmem>>, vector<1x8x2x8x128xf32>,
    %get3A_1018 = arith.constant 9344 : index
    %get3A_1019 = arith.constant 0 : index
    %get3A_1020 = vector.load %arg1[%get3A_1018, %get3A_1019] : memref<16384x128xf32, #tpu.memory_space<vmem>>, vector<128x128xf32>
    %transpose3A_1021 = tpu.transpose %get3A_1020, [1, 0] : vector<128x128xf32> -> vector<128x128xf32>
    %reshape3A_1022 = vector.shape_cast %transpose3A_1021 : vector<128x128xf32> to vector<2x8x8x128xf32>
    %transpose3A_1023 = tpu.transpose %reshape3A_1022, [1, 0, 2, 3] : vector<2x8x8x128xf32> -> vector<8x2x8x128xf32>
    %swap3A_1024 = arith.constant 1 : index
    %swap3A_1025 = arith.constant 0 : index
    %swap3A_1026 = arith.constant 18 : index
    %swap3A_1027 = arith.constant 0 : index
    %swap3A_1028 = arith.constant 0 : index
    %swap3A_1029 = vector.load %arg2[%swap3A_1024, %swap3A_1025, %swap3A_1026, %swap3A_1027, %swap3A_1028] : memref<2x8x128x8x128xf32, #tpu.memory_space<vmem>>, vector<1x8x2x8x128xf32>
    %swap3A_1030 = vector.shape_cast %swap3A_1029 : vector<1x8x2x8x128xf32> to vector<8x2x8x128xf32>
    %swap3A_1031 = vector.shape_cast %transpose3A_1023 : vector<8x2x8x128xf32> to vector<1x8x2x8x128xf32>
    tpu.vector_store %arg2[%swap3A_1024, %swap3A_1025, %swap3A_1026, %swap3A_1027, %swap3A_1028], %swap3A_1031 {strides = array<i32>} : memref<2x8x128x8x128xf32, #tpu.memory_space<vmem>>, vector<1x8x2x8x128xf32>,
    %get3A_1032 = arith.constant 9472 : index
    %get3A_1033 = arith.constant 0 : index
    %get3A_1034 = vector.load %arg1[%get3A_1032, %get3A_1033] : memref<16384x128xf32, #tpu.memory_space<vmem>>, vector<128x128xf32>
    %transpose3A_1035 = tpu.transpose %get3A_1034, [1, 0] : vector<128x128xf32> -> vector<128x128xf32>
    %reshape3A_1036 = vector.shape_cast %transpose3A_1035 : vector<128x128xf32> to vector<2x8x8x128xf32>
    %transpose3A_1037 = tpu.transpose %reshape3A_1036, [1, 0, 2, 3] : vector<2x8x8x128xf32> -> vector<8x2x8x128xf32>
    %swap3A_1038 = arith.constant 1 : index
    %swap3A_1039 = arith.constant 0 : index
    %swap3A_1040 = arith.constant 20 : index
    %swap3A_1041 = arith.constant 0 : index
    %swap3A_1042 = arith.constant 0 : index
    %swap3A_1043 = vector.load %arg2[%swap3A_1038, %swap3A_1039, %swap3A_1040, %swap3A_1041, %swap3A_1042] : memref<2x8x128x8x128xf32, #tpu.memory_space<vmem>>, vector<1x8x2x8x128xf32>
    %swap3A_1044 = vector.shape_cast %swap3A_1043 : vector<1x8x2x8x128xf32> to vector<8x2x8x128xf32>
    %swap3A_1045 = vector.shape_cast %transpose3A_1037 : vector<8x2x8x128xf32> to vector<1x8x2x8x128xf32>
    tpu.vector_store %arg2[%swap3A_1038, %swap3A_1039, %swap3A_1040, %swap3A_1041, %swap3A_1042], %swap3A_1045 {strides = array<i32>} : memref<2x8x128x8x128xf32, #tpu.memory_space<vmem>>, vector<1x8x2x8x128xf32>,
    %get3A_1046 = arith.constant 9600 : index
    %get3A_1047 = arith.constant 0 : index
    %get3A_1048 = vector.load %arg1[%get3A_1046, %get3A_1047] : memref<16384x128xf32, #tpu.memory_space<vmem>>, vector<128x128xf32>
    %transpose3A_1049 = tpu.transpose %get3A_1048, [1, 0] : vector<128x128xf32> -> vector<128x128xf32>
    %reshape3A_1050 = vector.shape_cast %transpose3A_1049 : vector<128x128xf32> to vector<2x8x8x128xf32>
    %transpose3A_1051 = tpu.transpose %reshape3A_1050, [1, 0, 2, 3] : vector<2x8x8x128xf32> -> vector<8x2x8x128xf32>
    %swap3A_1052 = arith.constant 1 : index
    %swap3A_1053 = arith.constant 0 : index
    %swap3A_1054 = arith.constant 22 : index
    %swap3A_1055 = arith.constant 0 : index
    %swap3A_1056 = arith.constant 0 : index
    %swap3A_1057 = vector.load %arg2[%swap3A_1052, %swap3A_1053, %swap3A_1054, %swap3A_1055, %swap3A_1056] : memref<2x8x128x8x128xf32, #tpu.memory_space<vmem>>, vector<1x8x2x8x128xf32>
    %swap3A_1058 = vector.shape_cast %swap3A_1057 : vector<1x8x2x8x128xf32> to vector<8x2x8x128xf32>
    %swap3A_1059 = vector.shape_cast %transpose3A_1051 : vector<8x2x8x128xf32> to vector<1x8x2x8x128xf32>
    tpu.vector_store %arg2[%swap3A_1052, %swap3A_1053, %swap3A_1054, %swap3A_1055, %swap3A_1056], %swap3A_1059 {strides = array<i32>} : memref<2x8x128x8x128xf32, #tpu.memory_space<vmem>>, vector<1x8x2x8x128xf32>,
    %get3A_1060 = arith.constant 9728 : index
    %get3A_1061 = arith.constant 0 : index
    %get3A_1062 = vector.load %arg1[%get3A_1060, %get3A_1061] : memref<16384x128xf32, #tpu.memory_space<vmem>>, vector<128x128xf32>
    %transpose3A_1063 = tpu.transpose %get3A_1062, [1, 0] : vector<128x128xf32> -> vector<128x128xf32>
    %reshape3A_1064 = vector.shape_cast %transpose3A_1063 : vector<128x128xf32> to vector<2x8x8x128xf32>
    %transpose3A_1065 = tpu.transpose %reshape3A_1064, [1, 0, 2, 3] : vector<2x8x8x128xf32> -> vector<8x2x8x128xf32>
    %swap3A_1066 = arith.constant 1 : index
    %swap3A_1067 = arith.constant 0 : index
    %swap3A_1068 = arith.constant 24 : index
    %swap3A_1069 = arith.constant 0 : index
    %swap3A_1070 = arith.constant 0 : index
    %swap3A_1071 = vector.load %arg2[%swap3A_1066, %swap3A_1067, %swap3A_1068, %swap3A_1069, %swap3A_1070] : memref<2x8x128x8x128xf32, #tpu.memory_space<vmem>>, vector<1x8x2x8x128xf32>
    %swap3A_1072 = vector.shape_cast %swap3A_1071 : vector<1x8x2x8x128xf32> to vector<8x2x8x128xf32>
    %swap3A_1073 = vector.shape_cast %transpose3A_1065 : vector<8x2x8x128xf32> to vector<1x8x2x8x128xf32>
    tpu.vector_store %arg2[%swap3A_1066, %swap3A_1067, %swap3A_1068, %swap3A_1069, %swap3A_1070], %swap3A_1073 {strides = array<i32>} : memref<2x8x128x8x128xf32, #tpu.memory_space<vmem>>, vector<1x8x2x8x128xf32>,
    %get3A_1074 = arith.constant 9856 : index
    %get3A_1075 = arith.constant 0 : index
    %get3A_1076 = vector.load %arg1[%get3A_1074, %get3A_1075] : memref<16384x128xf32, #tpu.memory_space<vmem>>, vector<128x128xf32>
    %transpose3A_1077 = tpu.transpose %get3A_1076, [1, 0] : vector<128x128xf32> -> vector<128x128xf32>
    %reshape3A_1078 = vector.shape_cast %transpose3A_1077 : vector<128x128xf32> to vector<2x8x8x128xf32>
    %transpose3A_1079 = tpu.transpose %reshape3A_1078, [1, 0, 2, 3] : vector<2x8x8x128xf32> -> vector<8x2x8x128xf32>
    %swap3A_1080 = arith.constant 1 : index
    %swap3A_1081 = arith.constant 0 : index
    %swap3A_1082 = arith.constant 26 : index
    %swap3A_1083 = arith.constant 0 : index
    %swap3A_1084 = arith.constant 0 : index
    %swap3A_1085 = vector.load %arg2[%swap3A_1080, %swap3A_1081, %swap3A_1082, %swap3A_1083, %swap3A_1084] : memref<2x8x128x8x128xf32, #tpu.memory_space<vmem>>, vector<1x8x2x8x128xf32>
    %swap3A_1086 = vector.shape_cast %swap3A_1085 : vector<1x8x2x8x128xf32> to vector<8x2x8x128xf32>
    %swap3A_1087 = vector.shape_cast %transpose3A_1079 : vector<8x2x8x128xf32> to vector<1x8x2x8x128xf32>
    tpu.vector_store %arg2[%swap3A_1080, %swap3A_1081, %swap3A_1082, %swap3A_1083, %swap3A_1084], %swap3A_1087 {strides = array<i32>} : memref<2x8x128x8x128xf32, #tpu.memory_space<vmem>>, vector<1x8x2x8x128xf32>,
    %get3A_1088 = arith.constant 9984 : index
    %get3A_1089 = arith.constant 0 : index
    %get3A_1090 = vector.load %arg1[%get3A_1088, %get3A_1089] : memref<16384x128xf32, #tpu.memory_space<vmem>>, vector<128x128xf32>
    %transpose3A_1091 = tpu.transpose %get3A_1090, [1, 0] : vector<128x128xf32> -> vector<128x128xf32>
    %reshape3A_1092 = vector.shape_cast %transpose3A_1091 : vector<128x128xf32> to vector<2x8x8x128xf32>
    %transpose3A_1093 = tpu.transpose %reshape3A_1092, [1, 0, 2, 3] : vector<2x8x8x128xf32> -> vector<8x2x8x128xf32>
    %swap3A_1094 = arith.constant 1 : index
    %swap3A_1095 = arith.constant 0 : index
    %swap3A_1096 = arith.constant 28 : index
    %swap3A_1097 = arith.constant 0 : index
    %swap3A_1098 = arith.constant 0 : index
    %swap3A_1099 = vector.load %arg2[%swap3A_1094, %swap3A_1095, %swap3A_1096, %swap3A_1097, %swap3A_1098] : memref<2x8x128x8x128xf32, #tpu.memory_space<vmem>>, vector<1x8x2x8x128xf32>
    %swap3A_1100 = vector.shape_cast %swap3A_1099 : vector<1x8x2x8x128xf32> to vector<8x2x8x128xf32>
    %swap3A_1101 = vector.shape_cast %transpose3A_1093 : vector<8x2x8x128xf32> to vector<1x8x2x8x128xf32>
    tpu.vector_store %arg2[%swap3A_1094, %swap3A_1095, %swap3A_1096, %swap3A_1097, %swap3A_1098], %swap3A_1101 {strides = array<i32>} : memref<2x8x128x8x128xf32, #tpu.memory_space<vmem>>, vector<1x8x2x8x128xf32>,
    %get3A_1102 = arith.constant 10112 : index
    %get3A_1103 = arith.constant 0 : index
    %get3A_1104 = vector.load %arg1[%get3A_1102, %get3A_1103] : memref<16384x128xf32, #tpu.memory_space<vmem>>, vector<128x128xf32>
    %transpose3A_1105 = tpu.transpose %get3A_1104, [1, 0] : vector<128x128xf32> -> vector<128x128xf32>
    %reshape3A_1106 = vector.shape_cast %transpose3A_1105 : vector<128x128xf32> to vector<2x8x8x128xf32>
    %transpose3A_1107 = tpu.transpose %reshape3A_1106, [1, 0, 2, 3] : vector<2x8x8x128xf32> -> vector<8x2x8x128xf32>
    %swap3A_1108 = arith.constant 1 : index
    %swap3A_1109 = arith.constant 0 : index
    %swap3A_1110 = arith.constant 30 : index
    %swap3A_1111 = arith.constant 0 : index
    %swap3A_1112 = arith.constant 0 : index
    %swap3A_1113 = vector.load %arg2[%swap3A_1108, %swap3A_1109, %swap3A_1110, %swap3A_1111, %swap3A_1112] : memref<2x8x128x8x128xf32, #tpu.memory_space<vmem>>, vector<1x8x2x8x128xf32>
    %swap3A_1114 = vector.shape_cast %swap3A_1113 : vector<1x8x2x8x128xf32> to vector<8x2x8x128xf32>
    %swap3A_1115 = vector.shape_cast %transpose3A_1107 : vector<8x2x8x128xf32> to vector<1x8x2x8x128xf32>
    tpu.vector_store %arg2[%swap3A_1108, %swap3A_1109, %swap3A_1110, %swap3A_1111, %swap3A_1112], %swap3A_1115 {strides = array<i32>} : memref<2x8x128x8x128xf32, #tpu.memory_space<vmem>>, vector<1x8x2x8x128xf32>,
    %get3A_1116 = arith.constant 10240 : index
    %get3A_1117 = arith.constant 0 : index
    %get3A_1118 = vector.load %arg1[%get3A_1116, %get3A_1117] : memref<16384x128xf32, #tpu.memory_space<vmem>>, vector<128x128xf32>
    %transpose3A_1119 = tpu.transpose %get3A_1118, [1, 0] : vector<128x128xf32> -> vector<128x128xf32>
    %reshape3A_1120 = vector.shape_cast %transpose3A_1119 : vector<128x128xf32> to vector<2x8x8x128xf32>
    %transpose3A_1121 = tpu.transpose %reshape3A_1120, [1, 0, 2, 3] : vector<2x8x8x128xf32> -> vector<8x2x8x128xf32>
    %swap3A_1122 = arith.constant 1 : index
    %swap3A_1123 = arith.constant 0 : index
    %swap3A_1124 = arith.constant 32 : index
    %swap3A_1125 = arith.constant 0 : index
    %swap3A_1126 = arith.constant 0 : index
    %swap3A_1127 = vector.load %arg2[%swap3A_1122, %swap3A_1123, %swap3A_1124, %swap3A_1125, %swap3A_1126] : memref<2x8x128x8x128xf32, #tpu.memory_space<vmem>>, vector<1x8x2x8x128xf32>
    %swap3A_1128 = vector.shape_cast %swap3A_1127 : vector<1x8x2x8x128xf32> to vector<8x2x8x128xf32>
    %swap3A_1129 = vector.shape_cast %transpose3A_1121 : vector<8x2x8x128xf32> to vector<1x8x2x8x128xf32>
    tpu.vector_store %arg2[%swap3A_1122, %swap3A_1123, %swap3A_1124, %swap3A_1125, %swap3A_1126], %swap3A_1129 {strides = array<i32>} : memref<2x8x128x8x128xf32, #tpu.memory_space<vmem>>, vector<1x8x2x8x128xf32>,
    %get3A_1130 = arith.constant 10368 : index
    %get3A_1131 = arith.constant 0 : index
    %get3A_1132 = vector.load %arg1[%get3A_1130, %get3A_1131] : memref<16384x128xf32, #tpu.memory_space<vmem>>, vector<128x128xf32>
    %transpose3A_1133 = tpu.transpose %get3A_1132, [1, 0] : vector<128x128xf32> -> vector<128x128xf32>
    %reshape3A_1134 = vector.shape_cast %transpose3A_1133 : vector<128x128xf32> to vector<2x8x8x128xf32>
    %transpose3A_1135 = tpu.transpose %reshape3A_1134, [1, 0, 2, 3] : vector<2x8x8x128xf32> -> vector<8x2x8x128xf32>
    %swap3A_1136 = arith.constant 1 : index
    %swap3A_1137 = arith.constant 0 : index
    %swap3A_1138 = arith.constant 34 : index
    %swap3A_1139 = arith.constant 0 : index
    %swap3A_1140 = arith.constant 0 : index
    %swap3A_1141 = vector.load %arg2[%swap3A_1136, %swap3A_1137, %swap3A_1138, %swap3A_1139, %swap3A_1140] : memref<2x8x128x8x128xf32, #tpu.memory_space<vmem>>, vector<1x8x2x8x128xf32>
    %swap3A_1142 = vector.shape_cast %swap3A_1141 : vector<1x8x2x8x128xf32> to vector<8x2x8x128xf32>
    %swap3A_1143 = vector.shape_cast %transpose3A_1135 : vector<8x2x8x128xf32> to vector<1x8x2x8x128xf32>
    tpu.vector_store %arg2[%swap3A_1136, %swap3A_1137, %swap3A_1138, %swap3A_1139, %swap3A_1140], %swap3A_1143 {strides = array<i32>} : memref<2x8x128x8x128xf32, #tpu.memory_space<vmem>>, vector<1x8x2x8x128xf32>,
    %get3A_1144 = arith.constant 10496 : index
    %get3A_1145 = arith.constant 0 : index
    %get3A_1146 = vector.load %arg1[%get3A_1144, %get3A_1145] : memref<16384x128xf32, #tpu.memory_space<vmem>>, vector<128x128xf32>
    %transpose3A_1147 = tpu.transpose %get3A_1146, [1, 0] : vector<128x128xf32> -> vector<128x128xf32>
    %reshape3A_1148 = vector.shape_cast %transpose3A_1147 : vector<128x128xf32> to vector<2x8x8x128xf32>
    %transpose3A_1149 = tpu.transpose %reshape3A_1148, [1, 0, 2, 3] : vector<2x8x8x128xf32> -> vector<8x2x8x128xf32>
    %swap3A_1150 = arith.constant 1 : index
    %swap3A_1151 = arith.constant 0 : index
    %swap3A_1152 = arith.constant 36 : index
    %swap3A_1153 = arith.constant 0 : index
    %swap3A_1154 = arith.constant 0 : index
    %swap3A_1155 = vector.load %arg2[%swap3A_1150, %swap3A_1151, %swap3A_1152, %swap3A_1153, %swap3A_1154] : memref<2x8x128x8x128xf32, #tpu.memory_space<vmem>>, vector<1x8x2x8x128xf32>
    %swap3A_1156 = vector.shape_cast %swap3A_1155 : vector<1x8x2x8x128xf32> to vector<8x2x8x128xf32>
    %swap3A_1157 = vector.shape_cast %transpose3A_1149 : vector<8x2x8x128xf32> to vector<1x8x2x8x128xf32>
    tpu.vector_store %arg2[%swap3A_1150, %swap3A_1151, %swap3A_1152, %swap3A_1153, %swap3A_1154], %swap3A_1157 {strides = array<i32>} : memref<2x8x128x8x128xf32, #tpu.memory_space<vmem>>, vector<1x8x2x8x128xf32>,
    %get3A_1158 = arith.constant 10624 : index
    %get3A_1159 = arith.constant 0 : index
    %get3A_1160 = vector.load %arg1[%get3A_1158, %get3A_1159] : memref<16384x128xf32, #tpu.memory_space<vmem>>, vector<128x128xf32>
    %transpose3A_1161 = tpu.transpose %get3A_1160, [1, 0] : vector<128x128xf32> -> vector<128x128xf32>
    %reshape3A_1162 = vector.shape_cast %transpose3A_1161 : vector<128x128xf32> to vector<2x8x8x128xf32>
    %transpose3A_1163 = tpu.transpose %reshape3A_1162, [1, 0, 2, 3] : vector<2x8x8x128xf32> -> vector<8x2x8x128xf32>
    %swap3A_1164 = arith.constant 1 : index
    %swap3A_1165 = arith.constant 0 : index
    %swap3A_1166 = arith.constant 38 : index
    %swap3A_1167 = arith.constant 0 : index
    %swap3A_1168 = arith.constant 0 : index
    %swap3A_1169 = vector.load %arg2[%swap3A_1164, %swap3A_1165, %swap3A_1166, %swap3A_1167, %swap3A_1168] : memref<2x8x128x8x128xf32, #tpu.memory_space<vmem>>, vector<1x8x2x8x128xf32>
    %swap3A_1170 = vector.shape_cast %swap3A_1169 : vector<1x8x2x8x128xf32> to vector<8x2x8x128xf32>
    %swap3A_1171 = vector.shape_cast %transpose3A_1163 : vector<8x2x8x128xf32> to vector<1x8x2x8x128xf32>
    tpu.vector_store %arg2[%swap3A_1164, %swap3A_1165, %swap3A_1166, %swap3A_1167, %swap3A_1168], %swap3A_1171 {strides = array<i32>} : memref<2x8x128x8x128xf32, #tpu.memory_space<vmem>>, vector<1x8x2x8x128xf32>,
    %get3A_1172 = arith.constant 10752 : index
    %get3A_1173 = arith.constant 0 : index
    %get3A_1174 = vector.load %arg1[%get3A_1172, %get3A_1173] : memref<16384x128xf32, #tpu.memory_space<vmem>>, vector<128x128xf32>
    %transpose3A_1175 = tpu.transpose %get3A_1174, [1, 0] : vector<128x128xf32> -> vector<128x128xf32>
    %reshape3A_1176 = vector.shape_cast %transpose3A_1175 : vector<128x128xf32> to vector<2x8x8x128xf32>
    %transpose3A_1177 = tpu.transpose %reshape3A_1176, [1, 0, 2, 3] : vector<2x8x8x128xf32> -> vector<8x2x8x128xf32>
    %swap3A_1178 = arith.constant 1 : index
    %swap3A_1179 = arith.constant 0 : index
    %swap3A_1180 = arith.constant 40 : index
    %swap3A_1181 = arith.constant 0 : index
    %swap3A_1182 = arith.constant 0 : index
    %swap3A_1183 = vector.load %arg2[%swap3A_1178, %swap3A_1179, %swap3A_1180, %swap3A_1181, %swap3A_1182] : memref<2x8x128x8x128xf32, #tpu.memory_space<vmem>>, vector<1x8x2x8x128xf32>
    %swap3A_1184 = vector.shape_cast %swap3A_1183 : vector<1x8x2x8x128xf32> to vector<8x2x8x128xf32>
    %swap3A_1185 = vector.shape_cast %transpose3A_1177 : vector<8x2x8x128xf32> to vector<1x8x2x8x128xf32>
    tpu.vector_store %arg2[%swap3A_1178, %swap3A_1179, %swap3A_1180, %swap3A_1181, %swap3A_1182], %swap3A_1185 {strides = array<i32>} : memref<2x8x128x8x128xf32, #tpu.memory_space<vmem>>, vector<1x8x2x8x128xf32>,
    %get3A_1186 = arith.constant 10880 : index
    %get3A_1187 = arith.constant 0 : index
    %get3A_1188 = vector.load %arg1[%get3A_1186, %get3A_1187] : memref<16384x128xf32, #tpu.memory_space<vmem>>, vector<128x128xf32>
    %transpose3A_1189 = tpu.transpose %get3A_1188, [1, 0] : vector<128x128xf32> -> vector<128x128xf32>
    %reshape3A_1190 = vector.shape_cast %transpose3A_1189 : vector<128x128xf32> to vector<2x8x8x128xf32>
    %transpose3A_1191 = tpu.transpose %reshape3A_1190, [1, 0, 2, 3] : vector<2x8x8x128xf32> -> vector<8x2x8x128xf32>
    %swap3A_1192 = arith.constant 1 : index
    %swap3A_1193 = arith.constant 0 : index
    %swap3A_1194 = arith.constant 42 : index
    %swap3A_1195 = arith.constant 0 : index
    %swap3A_1196 = arith.constant 0 : index
    %swap3A_1197 = vector.load %arg2[%swap3A_1192, %swap3A_1193, %swap3A_1194, %swap3A_1195, %swap3A_1196] : memref<2x8x128x8x128xf32, #tpu.memory_space<vmem>>, vector<1x8x2x8x128xf32>
    %swap3A_1198 = vector.shape_cast %swap3A_1197 : vector<1x8x2x8x128xf32> to vector<8x2x8x128xf32>
    %swap3A_1199 = vector.shape_cast %transpose3A_1191 : vector<8x2x8x128xf32> to vector<1x8x2x8x128xf32>
    tpu.vector_store %arg2[%swap3A_1192, %swap3A_1193, %swap3A_1194, %swap3A_1195, %swap3A_1196], %swap3A_1199 {strides = array<i32>} : memref<2x8x128x8x128xf32, #tpu.memory_space<vmem>>, vector<1x8x2x8x128xf32>,
    %get3A_1200 = arith.constant 11008 : index
    %get3A_1201 = arith.constant 0 : index
    %get3A_1202 = vector.load %arg1[%get3A_1200, %get3A_1201] : memref<16384x128xf32, #tpu.memory_space<vmem>>, vector<128x128xf32>
    %transpose3A_1203 = tpu.transpose %get3A_1202, [1, 0] : vector<128x128xf32> -> vector<128x128xf32>
    %reshape3A_1204 = vector.shape_cast %transpose3A_1203 : vector<128x128xf32> to vector<2x8x8x128xf32>
    %transpose3A_1205 = tpu.transpose %reshape3A_1204, [1, 0, 2, 3] : vector<2x8x8x128xf32> -> vector<8x2x8x128xf32>
    %swap3A_1206 = arith.constant 1 : index
    %swap3A_1207 = arith.constant 0 : index
    %swap3A_1208 = arith.constant 44 : index
    %swap3A_1209 = arith.constant 0 : index
    %swap3A_1210 = arith.constant 0 : index
    %swap3A_1211 = vector.load %arg2[%swap3A_1206, %swap3A_1207, %swap3A_1208, %swap3A_1209, %swap3A_1210] : memref<2x8x128x8x128xf32, #tpu.memory_space<vmem>>, vector<1x8x2x8x128xf32>
    %swap3A_1212 = vector.shape_cast %swap3A_1211 : vector<1x8x2x8x128xf32> to vector<8x2x8x128xf32>
    %swap3A_1213 = vector.shape_cast %transpose3A_1205 : vector<8x2x8x128xf32> to vector<1x8x2x8x128xf32>
    tpu.vector_store %arg2[%swap3A_1206, %swap3A_1207, %swap3A_1208, %swap3A_1209, %swap3A_1210], %swap3A_1213 {strides = array<i32>} : memref<2x8x128x8x128xf32, #tpu.memory_space<vmem>>, vector<1x8x2x8x128xf32>,
    %get3A_1214 = arith.constant 11136 : index
    %get3A_1215 = arith.constant 0 : index
    %get3A_1216 = vector.load %arg1[%get3A_1214, %get3A_1215] : memref<16384x128xf32, #tpu.memory_space<vmem>>, vector<128x128xf32>
    %transpose3A_1217 = tpu.transpose %get3A_1216, [1, 0] : vector<128x128xf32> -> vector<128x128xf32>
    %reshape3A_1218 = vector.shape_cast %transpose3A_1217 : vector<128x128xf32> to vector<2x8x8x128xf32>
    %transpose3A_1219 = tpu.transpose %reshape3A_1218, [1, 0, 2, 3] : vector<2x8x8x128xf32> -> vector<8x2x8x128xf32>
    %swap3A_1220 = arith.constant 1 : index
    %swap3A_1221 = arith.constant 0 : index
    %swap3A_1222 = arith.constant 46 : index
    %swap3A_1223 = arith.constant 0 : index
    %swap3A_1224 = arith.constant 0 : index
    %swap3A_1225 = vector.load %arg2[%swap3A_1220, %swap3A_1221, %swap3A_1222, %swap3A_1223, %swap3A_1224] : memref<2x8x128x8x128xf32, #tpu.memory_space<vmem>>, vector<1x8x2x8x128xf32>
    %swap3A_1226 = vector.shape_cast %swap3A_1225 : vector<1x8x2x8x128xf32> to vector<8x2x8x128xf32>
    %swap3A_1227 = vector.shape_cast %transpose3A_1219 : vector<8x2x8x128xf32> to vector<1x8x2x8x128xf32>
    tpu.vector_store %arg2[%swap3A_1220, %swap3A_1221, %swap3A_1222, %swap3A_1223, %swap3A_1224], %swap3A_1227 {strides = array<i32>} : memref<2x8x128x8x128xf32, #tpu.memory_space<vmem>>, vector<1x8x2x8x128xf32>,
    %get3A_1228 = arith.constant 11264 : index
    %get3A_1229 = arith.constant 0 : index
    %get3A_1230 = vector.load %arg1[%get3A_1228, %get3A_1229] : memref<16384x128xf32, #tpu.memory_space<vmem>>, vector<128x128xf32>
    %transpose3A_1231 = tpu.transpose %get3A_1230, [1, 0] : vector<128x128xf32> -> vector<128x128xf32>
    %reshape3A_1232 = vector.shape_cast %transpose3A_1231 : vector<128x128xf32> to vector<2x8x8x128xf32>
    %transpose3A_1233 = tpu.transpose %reshape3A_1232, [1, 0, 2, 3] : vector<2x8x8x128xf32> -> vector<8x2x8x128xf32>
    %swap3A_1234 = arith.constant 1 : index
    %swap3A_1235 = arith.constant 0 : index
    %swap3A_1236 = arith.constant 48 : index
    %swap3A_1237 = arith.constant 0 : index
    %swap3A_1238 = arith.constant 0 : index
    %swap3A_1239 = vector.load %arg2[%swap3A_1234, %swap3A_1235, %swap3A_1236, %swap3A_1237, %swap3A_1238] : memref<2x8x128x8x128xf32, #tpu.memory_space<vmem>>, vector<1x8x2x8x128xf32>
    %swap3A_1240 = vector.shape_cast %swap3A_1239 : vector<1x8x2x8x128xf32> to vector<8x2x8x128xf32>
    %swap3A_1241 = vector.shape_cast %transpose3A_1233 : vector<8x2x8x128xf32> to vector<1x8x2x8x128xf32>
    tpu.vector_store %arg2[%swap3A_1234, %swap3A_1235, %swap3A_1236, %swap3A_1237, %swap3A_1238], %swap3A_1241 {strides = array<i32>} : memref<2x8x128x8x128xf32, #tpu.memory_space<vmem>>, vector<1x8x2x8x128xf32>,
    %get3A_1242 = arith.constant 11392 : index
    %get3A_1243 = arith.constant 0 : index
    %get3A_1244 = vector.load %arg1[%get3A_1242, %get3A_1243] : memref<16384x128xf32, #tpu.memory_space<vmem>>, vector<128x128xf32>
    %transpose3A_1245 = tpu.transpose %get3A_1244, [1, 0] : vector<128x128xf32> -> vector<128x128xf32>
    %reshape3A_1246 = vector.shape_cast %transpose3A_1245 : vector<128x128xf32> to vector<2x8x8x128xf32>
    %transpose3A_1247 = tpu.transpose %reshape3A_1246, [1, 0, 2, 3] : vector<2x8x8x128xf32> -> vector<8x2x8x128xf32>
    %swap3A_1248 = arith.constant 1 : index
    %swap3A_1249 = arith.constant 0 : index
    %swap3A_1250 = arith.constant 50 : index
    %swap3A_1251 = arith.constant 0 : index
    %swap3A_1252 = arith.constant 0 : index
    %swap3A_1253 = vector.load %arg2[%swap3A_1248, %swap3A_1249, %swap3A_1250, %swap3A_1251, %swap3A_1252] : memref<2x8x128x8x128xf32, #tpu.memory_space<vmem>>, vector<1x8x2x8x128xf32>
    %swap3A_1254 = vector.shape_cast %swap3A_1253 : vector<1x8x2x8x128xf32> to vector<8x2x8x128xf32>
    %swap3A_1255 = vector.shape_cast %transpose3A_1247 : vector<8x2x8x128xf32> to vector<1x8x2x8x128xf32>
    tpu.vector_store %arg2[%swap3A_1248, %swap3A_1249, %swap3A_1250, %swap3A_1251, %swap3A_1252], %swap3A_1255 {strides = array<i32>} : memref<2x8x128x8x128xf32, #tpu.memory_space<vmem>>, vector<1x8x2x8x128xf32>,
    %get3A_1256 = arith.constant 11520 : index
    %get3A_1257 = arith.constant 0 : index
    %get3A_1258 = vector.load %arg1[%get3A_1256, %get3A_1257] : memref<16384x128xf32, #tpu.memory_space<vmem>>, vector<128x128xf32>
    %transpose3A_1259 = tpu.transpose %get3A_1258, [1, 0] : vector<128x128xf32> -> vector<128x128xf32>
    %reshape3A_1260 = vector.shape_cast %transpose3A_1259 : vector<128x128xf32> to vector<2x8x8x128xf32>
    %transpose3A_1261 = tpu.transpose %reshape3A_1260, [1, 0, 2, 3] : vector<2x8x8x128xf32> -> vector<8x2x8x128xf32>
    %swap3A_1262 = arith.constant 1 : index
    %swap3A_1263 = arith.constant 0 : index
    %swap3A_1264 = arith.constant 52 : index
    %swap3A_1265 = arith.constant 0 : index
    %swap3A_1266 = arith.constant 0 : index
    %swap3A_1267 = vector.load %arg2[%swap3A_1262, %swap3A_1263, %swap3A_1264, %swap3A_1265, %swap3A_1266] : memref<2x8x128x8x128xf32, #tpu.memory_space<vmem>>, vector<1x8x2x8x128xf32>
    %swap3A_1268 = vector.shape_cast %swap3A_1267 : vector<1x8x2x8x128xf32> to vector<8x2x8x128xf32>
    %swap3A_1269 = vector.shape_cast %transpose3A_1261 : vector<8x2x8x128xf32> to vector<1x8x2x8x128xf32>
    tpu.vector_store %arg2[%swap3A_1262, %swap3A_1263, %swap3A_1264, %swap3A_1265, %swap3A_1266], %swap3A_1269 {strides = array<i32>} : memref<2x8x128x8x128xf32, #tpu.memory_space<vmem>>, vector<1x8x2x8x128xf32>,
    %get3A_1270 = arith.constant 11648 : index
    %get3A_1271 = arith.constant 0 : index
    %get3A_1272 = vector.load %arg1[%get3A_1270, %get3A_1271] : memref<16384x128xf32, #tpu.memory_space<vmem>>, vector<128x128xf32>
    %transpose3A_1273 = tpu.transpose %get3A_1272, [1, 0] : vector<128x128xf32> -> vector<128x128xf32>
    %reshape3A_1274 = vector.shape_cast %transpose3A_1273 : vector<128x128xf32> to vector<2x8x8x128xf32>
    %transpose3A_1275 = tpu.transpose %reshape3A_1274, [1, 0, 2, 3] : vector<2x8x8x128xf32> -> vector<8x2x8x128xf32>
    %swap3A_1276 = arith.constant 1 : index
    %swap3A_1277 = arith.constant 0 : index
    %swap3A_1278 = arith.constant 54 : index
    %swap3A_1279 = arith.constant 0 : index
    %swap3A_1280 = arith.constant 0 : index
    %swap3A_1281 = vector.load %arg2[%swap3A_1276, %swap3A_1277, %swap3A_1278, %swap3A_1279, %swap3A_1280] : memref<2x8x128x8x128xf32, #tpu.memory_space<vmem>>, vector<1x8x2x8x128xf32>
    %swap3A_1282 = vector.shape_cast %swap3A_1281 : vector<1x8x2x8x128xf32> to vector<8x2x8x128xf32>
    %swap3A_1283 = vector.shape_cast %transpose3A_1275 : vector<8x2x8x128xf32> to vector<1x8x2x8x128xf32>
    tpu.vector_store %arg2[%swap3A_1276, %swap3A_1277, %swap3A_1278, %swap3A_1279, %swap3A_1280], %swap3A_1283 {strides = array<i32>} : memref<2x8x128x8x128xf32, #tpu.memory_space<vmem>>, vector<1x8x2x8x128xf32>,
    %get3A_1284 = arith.constant 11776 : index
    %get3A_1285 = arith.constant 0 : index
    %get3A_1286 = vector.load %arg1[%get3A_1284, %get3A_1285] : memref<16384x128xf32, #tpu.memory_space<vmem>>, vector<128x128xf32>
    %transpose3A_1287 = tpu.transpose %get3A_1286, [1, 0] : vector<128x128xf32> -> vector<128x128xf32>
    %reshape3A_1288 = vector.shape_cast %transpose3A_1287 : vector<128x128xf32> to vector<2x8x8x128xf32>
    %transpose3A_1289 = tpu.transpose %reshape3A_1288, [1, 0, 2, 3] : vector<2x8x8x128xf32> -> vector<8x2x8x128xf32>
    %swap3A_1290 = arith.constant 1 : index
    %swap3A_1291 = arith.constant 0 : index
    %swap3A_1292 = arith.constant 56 : index
    %swap3A_1293 = arith.constant 0 : index
    %swap3A_1294 = arith.constant 0 : index
    %swap3A_1295 = vector.load %arg2[%swap3A_1290, %swap3A_1291, %swap3A_1292, %swap3A_1293, %swap3A_1294] : memref<2x8x128x8x128xf32, #tpu.memory_space<vmem>>, vector<1x8x2x8x128xf32>
    %swap3A_1296 = vector.shape_cast %swap3A_1295 : vector<1x8x2x8x128xf32> to vector<8x2x8x128xf32>
    %swap3A_1297 = vector.shape_cast %transpose3A_1289 : vector<8x2x8x128xf32> to vector<1x8x2x8x128xf32>
    tpu.vector_store %arg2[%swap3A_1290, %swap3A_1291, %swap3A_1292, %swap3A_1293, %swap3A_1294], %swap3A_1297 {strides = array<i32>} : memref<2x8x128x8x128xf32, #tpu.memory_space<vmem>>, vector<1x8x2x8x128xf32>,
    %get3A_1298 = arith.constant 11904 : index
    %get3A_1299 = arith.constant 0 : index
    %get3A_1300 = vector.load %arg1[%get3A_1298, %get3A_1299] : memref<16384x128xf32, #tpu.memory_space<vmem>>, vector<128x128xf32>
    %transpose3A_1301 = tpu.transpose %get3A_1300, [1, 0] : vector<128x128xf32> -> vector<128x128xf32>
    %reshape3A_1302 = vector.shape_cast %transpose3A_1301 : vector<128x128xf32> to vector<2x8x8x128xf32>
    %transpose3A_1303 = tpu.transpose %reshape3A_1302, [1, 0, 2, 3] : vector<2x8x8x128xf32> -> vector<8x2x8x128xf32>
    %swap3A_1304 = arith.constant 1 : index
    %swap3A_1305 = arith.constant 0 : index
    %swap3A_1306 = arith.constant 58 : index
    %swap3A_1307 = arith.constant 0 : index
    %swap3A_1308 = arith.constant 0 : index
    %swap3A_1309 = vector.load %arg2[%swap3A_1304, %swap3A_1305, %swap3A_1306, %swap3A_1307, %swap3A_1308] : memref<2x8x128x8x128xf32, #tpu.memory_space<vmem>>, vector<1x8x2x8x128xf32>
    %swap3A_1310 = vector.shape_cast %swap3A_1309 : vector<1x8x2x8x128xf32> to vector<8x2x8x128xf32>
    %swap3A_1311 = vector.shape_cast %transpose3A_1303 : vector<8x2x8x128xf32> to vector<1x8x2x8x128xf32>
    tpu.vector_store %arg2[%swap3A_1304, %swap3A_1305, %swap3A_1306, %swap3A_1307, %swap3A_1308], %swap3A_1311 {strides = array<i32>} : memref<2x8x128x8x128xf32, #tpu.memory_space<vmem>>, vector<1x8x2x8x128xf32>,
    %get3A_1312 = arith.constant 12032 : index
    %get3A_1313 = arith.constant 0 : index
    %get3A_1314 = vector.load %arg1[%get3A_1312, %get3A_1313] : memref<16384x128xf32, #tpu.memory_space<vmem>>, vector<128x128xf32>
    %transpose3A_1315 = tpu.transpose %get3A_1314, [1, 0] : vector<128x128xf32> -> vector<128x128xf32>
    %reshape3A_1316 = vector.shape_cast %transpose3A_1315 : vector<128x128xf32> to vector<2x8x8x128xf32>
    %transpose3A_1317 = tpu.transpose %reshape3A_1316, [1, 0, 2, 3] : vector<2x8x8x128xf32> -> vector<8x2x8x128xf32>
    %swap3A_1318 = arith.constant 1 : index
    %swap3A_1319 = arith.constant 0 : index
    %swap3A_1320 = arith.constant 60 : index
    %swap3A_1321 = arith.constant 0 : index
    %swap3A_1322 = arith.constant 0 : index
    %swap3A_1323 = vector.load %arg2[%swap3A_1318, %swap3A_1319, %swap3A_1320, %swap3A_1321, %swap3A_1322] : memref<2x8x128x8x128xf32, #tpu.memory_space<vmem>>, vector<1x8x2x8x128xf32>
    %swap3A_1324 = vector.shape_cast %swap3A_1323 : vector<1x8x2x8x128xf32> to vector<8x2x8x128xf32>
    %swap3A_1325 = vector.shape_cast %transpose3A_1317 : vector<8x2x8x128xf32> to vector<1x8x2x8x128xf32>
    tpu.vector_store %arg2[%swap3A_1318, %swap3A_1319, %swap3A_1320, %swap3A_1321, %swap3A_1322], %swap3A_1325 {strides = array<i32>} : memref<2x8x128x8x128xf32, #tpu.memory_space<vmem>>, vector<1x8x2x8x128xf32>,
    %get3A_1326 = arith.constant 12160 : index
    %get3A_1327 = arith.constant 0 : index
    %get3A_1328 = vector.load %arg1[%get3A_1326, %get3A_1327] : memref<16384x128xf32, #tpu.memory_space<vmem>>, vector<128x128xf32>
    %transpose3A_1329 = tpu.transpose %get3A_1328, [1, 0] : vector<128x128xf32> -> vector<128x128xf32>
    %reshape3A_1330 = vector.shape_cast %transpose3A_1329 : vector<128x128xf32> to vector<2x8x8x128xf32>
    %transpose3A_1331 = tpu.transpose %reshape3A_1330, [1, 0, 2, 3] : vector<2x8x8x128xf32> -> vector<8x2x8x128xf32>
    %swap3A_1332 = arith.constant 1 : index
    %swap3A_1333 = arith.constant 0 : index
    %swap3A_1334 = arith.constant 62 : index
    %swap3A_1335 = arith.constant 0 : index
    %swap3A_1336 = arith.constant 0 : index
    %swap3A_1337 = vector.load %arg2[%swap3A_1332, %swap3A_1333, %swap3A_1334, %swap3A_1335, %swap3A_1336] : memref<2x8x128x8x128xf32, #tpu.memory_space<vmem>>, vector<1x8x2x8x128xf32>
    %swap3A_1338 = vector.shape_cast %swap3A_1337 : vector<1x8x2x8x128xf32> to vector<8x2x8x128xf32>
    %swap3A_1339 = vector.shape_cast %transpose3A_1331 : vector<8x2x8x128xf32> to vector<1x8x2x8x128xf32>
    tpu.vector_store %arg2[%swap3A_1332, %swap3A_1333, %swap3A_1334, %swap3A_1335, %swap3A_1336], %swap3A_1339 {strides = array<i32>} : memref<2x8x128x8x128xf32, #tpu.memory_space<vmem>>, vector<1x8x2x8x128xf32>,
    %get3A_1340 = arith.constant 12288 : index
    %get3A_1341 = arith.constant 0 : index
    %get3A_1342 = vector.load %arg1[%get3A_1340, %get3A_1341] : memref<16384x128xf32, #tpu.memory_space<vmem>>, vector<128x128xf32>
    %transpose3A_1343 = tpu.transpose %get3A_1342, [1, 0] : vector<128x128xf32> -> vector<128x128xf32>
    %reshape3A_1344 = vector.shape_cast %transpose3A_1343 : vector<128x128xf32> to vector<2x8x8x128xf32>
    %transpose3A_1345 = tpu.transpose %reshape3A_1344, [1, 0, 2, 3] : vector<2x8x8x128xf32> -> vector<8x2x8x128xf32>
    %swap3A_1346 = arith.constant 1 : index
    %swap3A_1347 = arith.constant 0 : index
    %swap3A_1348 = arith.constant 64 : index
    %swap3A_1349 = arith.constant 0 : index
    %swap3A_1350 = arith.constant 0 : index
    %swap3A_1351 = vector.load %arg2[%swap3A_1346, %swap3A_1347, %swap3A_1348, %swap3A_1349, %swap3A_1350] : memref<2x8x128x8x128xf32, #tpu.memory_space<vmem>>, vector<1x8x2x8x128xf32>
    %swap3A_1352 = vector.shape_cast %swap3A_1351 : vector<1x8x2x8x128xf32> to vector<8x2x8x128xf32>
    %swap3A_1353 = vector.shape_cast %transpose3A_1345 : vector<8x2x8x128xf32> to vector<1x8x2x8x128xf32>
    tpu.vector_store %arg2[%swap3A_1346, %swap3A_1347, %swap3A_1348, %swap3A_1349, %swap3A_1350], %swap3A_1353 {strides = array<i32>} : memref<2x8x128x8x128xf32, #tpu.memory_space<vmem>>, vector<1x8x2x8x128xf32>,
    %get3A_1354 = arith.constant 12416 : index
    %get3A_1355 = arith.constant 0 : index
    %get3A_1356 = vector.load %arg1[%get3A_1354, %get3A_1355] : memref<16384x128xf32, #tpu.memory_space<vmem>>, vector<128x128xf32>
    %transpose3A_1357 = tpu.transpose %get3A_1356, [1, 0] : vector<128x128xf32> -> vector<128x128xf32>
    %reshape3A_1358 = vector.shape_cast %transpose3A_1357 : vector<128x128xf32> to vector<2x8x8x128xf32>
    %transpose3A_1359 = tpu.transpose %reshape3A_1358, [1, 0, 2, 3] : vector<2x8x8x128xf32> -> vector<8x2x8x128xf32>
    %swap3A_1360 = arith.constant 1 : index
    %swap3A_1361 = arith.constant 0 : index
    %swap3A_1362 = arith.constant 66 : index
    %swap3A_1363 = arith.constant 0 : index
    %swap3A_1364 = arith.constant 0 : index
    %swap3A_1365 = vector.load %arg2[%swap3A_1360, %swap3A_1361, %swap3A_1362, %swap3A_1363, %swap3A_1364] : memref<2x8x128x8x128xf32, #tpu.memory_space<vmem>>, vector<1x8x2x8x128xf32>
    %swap3A_1366 = vector.shape_cast %swap3A_1365 : vector<1x8x2x8x128xf32> to vector<8x2x8x128xf32>
    %swap3A_1367 = vector.shape_cast %transpose3A_1359 : vector<8x2x8x128xf32> to vector<1x8x2x8x128xf32>
    tpu.vector_store %arg2[%swap3A_1360, %swap3A_1361, %swap3A_1362, %swap3A_1363, %swap3A_1364], %swap3A_1367 {strides = array<i32>} : memref<2x8x128x8x128xf32, #tpu.memory_space<vmem>>, vector<1x8x2x8x128xf32>,
    %get3A_1368 = arith.constant 12544 : index
    %get3A_1369 = arith.constant 0 : index
    %get3A_1370 = vector.load %arg1[%get3A_1368, %get3A_1369] : memref<16384x128xf32, #tpu.memory_space<vmem>>, vector<128x128xf32>
    %transpose3A_1371 = tpu.transpose %get3A_1370, [1, 0] : vector<128x128xf32> -> vector<128x128xf32>
    %reshape3A_1372 = vector.shape_cast %transpose3A_1371 : vector<128x128xf32> to vector<2x8x8x128xf32>
    %transpose3A_1373 = tpu.transpose %reshape3A_1372, [1, 0, 2, 3] : vector<2x8x8x128xf32> -> vector<8x2x8x128xf32>
    %swap3A_1374 = arith.constant 1 : index
    %swap3A_1375 = arith.constant 0 : index
    %swap3A_1376 = arith.constant 68 : index
    %swap3A_1377 = arith.constant 0 : index
    %swap3A_1378 = arith.constant 0 : index
    %swap3A_1379 = vector.load %arg2[%swap3A_1374, %swap3A_1375, %swap3A_1376, %swap3A_1377, %swap3A_1378] : memref<2x8x128x8x128xf32, #tpu.memory_space<vmem>>, vector<1x8x2x8x128xf32>
    %swap3A_1380 = vector.shape_cast %swap3A_1379 : vector<1x8x2x8x128xf32> to vector<8x2x8x128xf32>
    %swap3A_1381 = vector.shape_cast %transpose3A_1373 : vector<8x2x8x128xf32> to vector<1x8x2x8x128xf32>
    tpu.vector_store %arg2[%swap3A_1374, %swap3A_1375, %swap3A_1376, %swap3A_1377, %swap3A_1378], %swap3A_1381 {strides = array<i32>} : memref<2x8x128x8x128xf32, #tpu.memory_space<vmem>>, vector<1x8x2x8x128xf32>,
    %get3A_1382 = arith.constant 12672 : index
    %get3A_1383 = arith.constant 0 : index
    %get3A_1384 = vector.load %arg1[%get3A_1382, %get3A_1383] : memref<16384x128xf32, #tpu.memory_space<vmem>>, vector<128x128xf32>
    %transpose3A_1385 = tpu.transpose %get3A_1384, [1, 0] : vector<128x128xf32> -> vector<128x128xf32>
    %reshape3A_1386 = vector.shape_cast %transpose3A_1385 : vector<128x128xf32> to vector<2x8x8x128xf32>
    %transpose3A_1387 = tpu.transpose %reshape3A_1386, [1, 0, 2, 3] : vector<2x8x8x128xf32> -> vector<8x2x8x128xf32>
    %swap3A_1388 = arith.constant 1 : index
    %swap3A_1389 = arith.constant 0 : index
    %swap3A_1390 = arith.constant 70 : index
    %swap3A_1391 = arith.constant 0 : index
    %swap3A_1392 = arith.constant 0 : index
    %swap3A_1393 = vector.load %arg2[%swap3A_1388, %swap3A_1389, %swap3A_1390, %swap3A_1391, %swap3A_1392] : memref<2x8x128x8x128xf32, #tpu.memory_space<vmem>>, vector<1x8x2x8x128xf32>
    %swap3A_1394 = vector.shape_cast %swap3A_1393 : vector<1x8x2x8x128xf32> to vector<8x2x8x128xf32>
    %swap3A_1395 = vector.shape_cast %transpose3A_1387 : vector<8x2x8x128xf32> to vector<1x8x2x8x128xf32>
    tpu.vector_store %arg2[%swap3A_1388, %swap3A_1389, %swap3A_1390, %swap3A_1391, %swap3A_1392], %swap3A_1395 {strides = array<i32>} : memref<2x8x128x8x128xf32, #tpu.memory_space<vmem>>, vector<1x8x2x8x128xf32>,
    %get3A_1396 = arith.constant 12800 : index
    %get3A_1397 = arith.constant 0 : index
    %get3A_1398 = vector.load %arg1[%get3A_1396, %get3A_1397] : memref<16384x128xf32, #tpu.memory_space<vmem>>, vector<128x128xf32>
    %transpose3A_1399 = tpu.transpose %get3A_1398, [1, 0] : vector<128x128xf32> -> vector<128x128xf32>
    %reshape3A_1400 = vector.shape_cast %transpose3A_1399 : vector<128x128xf32> to vector<2x8x8x128xf32>
    %transpose3A_1401 = tpu.transpose %reshape3A_1400, [1, 0, 2, 3] : vector<2x8x8x128xf32> -> vector<8x2x8x128xf32>
    %swap3A_1402 = arith.constant 1 : index
    %swap3A_1403 = arith.constant 0 : index
    %swap3A_1404 = arith.constant 72 : index
    %swap3A_1405 = arith.constant 0 : index
    %swap3A_1406 = arith.constant 0 : index
    %swap3A_1407 = vector.load %arg2[%swap3A_1402, %swap3A_1403, %swap3A_1404, %swap3A_1405, %swap3A_1406] : memref<2x8x128x8x128xf32, #tpu.memory_space<vmem>>, vector<1x8x2x8x128xf32>
    %swap3A_1408 = vector.shape_cast %swap3A_1407 : vector<1x8x2x8x128xf32> to vector<8x2x8x128xf32>
    %swap3A_1409 = vector.shape_cast %transpose3A_1401 : vector<8x2x8x128xf32> to vector<1x8x2x8x128xf32>
    tpu.vector_store %arg2[%swap3A_1402, %swap3A_1403, %swap3A_1404, %swap3A_1405, %swap3A_1406], %swap3A_1409 {strides = array<i32>} : memref<2x8x128x8x128xf32, #tpu.memory_space<vmem>>, vector<1x8x2x8x128xf32>,
    %get3A_1410 = arith.constant 12928 : index
    %get3A_1411 = arith.constant 0 : index
    %get3A_1412 = vector.load %arg1[%get3A_1410, %get3A_1411] : memref<16384x128xf32, #tpu.memory_space<vmem>>, vector<128x128xf32>
    %transpose3A_1413 = tpu.transpose %get3A_1412, [1, 0] : vector<128x128xf32> -> vector<128x128xf32>
    %reshape3A_1414 = vector.shape_cast %transpose3A_1413 : vector<128x128xf32> to vector<2x8x8x128xf32>
    %transpose3A_1415 = tpu.transpose %reshape3A_1414, [1, 0, 2, 3] : vector<2x8x8x128xf32> -> vector<8x2x8x128xf32>
    %swap3A_1416 = arith.constant 1 : index
    %swap3A_1417 = arith.constant 0 : index
    %swap3A_1418 = arith.constant 74 : index
    %swap3A_1419 = arith.constant 0 : index
    %swap3A_1420 = arith.constant 0 : index
    %swap3A_1421 = vector.load %arg2[%swap3A_1416, %swap3A_1417, %swap3A_1418, %swap3A_1419, %swap3A_1420] : memref<2x8x128x8x128xf32, #tpu.memory_space<vmem>>, vector<1x8x2x8x128xf32>
    %swap3A_1422 = vector.shape_cast %swap3A_1421 : vector<1x8x2x8x128xf32> to vector<8x2x8x128xf32>
    %swap3A_1423 = vector.shape_cast %transpose3A_1415 : vector<8x2x8x128xf32> to vector<1x8x2x8x128xf32>
    tpu.vector_store %arg2[%swap3A_1416, %swap3A_1417, %swap3A_1418, %swap3A_1419, %swap3A_1420], %swap3A_1423 {strides = array<i32>} : memref<2x8x128x8x128xf32, #tpu.memory_space<vmem>>, vector<1x8x2x8x128xf32>,
    %get3A_1424 = arith.constant 13056 : index
    %get3A_1425 = arith.constant 0 : index
    %get3A_1426 = vector.load %arg1[%get3A_1424, %get3A_1425] : memref<16384x128xf32, #tpu.memory_space<vmem>>, vector<128x128xf32>
    %transpose3A_1427 = tpu.transpose %get3A_1426, [1, 0] : vector<128x128xf32> -> vector<128x128xf32>
    %reshape3A_1428 = vector.shape_cast %transpose3A_1427 : vector<128x128xf32> to vector<2x8x8x128xf32>
    %transpose3A_1429 = tpu.transpose %reshape3A_1428, [1, 0, 2, 3] : vector<2x8x8x128xf32> -> vector<8x2x8x128xf32>
    %swap3A_1430 = arith.constant 1 : index
    %swap3A_1431 = arith.constant 0 : index
    %swap3A_1432 = arith.constant 76 : index
    %swap3A_1433 = arith.constant 0 : index
    %swap3A_1434 = arith.constant 0 : index
    %swap3A_1435 = vector.load %arg2[%swap3A_1430, %swap3A_1431, %swap3A_1432, %swap3A_1433, %swap3A_1434] : memref<2x8x128x8x128xf32, #tpu.memory_space<vmem>>, vector<1x8x2x8x128xf32>
    %swap3A_1436 = vector.shape_cast %swap3A_1435 : vector<1x8x2x8x128xf32> to vector<8x2x8x128xf32>
    %swap3A_1437 = vector.shape_cast %transpose3A_1429 : vector<8x2x8x128xf32> to vector<1x8x2x8x128xf32>
    tpu.vector_store %arg2[%swap3A_1430, %swap3A_1431, %swap3A_1432, %swap3A_1433, %swap3A_1434], %swap3A_1437 {strides = array<i32>} : memref<2x8x128x8x128xf32, #tpu.memory_space<vmem>>, vector<1x8x2x8x128xf32>,
    %get3A_1438 = arith.constant 13184 : index
    %get3A_1439 = arith.constant 0 : index
    %get3A_1440 = vector.load %arg1[%get3A_1438, %get3A_1439] : memref<16384x128xf32, #tpu.memory_space<vmem>>, vector<128x128xf32>
    %transpose3A_1441 = tpu.transpose %get3A_1440, [1, 0] : vector<128x128xf32> -> vector<128x128xf32>
    %reshape3A_1442 = vector.shape_cast %transpose3A_1441 : vector<128x128xf32> to vector<2x8x8x128xf32>
    %transpose3A_1443 = tpu.transpose %reshape3A_1442, [1, 0, 2, 3] : vector<2x8x8x128xf32> -> vector<8x2x8x128xf32>
    %swap3A_1444 = arith.constant 1 : index
    %swap3A_1445 = arith.constant 0 : index
    %swap3A_1446 = arith.constant 78 : index
    %swap3A_1447 = arith.constant 0 : index
    %swap3A_1448 = arith.constant 0 : index
    %swap3A_1449 = vector.load %arg2[%swap3A_1444, %swap3A_1445, %swap3A_1446, %swap3A_1447, %swap3A_1448] : memref<2x8x128x8x128xf32, #tpu.memory_space<vmem>>, vector<1x8x2x8x128xf32>
    %swap3A_1450 = vector.shape_cast %swap3A_1449 : vector<1x8x2x8x128xf32> to vector<8x2x8x128xf32>
    %swap3A_1451 = vector.shape_cast %transpose3A_1443 : vector<8x2x8x128xf32> to vector<1x8x2x8x128xf32>
    tpu.vector_store %arg2[%swap3A_1444, %swap3A_1445, %swap3A_1446, %swap3A_1447, %swap3A_1448], %swap3A_1451 {strides = array<i32>} : memref<2x8x128x8x128xf32, #tpu.memory_space<vmem>>, vector<1x8x2x8x128xf32>,
    %get3A_1452 = arith.constant 13312 : index
    %get3A_1453 = arith.constant 0 : index
    %get3A_1454 = vector.load %arg1[%get3A_1452, %get3A_1453] : memref<16384x128xf32, #tpu.memory_space<vmem>>, vector<128x128xf32>
    %transpose3A_1455 = tpu.transpose %get3A_1454, [1, 0] : vector<128x128xf32> -> vector<128x128xf32>
    %reshape3A_1456 = vector.shape_cast %transpose3A_1455 : vector<128x128xf32> to vector<2x8x8x128xf32>
    %transpose3A_1457 = tpu.transpose %reshape3A_1456, [1, 0, 2, 3] : vector<2x8x8x128xf32> -> vector<8x2x8x128xf32>
    %swap3A_1458 = arith.constant 1 : index
    %swap3A_1459 = arith.constant 0 : index
    %swap3A_1460 = arith.constant 80 : index
    %swap3A_1461 = arith.constant 0 : index
    %swap3A_1462 = arith.constant 0 : index
    %swap3A_1463 = vector.load %arg2[%swap3A_1458, %swap3A_1459, %swap3A_1460, %swap3A_1461, %swap3A_1462] : memref<2x8x128x8x128xf32, #tpu.memory_space<vmem>>, vector<1x8x2x8x128xf32>
    %swap3A_1464 = vector.shape_cast %swap3A_1463 : vector<1x8x2x8x128xf32> to vector<8x2x8x128xf32>
    %swap3A_1465 = vector.shape_cast %transpose3A_1457 : vector<8x2x8x128xf32> to vector<1x8x2x8x128xf32>
    tpu.vector_store %arg2[%swap3A_1458, %swap3A_1459, %swap3A_1460, %swap3A_1461, %swap3A_1462], %swap3A_1465 {strides = array<i32>} : memref<2x8x128x8x128xf32, #tpu.memory_space<vmem>>, vector<1x8x2x8x128xf32>,
    %get3A_1466 = arith.constant 13440 : index
    %get3A_1467 = arith.constant 0 : index
    %get3A_1468 = vector.load %arg1[%get3A_1466, %get3A_1467] : memref<16384x128xf32, #tpu.memory_space<vmem>>, vector<128x128xf32>
    %transpose3A_1469 = tpu.transpose %get3A_1468, [1, 0] : vector<128x128xf32> -> vector<128x128xf32>
    %reshape3A_1470 = vector.shape_cast %transpose3A_1469 : vector<128x128xf32> to vector<2x8x8x128xf32>
    %transpose3A_1471 = tpu.transpose %reshape3A_1470, [1, 0, 2, 3] : vector<2x8x8x128xf32> -> vector<8x2x8x128xf32>
    %swap3A_1472 = arith.constant 1 : index
    %swap3A_1473 = arith.constant 0 : index
    %swap3A_1474 = arith.constant 82 : index
    %swap3A_1475 = arith.constant 0 : index
    %swap3A_1476 = arith.constant 0 : index
    %swap3A_1477 = vector.load %arg2[%swap3A_1472, %swap3A_1473, %swap3A_1474, %swap3A_1475, %swap3A_1476] : memref<2x8x128x8x128xf32, #tpu.memory_space<vmem>>, vector<1x8x2x8x128xf32>
    %swap3A_1478 = vector.shape_cast %swap3A_1477 : vector<1x8x2x8x128xf32> to vector<8x2x8x128xf32>
    %swap3A_1479 = vector.shape_cast %transpose3A_1471 : vector<8x2x8x128xf32> to vector<1x8x2x8x128xf32>
    tpu.vector_store %arg2[%swap3A_1472, %swap3A_1473, %swap3A_1474, %swap3A_1475, %swap3A_1476], %swap3A_1479 {strides = array<i32>} : memref<2x8x128x8x128xf32, #tpu.memory_space<vmem>>, vector<1x8x2x8x128xf32>,
    %get3A_1480 = arith.constant 13568 : index
    %get3A_1481 = arith.constant 0 : index
    %get3A_1482 = vector.load %arg1[%get3A_1480, %get3A_1481] : memref<16384x128xf32, #tpu.memory_space<vmem>>, vector<128x128xf32>
    %transpose3A_1483 = tpu.transpose %get3A_1482, [1, 0] : vector<128x128xf32> -> vector<128x128xf32>
    %reshape3A_1484 = vector.shape_cast %transpose3A_1483 : vector<128x128xf32> to vector<2x8x8x128xf32>
    %transpose3A_1485 = tpu.transpose %reshape3A_1484, [1, 0, 2, 3] : vector<2x8x8x128xf32> -> vector<8x2x8x128xf32>
    %swap3A_1486 = arith.constant 1 : index
    %swap3A_1487 = arith.constant 0 : index
    %swap3A_1488 = arith.constant 84 : index
    %swap3A_1489 = arith.constant 0 : index
    %swap3A_1490 = arith.constant 0 : index
    %swap3A_1491 = vector.load %arg2[%swap3A_1486, %swap3A_1487, %swap3A_1488, %swap3A_1489, %swap3A_1490] : memref<2x8x128x8x128xf32, #tpu.memory_space<vmem>>, vector<1x8x2x8x128xf32>
    %swap3A_1492 = vector.shape_cast %swap3A_1491 : vector<1x8x2x8x128xf32> to vector<8x2x8x128xf32>
    %swap3A_1493 = vector.shape_cast %transpose3A_1485 : vector<8x2x8x128xf32> to vector<1x8x2x8x128xf32>
    tpu.vector_store %arg2[%swap3A_1486, %swap3A_1487, %swap3A_1488, %swap3A_1489, %swap3A_1490], %swap3A_1493 {strides = array<i32>} : memref<2x8x128x8x128xf32, #tpu.memory_space<vmem>>, vector<1x8x2x8x128xf32>,
    %get3A_1494 = arith.constant 13696 : index
    %get3A_1495 = arith.constant 0 : index
    %get3A_1496 = vector.load %arg1[%get3A_1494, %get3A_1495] : memref<16384x128xf32, #tpu.memory_space<vmem>>, vector<128x128xf32>
    %transpose3A_1497 = tpu.transpose %get3A_1496, [1, 0] : vector<128x128xf32> -> vector<128x128xf32>
    %reshape3A_1498 = vector.shape_cast %transpose3A_1497 : vector<128x128xf32> to vector<2x8x8x128xf32>
    %transpose3A_1499 = tpu.transpose %reshape3A_1498, [1, 0, 2, 3] : vector<2x8x8x128xf32> -> vector<8x2x8x128xf32>
    %swap3A_1500 = arith.constant 1 : index
    %swap3A_1501 = arith.constant 0 : index
    %swap3A_1502 = arith.constant 86 : index
    %swap3A_1503 = arith.constant 0 : index
    %swap3A_1504 = arith.constant 0 : index
    %swap3A_1505 = vector.load %arg2[%swap3A_1500, %swap3A_1501, %swap3A_1502, %swap3A_1503, %swap3A_1504] : memref<2x8x128x8x128xf32, #tpu.memory_space<vmem>>, vector<1x8x2x8x128xf32>
    %swap3A_1506 = vector.shape_cast %swap3A_1505 : vector<1x8x2x8x128xf32> to vector<8x2x8x128xf32>
    %swap3A_1507 = vector.shape_cast %transpose3A_1499 : vector<8x2x8x128xf32> to vector<1x8x2x8x128xf32>
    tpu.vector_store %arg2[%swap3A_1500, %swap3A_1501, %swap3A_1502, %swap3A_1503, %swap3A_1504], %swap3A_1507 {strides = array<i32>} : memref<2x8x128x8x128xf32, #tpu.memory_space<vmem>>, vector<1x8x2x8x128xf32>,
    %get3A_1508 = arith.constant 13824 : index
    %get3A_1509 = arith.constant 0 : index
    %get3A_1510 = vector.load %arg1[%get3A_1508, %get3A_1509] : memref<16384x128xf32, #tpu.memory_space<vmem>>, vector<128x128xf32>
    %transpose3A_1511 = tpu.transpose %get3A_1510, [1, 0] : vector<128x128xf32> -> vector<128x128xf32>
    %reshape3A_1512 = vector.shape_cast %transpose3A_1511 : vector<128x128xf32> to vector<2x8x8x128xf32>
    %transpose3A_1513 = tpu.transpose %reshape3A_1512, [1, 0, 2, 3] : vector<2x8x8x128xf32> -> vector<8x2x8x128xf32>
    %swap3A_1514 = arith.constant 1 : index
    %swap3A_1515 = arith.constant 0 : index
    %swap3A_1516 = arith.constant 88 : index
    %swap3A_1517 = arith.constant 0 : index
    %swap3A_1518 = arith.constant 0 : index
    %swap3A_1519 = vector.load %arg2[%swap3A_1514, %swap3A_1515, %swap3A_1516, %swap3A_1517, %swap3A_1518] : memref<2x8x128x8x128xf32, #tpu.memory_space<vmem>>, vector<1x8x2x8x128xf32>
    %swap3A_1520 = vector.shape_cast %swap3A_1519 : vector<1x8x2x8x128xf32> to vector<8x2x8x128xf32>
    %swap3A_1521 = vector.shape_cast %transpose3A_1513 : vector<8x2x8x128xf32> to vector<1x8x2x8x128xf32>
    tpu.vector_store %arg2[%swap3A_1514, %swap3A_1515, %swap3A_1516, %swap3A_1517, %swap3A_1518], %swap3A_1521 {strides = array<i32>} : memref<2x8x128x8x128xf32, #tpu.memory_space<vmem>>, vector<1x8x2x8x128xf32>,
    %get3A_1522 = arith.constant 13952 : index
    %get3A_1523 = arith.constant 0 : index
    %get3A_1524 = vector.load %arg1[%get3A_1522, %get3A_1523] : memref<16384x128xf32, #tpu.memory_space<vmem>>, vector<128x128xf32>
    %transpose3A_1525 = tpu.transpose %get3A_1524, [1, 0] : vector<128x128xf32> -> vector<128x128xf32>
    %reshape3A_1526 = vector.shape_cast %transpose3A_1525 : vector<128x128xf32> to vector<2x8x8x128xf32>
    %transpose3A_1527 = tpu.transpose %reshape3A_1526, [1, 0, 2, 3] : vector<2x8x8x128xf32> -> vector<8x2x8x128xf32>
    %swap3A_1528 = arith.constant 1 : index
    %swap3A_1529 = arith.constant 0 : index
    %swap3A_1530 = arith.constant 90 : index
    %swap3A_1531 = arith.constant 0 : index
    %swap3A_1532 = arith.constant 0 : index
    %swap3A_1533 = vector.load %arg2[%swap3A_1528, %swap3A_1529, %swap3A_1530, %swap3A_1531, %swap3A_1532] : memref<2x8x128x8x128xf32, #tpu.memory_space<vmem>>, vector<1x8x2x8x128xf32>
    %swap3A_1534 = vector.shape_cast %swap3A_1533 : vector<1x8x2x8x128xf32> to vector<8x2x8x128xf32>
    %swap3A_1535 = vector.shape_cast %transpose3A_1527 : vector<8x2x8x128xf32> to vector<1x8x2x8x128xf32>
    tpu.vector_store %arg2[%swap3A_1528, %swap3A_1529, %swap3A_1530, %swap3A_1531, %swap3A_1532], %swap3A_1535 {strides = array<i32>} : memref<2x8x128x8x128xf32, #tpu.memory_space<vmem>>, vector<1x8x2x8x128xf32>,
    %get3A_1536 = arith.constant 14080 : index
    %get3A_1537 = arith.constant 0 : index
    %get3A_1538 = vector.load %arg1[%get3A_1536, %get3A_1537] : memref<16384x128xf32, #tpu.memory_space<vmem>>, vector<128x128xf32>
    %transpose3A_1539 = tpu.transpose %get3A_1538, [1, 0] : vector<128x128xf32> -> vector<128x128xf32>
    %reshape3A_1540 = vector.shape_cast %transpose3A_1539 : vector<128x128xf32> to vector<2x8x8x128xf32>
    %transpose3A_1541 = tpu.transpose %reshape3A_1540, [1, 0, 2, 3] : vector<2x8x8x128xf32> -> vector<8x2x8x128xf32>
    %swap3A_1542 = arith.constant 1 : index
    %swap3A_1543 = arith.constant 0 : index
    %swap3A_1544 = arith.constant 92 : index
    %swap3A_1545 = arith.constant 0 : index
    %swap3A_1546 = arith.constant 0 : index
    %swap3A_1547 = vector.load %arg2[%swap3A_1542, %swap3A_1543, %swap3A_1544, %swap3A_1545, %swap3A_1546] : memref<2x8x128x8x128xf32, #tpu.memory_space<vmem>>, vector<1x8x2x8x128xf32>
    %swap3A_1548 = vector.shape_cast %swap3A_1547 : vector<1x8x2x8x128xf32> to vector<8x2x8x128xf32>
    %swap3A_1549 = vector.shape_cast %transpose3A_1541 : vector<8x2x8x128xf32> to vector<1x8x2x8x128xf32>
    tpu.vector_store %arg2[%swap3A_1542, %swap3A_1543, %swap3A_1544, %swap3A_1545, %swap3A_1546], %swap3A_1549 {strides = array<i32>} : memref<2x8x128x8x128xf32, #tpu.memory_space<vmem>>, vector<1x8x2x8x128xf32>,
    %get3A_1550 = arith.constant 14208 : index
    %get3A_1551 = arith.constant 0 : index
    %get3A_1552 = vector.load %arg1[%get3A_1550, %get3A_1551] : memref<16384x128xf32, #tpu.memory_space<vmem>>, vector<128x128xf32>
    %transpose3A_1553 = tpu.transpose %get3A_1552, [1, 0] : vector<128x128xf32> -> vector<128x128xf32>
    %reshape3A_1554 = vector.shape_cast %transpose3A_1553 : vector<128x128xf32> to vector<2x8x8x128xf32>
    %transpose3A_1555 = tpu.transpose %reshape3A_1554, [1, 0, 2, 3] : vector<2x8x8x128xf32> -> vector<8x2x8x128xf32>
    %swap3A_1556 = arith.constant 1 : index
    %swap3A_1557 = arith.constant 0 : index
    %swap3A_1558 = arith.constant 94 : index
    %swap3A_1559 = arith.constant 0 : index
    %swap3A_1560 = arith.constant 0 : index
    %swap3A_1561 = vector.load %arg2[%swap3A_1556, %swap3A_1557, %swap3A_1558, %swap3A_1559, %swap3A_1560] : memref<2x8x128x8x128xf32, #tpu.memory_space<vmem>>, vector<1x8x2x8x128xf32>
    %swap3A_1562 = vector.shape_cast %swap3A_1561 : vector<1x8x2x8x128xf32> to vector<8x2x8x128xf32>
    %swap3A_1563 = vector.shape_cast %transpose3A_1555 : vector<8x2x8x128xf32> to vector<1x8x2x8x128xf32>
    tpu.vector_store %arg2[%swap3A_1556, %swap3A_1557, %swap3A_1558, %swap3A_1559, %swap3A_1560], %swap3A_1563 {strides = array<i32>} : memref<2x8x128x8x128xf32, #tpu.memory_space<vmem>>, vector<1x8x2x8x128xf32>,
    %get3A_1564 = arith.constant 14336 : index
    %get3A_1565 = arith.constant 0 : index
    %get3A_1566 = vector.load %arg1[%get3A_1564, %get3A_1565] : memref<16384x128xf32, #tpu.memory_space<vmem>>, vector<128x128xf32>
    %transpose3A_1567 = tpu.transpose %get3A_1566, [1, 0] : vector<128x128xf32> -> vector<128x128xf32>
    %reshape3A_1568 = vector.shape_cast %transpose3A_1567 : vector<128x128xf32> to vector<2x8x8x128xf32>
    %transpose3A_1569 = tpu.transpose %reshape3A_1568, [1, 0, 2, 3] : vector<2x8x8x128xf32> -> vector<8x2x8x128xf32>
    %swap3A_1570 = arith.constant 1 : index
    %swap3A_1571 = arith.constant 0 : index
    %swap3A_1572 = arith.constant 96 : index
    %swap3A_1573 = arith.constant 0 : index
    %swap3A_1574 = arith.constant 0 : index
    %swap3A_1575 = vector.load %arg2[%swap3A_1570, %swap3A_1571, %swap3A_1572, %swap3A_1573, %swap3A_1574] : memref<2x8x128x8x128xf32, #tpu.memory_space<vmem>>, vector<1x8x2x8x128xf32>
    %swap3A_1576 = vector.shape_cast %swap3A_1575 : vector<1x8x2x8x128xf32> to vector<8x2x8x128xf32>
    %swap3A_1577 = vector.shape_cast %transpose3A_1569 : vector<8x2x8x128xf32> to vector<1x8x2x8x128xf32>
    tpu.vector_store %arg2[%swap3A_1570, %swap3A_1571, %swap3A_1572, %swap3A_1573, %swap3A_1574], %swap3A_1577 {strides = array<i32>} : memref<2x8x128x8x128xf32, #tpu.memory_space<vmem>>, vector<1x8x2x8x128xf32>,
    %get3A_1578 = arith.constant 14464 : index
    %get3A_1579 = arith.constant 0 : index
    %get3A_1580 = vector.load %arg1[%get3A_1578, %get3A_1579] : memref<16384x128xf32, #tpu.memory_space<vmem>>, vector<128x128xf32>
    %transpose3A_1581 = tpu.transpose %get3A_1580, [1, 0] : vector<128x128xf32> -> vector<128x128xf32>
    %reshape3A_1582 = vector.shape_cast %transpose3A_1581 : vector<128x128xf32> to vector<2x8x8x128xf32>
    %transpose3A_1583 = tpu.transpose %reshape3A_1582, [1, 0, 2, 3] : vector<2x8x8x128xf32> -> vector<8x2x8x128xf32>
    %swap3A_1584 = arith.constant 1 : index
    %swap3A_1585 = arith.constant 0 : index
    %swap3A_1586 = arith.constant 98 : index
    %swap3A_1587 = arith.constant 0 : index
    %swap3A_1588 = arith.constant 0 : index
    %swap3A_1589 = vector.load %arg2[%swap3A_1584, %swap3A_1585, %swap3A_1586, %swap3A_1587, %swap3A_1588] : memref<2x8x128x8x128xf32, #tpu.memory_space<vmem>>, vector<1x8x2x8x128xf32>
    %swap3A_1590 = vector.shape_cast %swap3A_1589 : vector<1x8x2x8x128xf32> to vector<8x2x8x128xf32>
    %swap3A_1591 = vector.shape_cast %transpose3A_1583 : vector<8x2x8x128xf32> to vector<1x8x2x8x128xf32>
    tpu.vector_store %arg2[%swap3A_1584, %swap3A_1585, %swap3A_1586, %swap3A_1587, %swap3A_1588], %swap3A_1591 {strides = array<i32>} : memref<2x8x128x8x128xf32, #tpu.memory_space<vmem>>, vector<1x8x2x8x128xf32>,
    %get3A_1592 = arith.constant 14592 : index
    %get3A_1593 = arith.constant 0 : index
    %get3A_1594 = vector.load %arg1[%get3A_1592, %get3A_1593] : memref<16384x128xf32, #tpu.memory_space<vmem>>, vector<128x128xf32>
    %transpose3A_1595 = tpu.transpose %get3A_1594, [1, 0] : vector<128x128xf32> -> vector<128x128xf32>
    %reshape3A_1596 = vector.shape_cast %transpose3A_1595 : vector<128x128xf32> to vector<2x8x8x128xf32>
    %transpose3A_1597 = tpu.transpose %reshape3A_1596, [1, 0, 2, 3] : vector<2x8x8x128xf32> -> vector<8x2x8x128xf32>
    %swap3A_1598 = arith.constant 1 : index
    %swap3A_1599 = arith.constant 0 : index
    %swap3A_1600 = arith.constant 100 : index
    %swap3A_1601 = arith.constant 0 : index
    %swap3A_1602 = arith.constant 0 : index
    %swap3A_1603 = vector.load %arg2[%swap3A_1598, %swap3A_1599, %swap3A_1600, %swap3A_1601, %swap3A_1602] : memref<2x8x128x8x128xf32, #tpu.memory_space<vmem>>, vector<1x8x2x8x128xf32>
    %swap3A_1604 = vector.shape_cast %swap3A_1603 : vector<1x8x2x8x128xf32> to vector<8x2x8x128xf32>
    %swap3A_1605 = vector.shape_cast %transpose3A_1597 : vector<8x2x8x128xf32> to vector<1x8x2x8x128xf32>
    tpu.vector_store %arg2[%swap3A_1598, %swap3A_1599, %swap3A_1600, %swap3A_1601, %swap3A_1602], %swap3A_1605 {strides = array<i32>} : memref<2x8x128x8x128xf32, #tpu.memory_space<vmem>>, vector<1x8x2x8x128xf32>,
    %get3A_1606 = arith.constant 14720 : index
    %get3A_1607 = arith.constant 0 : index
    %get3A_1608 = vector.load %arg1[%get3A_1606, %get3A_1607] : memref<16384x128xf32, #tpu.memory_space<vmem>>, vector<128x128xf32>
    %transpose3A_1609 = tpu.transpose %get3A_1608, [1, 0] : vector<128x128xf32> -> vector<128x128xf32>
    %reshape3A_1610 = vector.shape_cast %transpose3A_1609 : vector<128x128xf32> to vector<2x8x8x128xf32>
    %transpose3A_1611 = tpu.transpose %reshape3A_1610, [1, 0, 2, 3] : vector<2x8x8x128xf32> -> vector<8x2x8x128xf32>
    %swap3A_1612 = arith.constant 1 : index
    %swap3A_1613 = arith.constant 0 : index
    %swap3A_1614 = arith.constant 102 : index
    %swap3A_1615 = arith.constant 0 : index
    %swap3A_1616 = arith.constant 0 : index
    %swap3A_1617 = vector.load %arg2[%swap3A_1612, %swap3A_1613, %swap3A_1614, %swap3A_1615, %swap3A_1616] : memref<2x8x128x8x128xf32, #tpu.memory_space<vmem>>, vector<1x8x2x8x128xf32>
    %swap3A_1618 = vector.shape_cast %swap3A_1617 : vector<1x8x2x8x128xf32> to vector<8x2x8x128xf32>
    %swap3A_1619 = vector.shape_cast %transpose3A_1611 : vector<8x2x8x128xf32> to vector<1x8x2x8x128xf32>
    tpu.vector_store %arg2[%swap3A_1612, %swap3A_1613, %swap3A_1614, %swap3A_1615, %swap3A_1616], %swap3A_1619 {strides = array<i32>} : memref<2x8x128x8x128xf32, #tpu.memory_space<vmem>>, vector<1x8x2x8x128xf32>,
    %get3A_1620 = arith.constant 14848 : index
    %get3A_1621 = arith.constant 0 : index
    %get3A_1622 = vector.load %arg1[%get3A_1620, %get3A_1621] : memref<16384x128xf32, #tpu.memory_space<vmem>>, vector<128x128xf32>
    %transpose3A_1623 = tpu.transpose %get3A_1622, [1, 0] : vector<128x128xf32> -> vector<128x128xf32>
    %reshape3A_1624 = vector.shape_cast %transpose3A_1623 : vector<128x128xf32> to vector<2x8x8x128xf32>
    %transpose3A_1625 = tpu.transpose %reshape3A_1624, [1, 0, 2, 3] : vector<2x8x8x128xf32> -> vector<8x2x8x128xf32>
    %swap3A_1626 = arith.constant 1 : index
    %swap3A_1627 = arith.constant 0 : index
    %swap3A_1628 = arith.constant 104 : index
    %swap3A_1629 = arith.constant 0 : index
    %swap3A_1630 = arith.constant 0 : index
    %swap3A_1631 = vector.load %arg2[%swap3A_1626, %swap3A_1627, %swap3A_1628, %swap3A_1629, %swap3A_1630] : memref<2x8x128x8x128xf32, #tpu.memory_space<vmem>>, vector<1x8x2x8x128xf32>
    %swap3A_1632 = vector.shape_cast %swap3A_1631 : vector<1x8x2x8x128xf32> to vector<8x2x8x128xf32>
    %swap3A_1633 = vector.shape_cast %transpose3A_1625 : vector<8x2x8x128xf32> to vector<1x8x2x8x128xf32>
    tpu.vector_store %arg2[%swap3A_1626, %swap3A_1627, %swap3A_1628, %swap3A_1629, %swap3A_1630], %swap3A_1633 {strides = array<i32>} : memref<2x8x128x8x128xf32, #tpu.memory_space<vmem>>, vector<1x8x2x8x128xf32>,
    %get3A_1634 = arith.constant 14976 : index
    %get3A_1635 = arith.constant 0 : index
    %get3A_1636 = vector.load %arg1[%get3A_1634, %get3A_1635] : memref<16384x128xf32, #tpu.memory_space<vmem>>, vector<128x128xf32>
    %transpose3A_1637 = tpu.transpose %get3A_1636, [1, 0] : vector<128x128xf32> -> vector<128x128xf32>
    %reshape3A_1638 = vector.shape_cast %transpose3A_1637 : vector<128x128xf32> to vector<2x8x8x128xf32>
    %transpose3A_1639 = tpu.transpose %reshape3A_1638, [1, 0, 2, 3] : vector<2x8x8x128xf32> -> vector<8x2x8x128xf32>
    %swap3A_1640 = arith.constant 1 : index
    %swap3A_1641 = arith.constant 0 : index
    %swap3A_1642 = arith.constant 106 : index
    %swap3A_1643 = arith.constant 0 : index
    %swap3A_1644 = arith.constant 0 : index
    %swap3A_1645 = vector.load %arg2[%swap3A_1640, %swap3A_1641, %swap3A_1642, %swap3A_1643, %swap3A_1644] : memref<2x8x128x8x128xf32, #tpu.memory_space<vmem>>, vector<1x8x2x8x128xf32>
    %swap3A_1646 = vector.shape_cast %swap3A_1645 : vector<1x8x2x8x128xf32> to vector<8x2x8x128xf32>
    %swap3A_1647 = vector.shape_cast %transpose3A_1639 : vector<8x2x8x128xf32> to vector<1x8x2x8x128xf32>
    tpu.vector_store %arg2[%swap3A_1640, %swap3A_1641, %swap3A_1642, %swap3A_1643, %swap3A_1644], %swap3A_1647 {strides = array<i32>} : memref<2x8x128x8x128xf32, #tpu.memory_space<vmem>>, vector<1x8x2x8x128xf32>,
    %get3A_1648 = arith.constant 15104 : index
    %get3A_1649 = arith.constant 0 : index
    %get3A_1650 = vector.load %arg1[%get3A_1648, %get3A_1649] : memref<16384x128xf32, #tpu.memory_space<vmem>>, vector<128x128xf32>
    %transpose3A_1651 = tpu.transpose %get3A_1650, [1, 0] : vector<128x128xf32> -> vector<128x128xf32>
    %reshape3A_1652 = vector.shape_cast %transpose3A_1651 : vector<128x128xf32> to vector<2x8x8x128xf32>
    %transpose3A_1653 = tpu.transpose %reshape3A_1652, [1, 0, 2, 3] : vector<2x8x8x128xf32> -> vector<8x2x8x128xf32>
    %swap3A_1654 = arith.constant 1 : index
    %swap3A_1655 = arith.constant 0 : index
    %swap3A_1656 = arith.constant 108 : index
    %swap3A_1657 = arith.constant 0 : index
    %swap3A_1658 = arith.constant 0 : index
    %swap3A_1659 = vector.load %arg2[%swap3A_1654, %swap3A_1655, %swap3A_1656, %swap3A_1657, %swap3A_1658] : memref<2x8x128x8x128xf32, #tpu.memory_space<vmem>>, vector<1x8x2x8x128xf32>
    %swap3A_1660 = vector.shape_cast %swap3A_1659 : vector<1x8x2x8x128xf32> to vector<8x2x8x128xf32>
    %swap3A_1661 = vector.shape_cast %transpose3A_1653 : vector<8x2x8x128xf32> to vector<1x8x2x8x128xf32>
    tpu.vector_store %arg2[%swap3A_1654, %swap3A_1655, %swap3A_1656, %swap3A_1657, %swap3A_1658], %swap3A_1661 {strides = array<i32>} : memref<2x8x128x8x128xf32, #tpu.memory_space<vmem>>, vector<1x8x2x8x128xf32>,
    %get3A_1662 = arith.constant 15232 : index
    %get3A_1663 = arith.constant 0 : index
    %get3A_1664 = vector.load %arg1[%get3A_1662, %get3A_1663] : memref<16384x128xf32, #tpu.memory_space<vmem>>, vector<128x128xf32>
    %transpose3A_1665 = tpu.transpose %get3A_1664, [1, 0] : vector<128x128xf32> -> vector<128x128xf32>
    %reshape3A_1666 = vector.shape_cast %transpose3A_1665 : vector<128x128xf32> to vector<2x8x8x128xf32>
    %transpose3A_1667 = tpu.transpose %reshape3A_1666, [1, 0, 2, 3] : vector<2x8x8x128xf32> -> vector<8x2x8x128xf32>
    %swap3A_1668 = arith.constant 1 : index
    %swap3A_1669 = arith.constant 0 : index
    %swap3A_1670 = arith.constant 110 : index
    %swap3A_1671 = arith.constant 0 : index
    %swap3A_1672 = arith.constant 0 : index
    %swap3A_1673 = vector.load %arg2[%swap3A_1668, %swap3A_1669, %swap3A_1670, %swap3A_1671, %swap3A_1672] : memref<2x8x128x8x128xf32, #tpu.memory_space<vmem>>, vector<1x8x2x8x128xf32>
    %swap3A_1674 = vector.shape_cast %swap3A_1673 : vector<1x8x2x8x128xf32> to vector<8x2x8x128xf32>
    %swap3A_1675 = vector.shape_cast %transpose3A_1667 : vector<8x2x8x128xf32> to vector<1x8x2x8x128xf32>
    tpu.vector_store %arg2[%swap3A_1668, %swap3A_1669, %swap3A_1670, %swap3A_1671, %swap3A_1672], %swap3A_1675 {strides = array<i32>} : memref<2x8x128x8x128xf32, #tpu.memory_space<vmem>>, vector<1x8x2x8x128xf32>,
    %get3A_1676 = arith.constant 15360 : index
    %get3A_1677 = arith.constant 0 : index
    %get3A_1678 = vector.load %arg1[%get3A_1676, %get3A_1677] : memref<16384x128xf32, #tpu.memory_space<vmem>>, vector<128x128xf32>
    %transpose3A_1679 = tpu.transpose %get3A_1678, [1, 0] : vector<128x128xf32> -> vector<128x128xf32>
    %reshape3A_1680 = vector.shape_cast %transpose3A_1679 : vector<128x128xf32> to vector<2x8x8x128xf32>
    %transpose3A_1681 = tpu.transpose %reshape3A_1680, [1, 0, 2, 3] : vector<2x8x8x128xf32> -> vector<8x2x8x128xf32>
    %swap3A_1682 = arith.constant 1 : index
    %swap3A_1683 = arith.constant 0 : index
    %swap3A_1684 = arith.constant 112 : index
    %swap3A_1685 = arith.constant 0 : index
    %swap3A_1686 = arith.constant 0 : index
    %swap3A_1687 = vector.load %arg2[%swap3A_1682, %swap3A_1683, %swap3A_1684, %swap3A_1685, %swap3A_1686] : memref<2x8x128x8x128xf32, #tpu.memory_space<vmem>>, vector<1x8x2x8x128xf32>
    %swap3A_1688 = vector.shape_cast %swap3A_1687 : vector<1x8x2x8x128xf32> to vector<8x2x8x128xf32>
    %swap3A_1689 = vector.shape_cast %transpose3A_1681 : vector<8x2x8x128xf32> to vector<1x8x2x8x128xf32>
    tpu.vector_store %arg2[%swap3A_1682, %swap3A_1683, %swap3A_1684, %swap3A_1685, %swap3A_1686], %swap3A_1689 {strides = array<i32>} : memref<2x8x128x8x128xf32, #tpu.memory_space<vmem>>, vector<1x8x2x8x128xf32>,
    %get3A_1690 = arith.constant 15488 : index
    %get3A_1691 = arith.constant 0 : index
    %get3A_1692 = vector.load %arg1[%get3A_1690, %get3A_1691] : memref<16384x128xf32, #tpu.memory_space<vmem>>, vector<128x128xf32>
    %transpose3A_1693 = tpu.transpose %get3A_1692, [1, 0] : vector<128x128xf32> -> vector<128x128xf32>
    %reshape3A_1694 = vector.shape_cast %transpose3A_1693 : vector<128x128xf32> to vector<2x8x8x128xf32>
    %transpose3A_1695 = tpu.transpose %reshape3A_1694, [1, 0, 2, 3] : vector<2x8x8x128xf32> -> vector<8x2x8x128xf32>
    %swap3A_1696 = arith.constant 1 : index
    %swap3A_1697 = arith.constant 0 : index
    %swap3A_1698 = arith.constant 114 : index
    %swap3A_1699 = arith.constant 0 : index
    %swap3A_1700 = arith.constant 0 : index
    %swap3A_1701 = vector.load %arg2[%swap3A_1696, %swap3A_1697, %swap3A_1698, %swap3A_1699, %swap3A_1700] : memref<2x8x128x8x128xf32, #tpu.memory_space<vmem>>, vector<1x8x2x8x128xf32>
    %swap3A_1702 = vector.shape_cast %swap3A_1701 : vector<1x8x2x8x128xf32> to vector<8x2x8x128xf32>
    %swap3A_1703 = vector.shape_cast %transpose3A_1695 : vector<8x2x8x128xf32> to vector<1x8x2x8x128xf32>
    tpu.vector_store %arg2[%swap3A_1696, %swap3A_1697, %swap3A_1698, %swap3A_1699, %swap3A_1700], %swap3A_1703 {strides = array<i32>} : memref<2x8x128x8x128xf32, #tpu.memory_space<vmem>>, vector<1x8x2x8x128xf32>,
    %get3A_1704 = arith.constant 15616 : index
    %get3A_1705 = arith.constant 0 : index
    %get3A_1706 = vector.load %arg1[%get3A_1704, %get3A_1705] : memref<16384x128xf32, #tpu.memory_space<vmem>>, vector<128x128xf32>
    %transpose3A_1707 = tpu.transpose %get3A_1706, [1, 0] : vector<128x128xf32> -> vector<128x128xf32>
    %reshape3A_1708 = vector.shape_cast %transpose3A_1707 : vector<128x128xf32> to vector<2x8x8x128xf32>
    %transpose3A_1709 = tpu.transpose %reshape3A_1708, [1, 0, 2, 3] : vector<2x8x8x128xf32> -> vector<8x2x8x128xf32>
    %swap3A_1710 = arith.constant 1 : index
    %swap3A_1711 = arith.constant 0 : index
    %swap3A_1712 = arith.constant 116 : index
    %swap3A_1713 = arith.constant 0 : index
    %swap3A_1714 = arith.constant 0 : index
    %swap3A_1715 = vector.load %arg2[%swap3A_1710, %swap3A_1711, %swap3A_1712, %swap3A_1713, %swap3A_1714] : memref<2x8x128x8x128xf32, #tpu.memory_space<vmem>>, vector<1x8x2x8x128xf32>
    %swap3A_1716 = vector.shape_cast %swap3A_1715 : vector<1x8x2x8x128xf32> to vector<8x2x8x128xf32>
    %swap3A_1717 = vector.shape_cast %transpose3A_1709 : vector<8x2x8x128xf32> to vector<1x8x2x8x128xf32>
    tpu.vector_store %arg2[%swap3A_1710, %swap3A_1711, %swap3A_1712, %swap3A_1713, %swap3A_1714], %swap3A_1717 {strides = array<i32>} : memref<2x8x128x8x128xf32, #tpu.memory_space<vmem>>, vector<1x8x2x8x128xf32>,
    %get3A_1718 = arith.constant 15744 : index
    %get3A_1719 = arith.constant 0 : index
    %get3A_1720 = vector.load %arg1[%get3A_1718, %get3A_1719] : memref<16384x128xf32, #tpu.memory_space<vmem>>, vector<128x128xf32>
    %transpose3A_1721 = tpu.transpose %get3A_1720, [1, 0] : vector<128x128xf32> -> vector<128x128xf32>
    %reshape3A_1722 = vector.shape_cast %transpose3A_1721 : vector<128x128xf32> to vector<2x8x8x128xf32>
    %transpose3A_1723 = tpu.transpose %reshape3A_1722, [1, 0, 2, 3] : vector<2x8x8x128xf32> -> vector<8x2x8x128xf32>
    %swap3A_1724 = arith.constant 1 : index
    %swap3A_1725 = arith.constant 0 : index
    %swap3A_1726 = arith.constant 118 : index
    %swap3A_1727 = arith.constant 0 : index
    %swap3A_1728 = arith.constant 0 : index
    %swap3A_1729 = vector.load %arg2[%swap3A_1724, %swap3A_1725, %swap3A_1726, %swap3A_1727, %swap3A_1728] : memref<2x8x128x8x128xf32, #tpu.memory_space<vmem>>, vector<1x8x2x8x128xf32>
    %swap3A_1730 = vector.shape_cast %swap3A_1729 : vector<1x8x2x8x128xf32> to vector<8x2x8x128xf32>
    %swap3A_1731 = vector.shape_cast %transpose3A_1723 : vector<8x2x8x128xf32> to vector<1x8x2x8x128xf32>
    tpu.vector_store %arg2[%swap3A_1724, %swap3A_1725, %swap3A_1726, %swap3A_1727, %swap3A_1728], %swap3A_1731 {strides = array<i32>} : memref<2x8x128x8x128xf32, #tpu.memory_space<vmem>>, vector<1x8x2x8x128xf32>,
    %get3A_1732 = arith.constant 15872 : index
    %get3A_1733 = arith.constant 0 : index
    %get3A_1734 = vector.load %arg1[%get3A_1732, %get3A_1733] : memref<16384x128xf32, #tpu.memory_space<vmem>>, vector<128x128xf32>
    %transpose3A_1735 = tpu.transpose %get3A_1734, [1, 0] : vector<128x128xf32> -> vector<128x128xf32>
    %reshape3A_1736 = vector.shape_cast %transpose3A_1735 : vector<128x128xf32> to vector<2x8x8x128xf32>
    %transpose3A_1737 = tpu.transpose %reshape3A_1736, [1, 0, 2, 3] : vector<2x8x8x128xf32> -> vector<8x2x8x128xf32>
    %swap3A_1738 = arith.constant 1 : index
    %swap3A_1739 = arith.constant 0 : index
    %swap3A_1740 = arith.constant 120 : index
    %swap3A_1741 = arith.constant 0 : index
    %swap3A_1742 = arith.constant 0 : index
    %swap3A_1743 = vector.load %arg2[%swap3A_1738, %swap3A_1739, %swap3A_1740, %swap3A_1741, %swap3A_1742] : memref<2x8x128x8x128xf32, #tpu.memory_space<vmem>>, vector<1x8x2x8x128xf32>
    %swap3A_1744 = vector.shape_cast %swap3A_1743 : vector<1x8x2x8x128xf32> to vector<8x2x8x128xf32>
    %swap3A_1745 = vector.shape_cast %transpose3A_1737 : vector<8x2x8x128xf32> to vector<1x8x2x8x128xf32>
    tpu.vector_store %arg2[%swap3A_1738, %swap3A_1739, %swap3A_1740, %swap3A_1741, %swap3A_1742], %swap3A_1745 {strides = array<i32>} : memref<2x8x128x8x128xf32, #tpu.memory_space<vmem>>, vector<1x8x2x8x128xf32>,
    %get3A_1746 = arith.constant 16000 : index
    %get3A_1747 = arith.constant 0 : index
    %get3A_1748 = vector.load %arg1[%get3A_1746, %get3A_1747] : memref<16384x128xf32, #tpu.memory_space<vmem>>, vector<128x128xf32>
    %transpose3A_1749 = tpu.transpose %get3A_1748, [1, 0] : vector<128x128xf32> -> vector<128x128xf32>
    %reshape3A_1750 = vector.shape_cast %transpose3A_1749 : vector<128x128xf32> to vector<2x8x8x128xf32>
    %transpose3A_1751 = tpu.transpose %reshape3A_1750, [1, 0, 2, 3] : vector<2x8x8x128xf32> -> vector<8x2x8x128xf32>
    %swap3A_1752 = arith.constant 1 : index
    %swap3A_1753 = arith.constant 0 : index
    %swap3A_1754 = arith.constant 122 : index
    %swap3A_1755 = arith.constant 0 : index
    %swap3A_1756 = arith.constant 0 : index
    %swap3A_1757 = vector.load %arg2[%swap3A_1752, %swap3A_1753, %swap3A_1754, %swap3A_1755, %swap3A_1756] : memref<2x8x128x8x128xf32, #tpu.memory_space<vmem>>, vector<1x8x2x8x128xf32>
    %swap3A_1758 = vector.shape_cast %swap3A_1757 : vector<1x8x2x8x128xf32> to vector<8x2x8x128xf32>
    %swap3A_1759 = vector.shape_cast %transpose3A_1751 : vector<8x2x8x128xf32> to vector<1x8x2x8x128xf32>
    tpu.vector_store %arg2[%swap3A_1752, %swap3A_1753, %swap3A_1754, %swap3A_1755, %swap3A_1756], %swap3A_1759 {strides = array<i32>} : memref<2x8x128x8x128xf32, #tpu.memory_space<vmem>>, vector<1x8x2x8x128xf32>,
    %get3A_1760 = arith.constant 16128 : index
    %get3A_1761 = arith.constant 0 : index
    %get3A_1762 = vector.load %arg1[%get3A_1760, %get3A_1761] : memref<16384x128xf32, #tpu.memory_space<vmem>>, vector<128x128xf32>
    %transpose3A_1763 = tpu.transpose %get3A_1762, [1, 0] : vector<128x128xf32> -> vector<128x128xf32>
    %reshape3A_1764 = vector.shape_cast %transpose3A_1763 : vector<128x128xf32> to vector<2x8x8x128xf32>
    %transpose3A_1765 = tpu.transpose %reshape3A_1764, [1, 0, 2, 3] : vector<2x8x8x128xf32> -> vector<8x2x8x128xf32>
    %swap3A_1766 = arith.constant 1 : index
    %swap3A_1767 = arith.constant 0 : index
    %swap3A_1768 = arith.constant 124 : index
    %swap3A_1769 = arith.constant 0 : index
    %swap3A_1770 = arith.constant 0 : index
    %swap3A_1771 = vector.load %arg2[%swap3A_1766, %swap3A_1767, %swap3A_1768, %swap3A_1769, %swap3A_1770] : memref<2x8x128x8x128xf32, #tpu.memory_space<vmem>>, vector<1x8x2x8x128xf32>
    %swap3A_1772 = vector.shape_cast %swap3A_1771 : vector<1x8x2x8x128xf32> to vector<8x2x8x128xf32>
    %swap3A_1773 = vector.shape_cast %transpose3A_1765 : vector<8x2x8x128xf32> to vector<1x8x2x8x128xf32>
    tpu.vector_store %arg2[%swap3A_1766, %swap3A_1767, %swap3A_1768, %swap3A_1769, %swap3A_1770], %swap3A_1773 {strides = array<i32>} : memref<2x8x128x8x128xf32, #tpu.memory_space<vmem>>, vector<1x8x2x8x128xf32>,
    %get3A_1774 = arith.constant 16256 : index
    %get3A_1775 = arith.constant 0 : index
    %get3A_1776 = vector.load %arg1[%get3A_1774, %get3A_1775] : memref<16384x128xf32, #tpu.memory_space<vmem>>, vector<128x128xf32>
    %transpose3A_1777 = tpu.transpose %get3A_1776, [1, 0] : vector<128x128xf32> -> vector<128x128xf32>
    %reshape3A_1778 = vector.shape_cast %transpose3A_1777 : vector<128x128xf32> to vector<2x8x8x128xf32>
    %transpose3A_1779 = tpu.transpose %reshape3A_1778, [1, 0, 2, 3] : vector<2x8x8x128xf32> -> vector<8x2x8x128xf32>
    %swap3A_1780 = arith.constant 1 : index
    %swap3A_1781 = arith.constant 0 : index
    %swap3A_1782 = arith.constant 126 : index
    %swap3A_1783 = arith.constant 0 : index
    %swap3A_1784 = arith.constant 0 : index
    %swap3A_1785 = vector.load %arg2[%swap3A_1780, %swap3A_1781, %swap3A_1782, %swap3A_1783, %swap3A_1784] : memref<2x8x128x8x128xf32, #tpu.memory_space<vmem>>, vector<1x8x2x8x128xf32>
    %swap3A_1786 = vector.shape_cast %swap3A_1785 : vector<1x8x2x8x128xf32> to vector<8x2x8x128xf32>
    %swap3A_1787 = vector.shape_cast %transpose3A_1779 : vector<8x2x8x128xf32> to vector<1x8x2x8x128xf32>
    tpu.vector_store %arg2[%swap3A_1780, %swap3A_1781, %swap3A_1782, %swap3A_1783, %swap3A_1784], %swap3A_1787 {strides = array<i32>} : memref<2x8x128x8x128xf32, #tpu.memory_space<vmem>>, vector<1x8x2x8x128xf32>,
    return
  }
  func.func @transform_0(%arg0: i32) -> (i32, i32) {
    %c0_i32 = arith.constant 0 : i32
    %c0_i32_0 = arith.constant 0 : i32
    return %arg0, %c0_i32 : i32, i32
  }
  func.func @transform_1(%arg0: i32) -> (i32, i32, i32, i32, i32) {
    %c0_i32 = arith.constant 0 : i32
    %c0_i32_0 = arith.constant 0 : i32
    %c0_i32_1 = arith.constant 0 : i32
    %c0_i32_2 = arith.constant 0 : i32
    %c0_i32_3 = arith.constant 0 : i32
    return %arg0, %c0_i32, %c0_i32_0, %c0_i32_1, %c0_i32_2 : i32, i32, i32, i32, i32
  }
}

</mosaic_0001>

<sc_bundles>
// kernel: kernel.4.cloned.1.call-start
scs
__scs_entry_jumppad:
0x0: {  	(pc) =	sbr.rel $0x88, $3  }
0x1: {  	(tag) =	ssettag $0x0;
	lr =	simm.s32 $0x1  }
0x2: {  	[smem:$0x3F9F] =	sst lr;
	_ =	strace $0xD0000000  }
0x3: {  	_ = 	snop  }
0x4: {  	_ = 	snop  }
0x5: {  	_ = 	snop  }
0x6: {  	_ = 	snop  }
0x7: {  	_ = 	snop  }
__scs_overlays_trampoline_lowered:
0x8: {  	[smem:$0x3FAE] =	sst s0  }
0x9: {  	[smem:$0x3FAF] =	sst s1  }
0xa: {  	[smem:$0x3FB0] =	sst s2  }
0xb: {  	[smem:$0x3FB1] =	sst s3  }
0xc: {  	[smem:$0x3FB2] =	sst s4  }
0xd: {  	[smem:$0x3FB3] =	sst s5  }
0xe: {  	[smem:$0x3FB4] =	sst s6  }
0xf: {  	[smem:$0x3FB5] =	sst s7  }
0x10: {  	[smem:$0x3FB6] =	sst s8  }
0x11: {  	[smem:$0x3FB7] =	sst s9;
	s0 =	simm.s32 @!p0 $0x0  }
0x12: {  	s1 =	sld [smem:$0x3F9D];
	s0 =	simm.s32 @p0 $0x1  }
0x13: {  	[smem:$0x3FB8] =	sst s0;
	s0 =	simm.s32 @!p1 $0x0  }
0x14: {  	s2 =	sld [smem:$0x3F9C];
	s0 =	simm.s32 @p1 $0x1  }
0x15: {  	[smem:$0x3FB9] =	sst s0;
	s0 =	simm.s32 @!p2 $0x0  }
0x16: {  	s3 =	sld [smem:$0x3FDB];
	s0 =	simm.s32 @p2 $0x1  }
0x17: {  	s4 =	simm.s32 $0x1BF5;
	[smem:$0x3FBB] =	sst s0  }
0x18: {  	s0 =	sld [smem:$0x3F9E];
	_ =	swait.ge [sflag:s4], $0x0  }
0x19: {  	s7 =	sld [smem:$0x3F9F]  }
0x1a: {  	s8 =	sadd.s32 $0xFFFFE003, lr  }
0x1b: {  	s9 =	sadd.s32 $0xFFFFFEF7, lr;
	s5 =	simm.s32 $0xFFFFFFFF;
	p2 =	slt.u32 s8, $0xFFFFF086  }
0x1c: {  	p1 =	slt.u32 s9, $0xF7A;
	s5 =	simm.s32 @!p2 $0x0  }
0x1d: {  	s5 =	simm.s32 @p1 $0x1;
	p0 =	seq.s32 s7, s2  }
0x1e: {  	s7 =	smul.u32 @!p0 $0xF7A, s2;
	p2 =	seq.s32 @!p0 s5, $0x0  }
0x1f: {  	s9 =	smul.u32 $0xF7A, s1;
	s8 =	simm.s32 @!p0 $0x1BF5;
	p2 =	por !p2, p0  }
0x20: {  	[sflag:s8] =	ssyncset.s32 @!p0 $0xFFFFF086;
	s6 =	sadd.s32 @!p0 s3, s7;
	s7 =	simm.s32 @!p0 $0x108  }
0x21: {  	s3 =	sadd.s32 s3, s9;
	s6 =	sadd.s32 @!p0 $0x88, s6;
	s7 =	simm.s32 @p2 $0x1082  }
0x22: {  	[simem:s7], [sflag:s8] =	dma.local @!p0 [hbm:s6], $0xF7A  }
0x23: {  	s9 =	sor.u32 $0xD0000000, s2;
	s6 =	simm.s32 $0x108;
	_ =	swait.ge @!p0 [sflag:s8], $0x0  }
0x24: {  	s3 =	sadd.s32 $0x88, s3;
	s6 =	simm.s32 @!p1 $0x1082;
	[sflag:s4] =	ssyncset.s32 $0xFFFFF086  }
0x25: {  	[simem:s6], [sflag:s4] =	dma.local [hbm:s3], $0xF7A  }
0x26: {  	[smem:$0x3F9F] =	sst s1;
	(tag) =	ssettag s2;
	_ =	strace s9  }
0x27: {  	s1 =	sld [smem:$0x3FAF]  }
0x28: {  	s2 =	sld [smem:$0x3FB0]  }
0x29: {  	s4 =	sld [smem:$0x3FB2]  }
0x2a: {  	p0 =	seq.s32 s5, $0x0;
	s5 =	sld [smem:$0x3FB3]  }
0x2b: {  	s6 =	sld [smem:$0x3FB4]  }
0x2c: {  	s7 =	sld [smem:$0x3FB5]  }
0x2d: {  	s3 =	simm.s32 $0x108;
	s8 =	sld [smem:$0x3FB6]  }
0x2e: {  	s3 =	simm.s32 @!p0 $0x1082;
	s9 =	sld [smem:$0x3FB7]  }
0x2f: {  	lr =	sadd.s32 s0, s3;
	s0 =	sld [smem:$0x3FAE]  }
0x30: {  	s3 =	sld [smem:$0x3FB1]  }
0x31: {  	[smem:$0x3FBA] =	sst s10  }
0x32: {  	s10 =	sld [smem:$0x3FB8];
	_ =	sdelay $0x3  }
0x33: {  	p0 =	seq.s32 s10, $0x1;
	s10 =	sld [smem:$0x3FBA];
	_ =	sdelay $0x3  }
0x34: {  	[smem:$0x3FBA] =	sst s10  }
0x35: {  	s10 =	sld [smem:$0x3FB9];
	_ =	sdelay $0x3  }
0x36: {  	p1 =	seq.s32 s10, $0x1;
	s10 =	sld [smem:$0x3FBA];
	_ =	sdelay $0x3  }
0x37: {  	[smem:$0x3FBA] =	sst s10  }
0x38: {  	s10 =	sld [smem:$0x3FBB]  }
0x39: {  	_ = 	snop;
	(pc) =	sbr.ind lr, $3  }
0x3a: {  	_ = 	snop  }
0x3b: {  	_ = 	snop  }
0x3c: {  	p2 =	seq.s32 s10, $0x1;
	s10 =	sld [smem:$0x3FBA]  }
0x3d: {  	_ =	shalt  }
0x3e: {  	_ =	shalt  }
0x3f: {  	_ =	shalt  }
0x40: {  	_ =	shalt  }
0x41: {  	_ =	shalt  }
0x42: {  	_ =	shalt  }
0x43: {  	_ =	shalt  }
0x44: {  	_ =	shalt  }
0x45: {  	_ =	shalt  }
0x46: {  	_ =	shalt  }
0x47: {  	_ =	shalt  }
0x48: {  	_ =	shalt  }
0x49: {  	_ =	shalt  }
0x4a: {  	_ =	shalt  }
0x4b: {  	_ =	shalt  }
0x4c: {  	_ =	shalt  }
0x4d: {  	_ =	shalt  }
0x4e: {  	_ =	shalt  }
0x4f: {  	_ =	shalt  }
0x50: {  	_ =	shalt  }
0x51: {  	_ =	shalt  }
0x52: {  	_ =	shalt  }
0x53: {  	_ =	shalt  }
0x54: {  	_ =	shalt  }
0x55: {  	_ =	shalt  }
0x56: {  	_ =	shalt  }
0x57: {  	_ =	shalt  }
0x58: {  	_ =	shalt  }
0x59: {  	_ =	shalt  }
0x5a: {  	_ =	shalt  }
0x5b: {  	_ =	shalt  }
0x5c: {  	_ =	shalt  }
0x5d: {  	_ =	shalt  }
0x5e: {  	_ =	shalt  }
0x5f: {  	_ =	shalt  }
0x60: {  	_ =	shalt  }
0x61: {  	_ =	shalt  }
0x62: {  	_ =	shalt  }
0x63: {  	_ =	shalt  }
0x64: {  	_ =	shalt  }
0x65: {  	_ =	shalt  }
0x66: {  	_ =	shalt  }
0x67: {  	_ =	shalt  }
0x68: {  	_ =	shalt  }
0x69: {  	_ =	shalt  }
0x6a: {  	_ =	shalt  }
0x6b: {  	_ =	shalt  }
0x6c: {  	_ =	shalt  }
0x6d: {  	_ =	shalt  }
0x6e: {  	_ =	shalt  }
0x6f: {  	_ =	shalt  }
0x70: {  	_ =	shalt  }
0x71: {  	_ =	shalt  }
0x72: {  	_ =	shalt  }
0x73: {  	_ =	shalt  }
0x74: {  	_ =	shalt  }
0x75: {  	_ =	shalt  }
0x76: {  	_ =	shalt  }
0x77: {  	_ =	shalt  }
0x78: {  	_ =	shalt  }
0x79: {  	_ =	shalt  }
0x7a: {  	_ =	shalt  }
0x7b: {  	_ =	shalt  }
0x7c: {  	_ =	shalt  }
0x7d: {  	_ =	shalt  }
0x7e: {  	_ =	shalt  }
0x7f: {  	_ =	shalt  }
0x80: {  	_ =	shalt  }
0x81: {  	_ =	shalt  }
0x82: {  	_ =	shalt  }
0x83: {  	_ =	shalt  }
0x84: {  	_ =	shalt  }
0x85: {  	_ =	shalt  }
0x86: {  	_ =	shalt  }
0x87: {  	_ =	shalt  }
.Lfunc_end0:
.L_simem_size_0:
called_computation_lowered:
.L_overlay_start_0:
0x88: {  	s2 =	sld [smem:$0x3FD9]  }
0x89: {  	s3 =	sld [smem:$0x3FFE];
	_ =	sdelay $0x1  }
0x8a: {  	s1 =	srdreg.scid  }
0x8b: {  	s0 =	sand.u32 $0x1, s1  }
0x8c: {  	s17 =	sshll.u32 s0, $0xA;
	s2 =	sadd.s32 s3, s2  }
0x8d: {  	s2 =	sadd.s32 s2, s17  }
0x8e: {  	[smem:$0x3FC6] =	sst s2  }
0x8f: {  	_ = 	snop  }
0x90: {  	s2 =	sld [smem:$0x3FD0];
	(tm) =	ssettm $0x1  }
0x91: {  	s18 =	sld [smem:$0x3FFB];
	_ =	sdelay $0x3  }
0x92: {  	_ =	strace s18  }
0x93: {  	s3 =	sld [smem:$0x3FFC];
	_ =	sdelay $0x3  }
0x94: {  	_ =	strace s3  }
0x95: {  	s3 =	sld [smem:$0x3FFD];
	_ =	sdelay $0x3  }
0x96: {  	_ =	strace s3  }
0x97: {  	_ =	strace $0x8FFFFFFF  }
0x98: {  	s19 =	sld [smem:$0x3FDB];
	_ =	sdelay $0x1  }
0x99: {  	s4 =	simm.s32 $_scs_section_size  }
0x9a: {  	s5 =	simm.s32 $_size__tile_overlayer_lowered;
	s6 =	simm.s32 $_tile_overlayer_lowered  }
0x9b: {  	s22 =	simm.s32 $0x1BFF;
	s21 =	sshll.u32 s6, $0x1;
	s3 =	sadd.s32 s4, s19  }
0x9c: {  	s7 =	simm.s32 $0x0;
	s20 =	sshll.u32 s5, $0x1;
	s5 =	sadd.s32 s21, s3  }
0x9d: {  	[timem:s7], [sflag:s22] =	dma.local [hbm:s5], s20  }
0x9e: {  	_ =	swait.ge [sflag:s22], s20  }
0x9f: {  	s4 =	ssub.s32 $0x0, s20;
	[sflag:s22] =	ssyncset.done $0x0  }
0xa0: {  	[sflag:s22] =	ssyncadd.s32 s4;
	_ =	sdelay $0x1  }
0xa1: {  	s23 =	simm.s32 $0x1B8B  }
0xa2: {  	_ =	swait.ge [sflag:s23], $0x1  }
0xa3: {  	[sflag:s23] =	ssyncset.done $0x0  }
0xa4: {  	s25 =	simm.s32 $0x1B8E;
	s24 =	sld [smem:$0x3FFE];
	[sflag:s23] =	ssyncadd.s32 $0xFFFFFFFF  }
0xa5: {  	s26 =	simm.s32 $execute0_lowered;
	[smem:$0x3FD2] =	sst s25  }
0xa6: {  	s5 =	sshll.u32 s26, $0x1;
	_ =	strace $0x80000046;
	[dreg:$0x1] =	wrdreg $0xFFFFFFFF  }
0xa7: {  	s28 =	simm.s32 $_size_execute0_lowered;
	s3 =	sadd.s32 s3, s5;
	[dreg:$0x0] =	wrdreg $0x0  }
0xa8: {  	s5 =	sshll.u32 s28, $0x1;
	[dreg:$0x2] =	wrdreg s3  }
0xa9: {  	[dreg:$0x3] =	wrdreg s5  }
0xaa: {  	[dreg:$0x4] =	wrdreg $0xC0  }
0xab: {  	_ =	task [dreg:s7], $0x5FFFF  }
0xac: {  	[dreg:$0x1] =	wrdreg $0xFFFFFFFF  }
0xad: {  	[dreg:$0x0] =	wrdreg $0x60  }
0xae: {  	[dreg:$0x2] =	wrdreg s2  }
0xaf: {  	[dreg:$0x3] =	wrdreg s24  }
0xb0: {  	[dreg:$0x4] =	wrdreg $0x9  }
0xb1: {  	_ =	task.clear_ibuf [dreg:s7], $0x5FFFF;
	_ =	strace $0x90000046  }
0xb2: {  	s29 =	simm.s32 $0x9;
	_ =	strace $0x80000048  }
0xb3: {  	_ =	swait.ge [sflag:s29], $0x1  }
0xb4: {  	[sflag:s29] =	ssyncadd.s32 $0xFFFFFFFF  }
0xb5: {  	_ =	strace $0x90000048  }
0xb6: {  	_ =	sfence  }
0xb7: {  	s30 =	sld [smem:$0x0];
	_ =	sdelay $0x2  }
0xb8: {  	s31 =	sshll.u32 s1, $0xD;
	s1 =	sshrl.u32 s1, $0x2  }
0xb9: {  	s3 =	sand.u32 $0x4000, s31;
	s1 =	sadd.s32 s1, s30  }
0xba: {  	s0 =	sor.u32 s3, s0;
	s1 =	sshll.u32 s1, $0x11  }
0xbb: {  	s0 =	sor.u32 s1, s0  }
0xbc: {  	s0 =	sadd.s32 $0x8F2B, s0  }
0xbd: {  	[sflag:s0] =	ssyncadd.remote.s32 $0x1  }
0xbe: {  	_ =	sfence.sel $0xFFFF  }
0xbf: {  	[dreg:$0x0] =	wrdreg $0xFFFFFFFF;
	(pc) =	sbr.abs _section_cstart, $3  }
0xc0: {  	[dreg:$0x1] =	wrdreg $0xFFFFFFFF  }
0xc1: {  	_ =	task.clear_ibuf [dreg:s7], $0x2FFFF;
	_ =	strace $0x9FFFFFFF  }
0xc2: {  	(tm) =	ssettm $0x7FFFFFFF  }
0xc3: {  	_ =	shalt  }
tec
execute0_lowered:
.L_overlay_start_1:
0x0: {  	(tag) =	ssettag $0x1  }
0x1: {  	s0 =	rddreg [dreg:$0x0]  }
0x2: {  	s1 =	rddreg [dreg:$0x1];
	s5 =	stileid.u32  }
0x3: {  	s2 =	srdreg.scid;
	s25 =	simm.s32 $0x0;
	s9 =	simm.s32 $0x6400  }
0x4: {  	s10 =	simm.s32 $0xA400;
	s12 =	simm.s32 $0xE400;
	s14 =	simm.s32 $0x12400  }
0x5: {  	s15 =	simm.s32 $0x1;
	s16 =	simm.s32 $0x40;
	s17 =	simm.s32 $0x80  }
0x6: {  	s18 =	simm.s32 $0x8400;
	s19 =	simm.s32 $0x2;
	s20 =	simm.s32 $0xC400  }
0x7: {  	s21 =	simm.s32 $0x3;
	s22 =	simm.s32 $0x10400;
	s23 =	simm.s32 $0x4  }
0x8: {  	s24 =	simm.s32 $0x14400;
	s28 =	simm.s32 $0x7;
	s29 =	simm.s32 $0x8  }
0x9: {  	s30 =	simm.s32 $0x0;
	s3 =	sand.u32 $0x1, s2;
	s4 =	sshll.u32 s5, $0x1  }
0xa: {  	s5 =	smul.u32 $0x64000, s5;
	[smem:$0x7FF] =	sst s25;
	s25 =	simm.s32 $0x5  }
0xb: {  	s4 =	sor.u32 s3, s4;
	_ =	strace $0x80000047;
	s8 =	smul.u32 $0x32000, s3  }
.Ltmp0:
0xc: {  	s6 =	ssub.s32 $0x2, s3;
	s3 =	sadd.s32 $0xF42A00, s1;
	(pc) =	sbr.rel .LBB2_1-.Ltmp0, $4  }
0xd: {  	s4 =	smul.u32 $0xC80, s4;
	s7 =	sshrl.u32 s6, $0x1;
	s1 =	sadd.s32 s5, s1  }
0xe: {  	s26 =	ssub.s32 s6, s7;
	s31 =	sadd.s32 s8, s1;
	s7 =	simm.s32 $0x9  }
0xf: {  	s8 =	simm.s32 $0x100;
	s0 =	sadd.s32 s0, s4;
	s5 =	smax.u32 s26, $0x1  }
0x10: {  	s6 =	sadd.s32 $0x600, s31;
	s26 =	simm.s32 $0x6;
	[dreg:$0x3] =	wrdreg s0  }
.LBB2_4:
0x11: {  	_ =	swait.ge [sflag:s25], $0x2000  }
0x12: {  	[sflag:s25] =	ssyncset.done $0x0  }
0x13: {  	[sflag:s25] =	ssyncadd.s32 $0xFFFFE000  }
0x14: {  	_ =	swait.ge [sflag:s25], $0x2000  }
0x15: {  	[sflag:s25] =	ssyncset.done $0x0  }
0x16: {  	[sflag:s25] =	ssyncadd.s32 $0xFFFFE000  }
0x17: {  	_ =	swait.ge [sflag:s26], $0x2000  }
0x18: {  	[sflag:s26] =	ssyncset.done $0x0  }
0x19: {  	[sflag:s26] =	ssyncadd.s32 $0xFFFFE000  }
0x1a: {  	_ =	swait.ge [sflag:s26], $0x2000  }
0x1b: {  	[sflag:s26] =	ssyncset.done $0x0  }
0x1c: {  	[sflag:s26] =	ssyncadd.s32 $0xFFFFE000  }
0x1d: {  	_ =	swait.ge [sflag:s28], $0x2000  }
0x1e: {  	[sflag:s28] =	ssyncset.done $0x0  }
0x1f: {  	[sflag:s28] =	ssyncadd.s32 $0xFFFFE000  }
0x20: {  	_ =	swait.ge [sflag:s28], $0x2000  }
0x21: {  	[sflag:s28] =	ssyncset.done $0x0  }
0x22: {  	s30 =	sadd.s32 $0x1, s30;
	[sflag:s28] =	ssyncadd.s32 $0xFFFFE000  }
0x23: {  	p0 =	sne.s32 s30, s5;
	_ =	swait.ge [sflag:s29], $0x2000  }
.Ltmp1:
0x24: {  	[sflag:s29] =	ssyncset.done $0x0;
	(pc) =	sbr.rel @!p0 .LBB2_5-.Ltmp1, $4  }
0x25: {  	[sflag:s29] =	ssyncadd.s32 $0xFFFFE000  }
0x26: {  	_ =	swait.ge [sflag:s29], $0x2000  }
0x27: {  	[sflag:s29] =	ssyncset.done $0x0  }
0x28: {  	[sflag:s29] =	ssyncadd.s32 $0xFFFFE000  }
.LBB2_1:
0x29: {  	s0 =	simm.s32 $0x0;
	s1 =	rddreg [dreg:$0x3]  }
0x2a: {  	[tilespmem:s0], [sflag:$0x9] =	stream.linear.gather [hbm4b:s1+s0], $0x6400, $0x38;
	[tilespmem:$0x16400] =	vst v63  }
0x2b: {  	_ =	swait.ge [sflag:s7], $0x6400  }
0x2c: {  	[sflag:s7] =	ssyncset.done $0x0  }
0x2d: {  	[sflag:s7] =	ssyncadd.s32 $0xFFFF9C00  }
0x2e: {  	[tilespmem:s9], [sflag:$0x1] =	stream.indirect.gather [hbm4b:s3+s8], $0x40, s0, s8, $0xb8;
	[tilespmem:$0x16400] =	vst v63  }
0x2f: {  	_ = 	snop  }
0x30: {  	[tilespmem:s10], [sflag:$0x2] =	stream.indirect.gather [hbm4b:s3+s8], $0x40, s8, s8, $0xb8;
	[tilespmem:$0x16400] =	vst v63  }
0x31: {  	s11 =	simm.s32 $0x200;
	s13 =	simm.s32 $0x300  }
0x32: {  	[tilespmem:s12], [sflag:$0x3] =	stream.indirect.gather [hbm4b:s3+s8], $0x40, s11, s8, $0xb8;
	[tilespmem:$0x16400] =	vst v63  }
0x33: {  	s31 =	simm.s32 $0x600;
	s1 =	simm.s32 $0x0;
	s0 =	simm.s32 $0xFFFFFFFC  }
0x34: {  	[tilespmem:s14], [sflag:$0x4] =	stream.indirect.gather [hbm4b:s3+s8], $0x40, s13, s8, $0xb8;
	[tilespmem:$0x16400] =	vst v63  }
.LBB2_2:
0x35: {  	_ =	swait.ge [sflag:s15], $0x4000  }
0x36: {  	[sflag:s15] =	ssyncset.done $0x0  }
0x37: {  	s11 =	sadd.s32 s1, s6;
	[sflag:s15] =	ssyncadd.s32 $0xFFFFC000  }
0x38: {  	[hbm4b:s11+s16] =	stream.strided.scatter [tilespmem:s9], [sflag:$0x5], $0x2000, s17, s16, $0x38;
	[tilespmem:$0x16400] =	vst v63  }
0x39: {  	p0 =	sgt.u32 s0, $0x5F;
	s13 =	sadd.s32 $0x8, s11  }
0x3a: {  	[hbm4b:s13+s16] =	stream.strided.scatter [tilespmem:s18], [sflag:$0x5], $0x2000, s17, s16, $0x38;
	[tilespmem:$0x16400] =	vst v63  }
0x3b: {  	s13 =	simm.s32 @!p0 $0x8  }
0x3c: {  	_ =	swait.ge @!p0 [sflag:s13], $0x2000  }
0x3d: {  	[sflag:s13] =	ssyncset.done @!p0 $0x0  }
0x3e: {  	[sflag:s13] =	ssyncadd.s32 @!p0 $0xFFFFE000  }
0x3f: {  	_ =	swait.ge @!p0 [sflag:s13], $0x2000  }
0x40: {  	s2 =	simm.s32 @!p0 $0x100;
	[sflag:s13] =	ssyncset.done @!p0 $0x0  }
0x41: {  	s4 =	simm.s32 @!p0 $0x12400;
	[sflag:s13] =	ssyncadd.s32 @!p0 $0xFFFFE000;
	s13 =	sadd.s32 @!p0 $0xFFFFFD00, s31  }
0x42: {  	[tilespmem:s4], [sflag:$0x4] =	stream.indirect.gather @!p0 [hbm4b:s3+s2], $0x40, s13, s2, $0xb8;
	[tilespmem:$0x16400] =	vst v63  }
0x43: {  	_ =	swait.ge [sflag:s19], $0x4000  }
0x44: {  	[sflag:s19] =	ssyncset.done $0x0  }
0x45: {  	s13 =	sadd.s32 $0x800, s11;
	p0 =	seq.s32 s1, $0x30000;
	[sflag:s19] =	ssyncadd.s32 $0xFFFFC000  }
0x46: {  	[hbm4b:s13+s16] =	stream.strided.scatter [tilespmem:s10], [sflag:$0x6], $0x2000, s17, s16, $0x38;
	[tilespmem:$0x16400] =	vst v63  }
0x47: {  	s4 =	sadd.s32 $0x808, s11;
	s2 =	simm.s32 @!p0 $0x5  }
0x48: {  	[hbm4b:s4+s16] =	stream.strided.scatter [tilespmem:s20], [sflag:$0x6], $0x2000, s17, s16, $0x38;
	[tilespmem:$0x16400] =	vst v63  }
0x49: {  	_ =	swait.ge @!p0 [sflag:s2], $0x2000  }
0x4a: {  	[sflag:s2] =	ssyncset.done @!p0 $0x0  }
0x4b: {  	[sflag:s2] =	ssyncadd.s32 @!p0 $0xFFFFE000  }
0x4c: {  	_ =	swait.ge @!p0 [sflag:s2], $0x2000  }
0x4d: {  	s13 =	simm.s32 @!p0 $0x6400;
	[sflag:s2] =	ssyncset.done @!p0 $0x0  }
0x4e: {  	s4 =	simm.s32 @!p0 $0x100;
	[sflag:s2] =	ssyncadd.s32 @!p0 $0xFFFFE000;
	s2 =	sadd.s32 @!p0 $0xFFFFFE00, s31  }
0x4f: {  	[tilespmem:s13], [sflag:$0x1] =	stream.indirect.gather @!p0 [hbm4b:s3+s4], $0x40, s2, s4, $0xb8;
	[tilespmem:$0x16400] =	vst v63  }
0x50: {  	_ =	swait.ge [sflag:s21], $0x4000  }
0x51: {  	[sflag:s21] =	ssyncset.done $0x0  }
0x52: {  	s13 =	sadd.s32 $0x1000, s11;
	[sflag:s21] =	ssyncadd.s32 $0xFFFFC000  }
0x53: {  	[hbm4b:s13+s16] =	stream.strided.scatter [tilespmem:s12], [sflag:$0x7], $0x2000, s17, s16, $0x38;
	[tilespmem:$0x16400] =	vst v63  }
0x54: {  	s2 =	simm.s32 @!p0 $0x6;
	s13 =	sadd.s32 $0x1008, s11  }
0x55: {  	[hbm4b:s13+s16] =	stream.strided.scatter [tilespmem:s22], [sflag:$0x7], $0x2000, s17, s16, $0x38;
	[tilespmem:$0x16400] =	vst v63  }
0x56: {  	_ =	swait.ge @!p0 [sflag:s2], $0x2000  }
0x57: {  	[sflag:s2] =	ssyncset.done @!p0 $0x0  }
0x58: {  	[sflag:s2] =	ssyncadd.s32 @!p0 $0xFFFFE000  }
0x59: {  	_ =	swait.ge @!p0 [sflag:s2], $0x2000  }
0x5a: {  	[sflag:s2] =	ssyncset.done @!p0 $0x0  }
0x5b: {  	s13 =	simm.s32 @!p0 $0xA400;
	[sflag:s2] =	ssyncadd.s32 @!p0 $0xFFFFE000;
	s2 =	sadd.s32 @!p0 $0xFFFFFF00, s31  }
0x5c: {  	[tilespmem:s13], [sflag:$0x2] =	stream.indirect.gather @!p0 [hbm4b:s3+s4], $0x40, s2, s4, $0xb8;
	[tilespmem:$0x16400] =	vst v63  }
0x5d: {  	_ =	swait.ge [sflag:s23], $0x4000  }
.Ltmp2:
0x5e: {  	[sflag:s23] =	ssyncset.done $0x0;
	(pc) =	sbr.rel @p0 .LBB2_4-.Ltmp2, $4  }
0x5f: {  	s4 =	sadd.s32 $0x1800, s11;
	[sflag:s23] =	ssyncadd.s32 $0xFFFFC000  }
0x60: {  	[hbm4b:s4+s16] =	stream.strided.scatter [tilespmem:s14], [sflag:$0x8], $0x2000, s17, s16, $0x38;
	[tilespmem:$0x16400] =	vst v63  }
0x61: {  	s13 =	sadd.s32 $0x1808, s11  }
0x62: {  	[hbm4b:s13+s16] =	stream.strided.scatter [tilespmem:s24], [sflag:$0x8], $0x2000, s17, s16, $0x38;
	[tilespmem:$0x16400] =	vst v63  }
0x63: {  	_ =	swait.ge [sflag:s28], $0x2000  }
0x64: {  	[sflag:s28] =	ssyncset.done $0x0  }
0x65: {  	[sflag:s28] =	ssyncadd.s32 $0xFFFFE000  }
.Ltmp3:
0x66: {  	_ =	swait.ge [sflag:s28], $0x2000;
	(pc) =	sbr.rel .LBB2_2-.Ltmp3, $4  }
0x67: {  	[sflag:s28] =	ssyncset.done $0x0  }
0x68: {  	[sflag:s28] =	ssyncadd.s32 $0xFFFFE000  }
0x69: {  	[tilespmem:s12], [sflag:$0x3] =	stream.indirect.gather [hbm4b:s3+s8], $0x40, s31, s8, $0xb8;
	[tilespmem:$0x16400] =	vst v63  }
0x6a: {  	s1 =	sadd.s32 $0x2000, s1;
	s0 =	sadd.s32 $0x4, s0;
	s31 =	sadd.s32 $0x400, s31  }
.LBB2_5:
0x6b: {  	_ =	sfence.sel $0x180000  }
0x6c: {  	[bflag:$0x0] =	sbarrier.arrive $0xFFFF  }
0x6d: {  	_ =	strace $0x90000047  }
0x6e: {  	s0 =	stileid.u32;
	[bflag:$0x2] =	sbarrier.arrive $0xFFFF  }
0x6f: {  	p0 =	sne.s32 s0, $0x0;
	s0 =	rddreg [dreg:$0x2]  }
0x70: {  	s0 =	sadd.s32 @!p0 $0x100000, s0  }
0x71: {  	[sflag:s0] =	ssyncadd.tile.s32 @!p0 $0x1;
	_ =	shalt  }
.Lfunc_end2:
_tile_overlayer_lowered:
.L_overlay_start_2:
0x72: {  	(tag) =	ssettag $0x2  }
0x73: {  	s0 =	rddreg [dreg:$0x0];
	s2 =	stileid.u32  }
0x74: {  	s1 =	rddreg [dreg:$0x1];
	p0 =	sne.s32 s2, $0x0  }
0x75: {  	s3 =	rddreg [dreg:$0x2];
	[bflag:$0x3] =	sbarrier.arrive $0xFFFF;
	s2 =	simm.s32 @!p0 $0x1C09  }
0x76: {  	[timem:s3], [sflag:s2] =	dma.local @!p0 [hbm:s0], s1  }
0x77: {  	s0 =	simm.s32 @!p0 $0x9  }
0x78: {  	_ =	swait.ge @!p0 [sflag:s0], s1  }
0x79: {  	s1 =	ssub.s32 @!p0 $0x0, s1;
	[sflag:s0] =	ssyncset.done @!p0 $0x0  }
0x7a: {  	[sflag:s0] =	ssyncadd.s32 @!p0 s1  }
0x7b: {  	[bflag:$0x3] =	sbarrier.arrive $0xFFFF  }
0x7c: {  	_ =	shalt  }

</sc_bundles>
